<compile_context>
chip_gen: v7x
topology: tpu7x:2x2x1
jax: 0.10.2.dev20260603
libtpu: 0.0.44.dev20260713+nightly
codegen_flags: <defaults>
</compile_context>

<pallas_src>
import functools

import jax
import jax.numpy as jnp
from jax import lax
from jax.experimental import pallas as pl
from jax.experimental.pallas import tpu as pltpu
from jax.experimental.pallas import tpu_sc as plsc

_N = 10000
_E = 320000
_D = 128
_C = 64
_NH = 4
_DH = 16
_EPS = 1e-8

_NC = 2
_NS = 16
_NW = _NC * _NS
_EPW = _E // _NW
_K = 128
_JCH = 79
_EPWP = _JCH * _K
_NS_ROWS = 632
_NPAD = _NS_ROWS * _NS



def _make_prop_body(with_deg):
  def body(table_hbm, src_hbm, dst_hbm, zeros_hbm, zeros1_hbm, ones_hbm,
           *rest):
    if with_deg:
      (out0, out1, deg0, deg1, src_c0, src_c1, dst_v, ones_v, rows0, rows1,
       acc, deg_acc, sem0, sem1, semi0, semi1, ss0, ss1, semd) = rest
    else:
      (out0, out1, src_c0, src_c1, dst_v, ones_v, rows0, rows1,
       acc, deg_acc, sem0, sem1, semi0, semi1, ss0, ss1, semd) = rest
    c = lax.axis_index("c")
    s = lax.axis_index("s")
    wid = s * _NC + c
    r0 = s * _NS_ROWS

    pltpu.sync_copy(zeros_hbm, acc.at[pl.ds(r0, _NS_ROWS)])
    if with_deg:
      for m in range(5):
        @pl.when(s + 16 * m < _JCH)
        def _():
          pltpu.sync_copy(zeros1_hbm,
                          deg_acc.at[pl.ds((s + 16 * m) * _K, _K)])
    pltpu.sync_copy(dst_hbm.at[wid], dst_v)
    pltpu.sync_copy(ones_hbm, ones_v)
    plsc.subcore_barrier()

    ibase = wid * _EPWP

    def load_idx(buf, sem, j):
      pltpu.async_copy(src_hbm.at[pl.ds(ibase + j * _K, _K)], buf, sem)

    def wait_idx(buf, sem, j):
      pltpu.make_async_copy(src_hbm.at[pl.ds(ibase + j * _K, _K)], buf,
                            sem).wait()

    def gather(ibuf, rbuf, sem):
      pltpu.async_copy(table_hbm.at[ibuf], rbuf, sem)

    def wait_gather(ibuf, rbuf, sem):
      pltpu.make_async_copy(table_hbm.at[ibuf], rbuf, sem).wait()

    def scatter(rbuf, ss, j):
      pltpu.async_copy(rbuf, acc.at[dst_v.at[j]], ss, add=True)
      if with_deg:
        pltpu.async_copy(ones_v, deg_acc.at[dst_v.at[j]], semd, add=True)

    def wait_scatter(rbuf, ss, j):
      pltpu.make_async_copy(rbuf, acc.at[dst_v.at[j]], ss).wait()

    pltpu.sync_copy(src_hbm.at[pl.ds(ibase, _K)], src_c0)
    gather(src_c0, rows0, sem0)
    pltpu.sync_copy(src_hbm.at[pl.ds(ibase + _K, _K)], src_c1)
    gather(src_c1, rows1, sem1)

    @pl.loop(0, _JCH - 4, step=2)
    def _(j):
      wait_gather(src_c0, rows0, sem0)
      load_idx(src_c0, semi0, j + 2)
      scatter(rows0, ss0, j)
      wait_gather(src_c1, rows1, sem1)
      load_idx(src_c1, semi1, j + 3)
      scatter(rows1, ss1, j + 1)
      wait_idx(src_c0, semi0, j + 2)
      wait_scatter(rows0, ss0, j)
      gather(src_c0, rows0, sem0)
      wait_idx(src_c1, semi1, j + 3)
      wait_scatter(rows1, ss1, j + 1)
      gather(src_c1, rows1, sem1)

    wait_gather(src_c0, rows0, sem0)
    load_idx(src_c0, semi0, _JCH - 1)
    scatter(rows0, ss0, _JCH - 3)
    wait_gather(src_c1, rows1, sem1)
    scatter(rows1, ss1, _JCH - 2)
    wait_idx(src_c0, semi0, _JCH - 1)
    wait_scatter(rows0, ss0, _JCH - 3)
    gather(src_c0, rows0, sem0)
    wait_gather(src_c0, rows0, sem0)
    scatter(rows0, ss0, _JCH - 1)
    wait_scatter(rows0, ss0, _JCH - 1)
    wait_scatter(rows1, ss1, _JCH - 2)

    if with_deg:
      @pl.loop(0, _JCH)
      def _(j):
        pltpu.make_async_copy(ones_v, deg_acc.at[dst_v.at[0]], semd).wait()

    plsc.subcore_barrier()

    @pl.when(c == 0)
    def _():
      pltpu.sync_copy(acc.at[pl.ds(r0, _NS_ROWS)],
                      out0.at[pl.ds(r0, _NS_ROWS)])
      if with_deg:
        for m in range(5):
          @pl.when(s + 16 * m < _JCH)
          def _():
            d0s = (s + 16 * m) * _K
            pltpu.sync_copy(deg_acc.at[pl.ds(d0s, _K)],
                            deg0.at[pl.ds(d0s, _K)])

    @pl.when(c == 1)
    def _():
      pltpu.sync_copy(acc.at[pl.ds(r0, _NS_ROWS)],
                      out1.at[pl.ds(r0, _NS_ROWS)])
      if with_deg:
        for m in range(5):
          @pl.when(s + 16 * m < _JCH)
          def _():
            d1s = (s + 16 * m) * _K
            pltpu.sync_copy(deg_acc.at[pl.ds(d1s, _K)],
                            deg1.at[pl.ds(d1s, _K)])

  return body


@functools.lru_cache(maxsize=None)
def _get_prop_call(with_deg):
  outs = [jax.ShapeDtypeStruct((_NPAD, _D), jnp.float32),
          jax.ShapeDtypeStruct((_NPAD, _D), jnp.float32)]
  if with_deg:
    outs += [jax.ShapeDtypeStruct((_NPAD,), jnp.float32),
             jax.ShapeDtypeStruct((_NPAD,), jnp.float32)]
  return pl.kernel(
      _make_prop_body(with_deg),
      out_type=tuple(outs),
      mesh=plsc.VectorSubcoreMesh(core_axis_name="c", subcore_axis_name="s",
                                  num_cores=_NC, num_subcores=_NS),
      scratch_types=(
          pltpu.VMEM((_K,), jnp.int32),
          pltpu.VMEM((_K,), jnp.int32),
          pltpu.VMEM((_JCH, _K), jnp.int32),
          pltpu.VMEM((_K,), jnp.float32),
          pltpu.VMEM((_K, _D), jnp.float32),
          pltpu.VMEM((_K, _D), jnp.float32),
          pltpu.VMEM_SHARED((_NPAD, _D), jnp.float32),
          pltpu.VMEM_SHARED((_NPAD,), jnp.float32),
          pltpu.SemaphoreType.DMA,
          pltpu.SemaphoreType.DMA,
          pltpu.SemaphoreType.DMA,
          pltpu.SemaphoreType.DMA,
          pltpu.SemaphoreType.DMA,
          pltpu.SemaphoreType.DMA,
          pltpu.SemaphoreType.DMA,
      ),
      name="sc_segment_sum",
  )



def _mm(a, b):
  return lax.dot_general(a, b, (((1,), (0,)), ((), ())),
                         preferred_element_type=jnp.float32)


def _minmax(h):
  mn = jnp.min(h, axis=1, keepdims=True)
  mx = jnp.max(h, axis=1, keepdims=True)
  return (h - mn) / (mx - mn + _EPS)


def _log_softmax(z):
  m = jnp.max(z, axis=1, keepdims=True)
  zm = z - m
  return zm - jnp.log(jnp.sum(jnp.exp(zm), axis=1, keepdims=True))


def _combine_prop(p0, p1, d0, d1):
  deg = jnp.maximum(d0 + d1, 1.0)
  return (p0 + p1) / deg


def _stage_a0_body(x_ref, xn_ref):
  xn_ref[...] = _minmax(x_ref[...])


def _stage_a1_body(xn_ref, wfct_ref, bfc_ref, w31_ref, w32_ref, w41_ref,
                   w42_ref, xr_ref, out2_ref, out3_ref):
  xn = xn_ref[...]
  xr = _mm(xn, wfct_ref[...]) + bfc_ref[...]
  xr_ref[...] = xr
  h2 = jnp.maximum(_minmax(_mm(xn, w31_ref[...])), 0.0)
  out2_ref[...] = _log_softmax(_mm(0.5 * h2 + 0.5 * xr, w32_ref[...]))
  h3 = jnp.maximum(_minmax(_mm(jnp.tanh(xn), w41_ref[...])), 0.0)
  out3_ref[...] = _log_softmax(_mm(jnp.tanh(0.5 * h3 + 0.5 * xr),
                                   w42_ref[...]))


def _stage_b_body(p0_ref, p1_ref, dg0_ref, dg1_ref, xn_ref, w21_ref, h_ref):
  pr = _combine_prop(p0_ref[...], p1_ref[...], dg0_ref[...], dg1_ref[...])
  xn = xn_ref[...]
  h_ref[...] = jnp.maximum(_minmax(_mm(0.5 * pr + 0.5 * xn, w21_ref[...])),
                           0.0)


def _stage_c_body(p0_ref, p1_ref, dg0_ref, dg1_ref, xr_ref, out2_ref,
                  out3_ref, w22_ref, wqt_ref, wkt_ref, wvt_ref, bq_ref,
                  bk_ref, bv_ref, wot_ref, bo_ref, out_ref):
  pr = _combine_prop(p0_ref[...], p1_ref[...], dg0_ref[...], dg1_ref[...])
  x1 = _log_softmax(_mm(0.5 * pr + 0.5 * xr_ref[...], w22_ref[...]))
  xs = (x1, out2_ref[...], out3_ref[...])

  ci = lax.broadcasted_iota(jnp.int32, (_C, _NH), 0) // _DH
  hi = lax.broadcasted_iota(jnp.int32, (_C, _NH), 1)
  S = (ci == hi).astype(jnp.float32)
  hi2 = lax.broadcasted_iota(jnp.int32, (_NH, _C), 0)
  ci2 = lax.broadcasted_iota(jnp.int32, (_NH, _C), 1) // _DH
  ST = (hi2 == ci2).astype(jnp.float32)

  q = [_mm(t, wqt_ref[...]) + bq_ref[...] for t in xs]
  k = [_mm(t, wkt_ref[...]) + bk_ref[...] for t in xs]
  v = [_mm(t, wvt_ref[...]) + bv_ref[...] for t in xs]

  acc = None
  for l1 in range(3):
    lg = [_mm(q[l1] * k[l2], S) * 0.25 for l2 in range(3)]
    m = jnp.maximum(jnp.maximum(lg[0], lg[1]), lg[2])
    e = [jnp.exp(t - m) for t in lg]
    den = e[0] + e[1] + e[2]
    o = None
    for l2 in range(3):
      contrib = _mm(e[l2] / den, ST) * v[l2]
      o = contrib if o is None else o + contrib
    y = _mm(o, wot_ref[...]) + bo_ref[...]
    acc = y if acc is None else acc + y

  out_ref[...] = _log_softmax(acc * (1.0 / 3.0))


def _full(shape):
  return pl.BlockSpec(shape, lambda i: (0,) * len(shape))


def _rows(block, width):
  return pl.BlockSpec((block, width), lambda i: (i, 0))


_BA = 632
_BC = 400

_stage_a0 = pl.pallas_call(
    _stage_a0_body,
    grid=(_NPAD // _BA,),
    in_specs=[_rows(_BA, _D)],
    out_specs=_rows(_BA, _D),
    out_shape=jax.ShapeDtypeStruct((_NPAD, _D), jnp.float32),
)

_stage_a1 = pl.pallas_call(
    _stage_a1_body,
    grid=(_NPAD // _BA,),
    in_specs=[_rows(_BA, _D), _full((_D, _D)), _full((1, _D)),
              _full((_D, _D)), _full((_D, _C)), _full((_D, _D)),
              _full((_D, _C))],
    out_specs=[_rows(_BA, _D), _rows(_BA, _C), _rows(_BA, _C)],
    out_shape=[jax.ShapeDtypeStruct((_NPAD, _D), jnp.float32),
               jax.ShapeDtypeStruct((_NPAD, _C), jnp.float32),
               jax.ShapeDtypeStruct((_NPAD, _C), jnp.float32)],
)

_stage_b = pl.pallas_call(
    _stage_b_body,
    grid=(_NPAD // _BA,),
    in_specs=[_rows(_BA, _D), _rows(_BA, _D), _rows(_BA, 1), _rows(_BA, 1),
              _rows(_BA, _D), _full((_D, _D))],
    out_specs=_rows(_BA, _D),
    out_shape=jax.ShapeDtypeStruct((_NPAD, _D), jnp.float32),
)

_stage_c = pl.pallas_call(
    _stage_c_body,
    grid=(_N // _BC,),
    in_specs=[_rows(_BC, _D), _rows(_BC, _D), _rows(_BC, 1), _rows(_BC, 1),
              _rows(_BC, _D), _rows(_BC, _C), _rows(_BC, _C),
              _full((_D, _C)), _full((_C, _C)), _full((_C, _C)),
              _full((_C, _C)), _full((1, _C)), _full((1, _C)),
              _full((1, _C)), _full((_C, _C)), _full((1, _C))],
    out_specs=_rows(_BC, _C),
    out_shape=jax.ShapeDtypeStruct((_N, _C), jnp.float32),
)


def kernel(x, adjs, W2_1, W2_2, W3_1, W3_2, W4_1, W4_2, Wfc, bfc, Wqkv,
           bqkv, Wo, bo):
  x_pad = jnp.pad(x, ((0, _NPAD - _N), (0, 0)))
  pad_e = _EPWP - _EPW
  src1 = jnp.pad(adjs[0].reshape(_NW, _EPW),
                 ((0, 0), (0, pad_e))).reshape(_NW * _EPWP)
  dst3 = jnp.pad(adjs[1].reshape(_NW, _EPW), ((0, 0), (0, pad_e)),
                 constant_values=_NPAD - 1).reshape(_NW, _JCH, _K)
  zeros = jnp.zeros((_NS_ROWS, _D), jnp.float32)
  zeros1 = jnp.zeros((_K,), jnp.float32)
  ones1 = jnp.ones((_K,), jnp.float32)

  wfct = Wfc.T
  bfc2 = bfc.reshape(1, _D)
  wqt = Wqkv[:_C].T
  wkt = Wqkv[_C:2 * _C].T
  wvt = Wqkv[2 * _C:].T
  bq = bqkv[:_C].reshape(1, _C)
  bk = bqkv[_C:2 * _C].reshape(1, _C)
  bv = bqkv[2 * _C:].reshape(1, _C)
  wot = Wo.T
  bo2 = bo.reshape(1, _C)

  xn = _stage_a0(x_pad)
  p0, p1, dga0, dga1 = _get_prop_call(True)(xn, src1, dst3, zeros, zeros1,
                                            ones1)
  xr, out2, out3 = _stage_a1(xn, wfct, bfc2, W3_1, W3_2, W4_1, W4_2)
  dg0 = dga0.reshape(_NPAD, 1)
  dg1 = dga1.reshape(_NPAD, 1)
  h = _stage_b(p0, p1, dg0, dg1, xn, W2_1)
  q0, q1 = _get_prop_call(False)(h, src1, dst3, zeros, zeros1, ones1)
  return _stage_c(q0, q1, dg0, dg1,
                  xr, out2, out3, W2_2, wqt, wkt, wvt, bq, bk, bv, wot, bo2)

# --- scband reference (transcript-rebuilt; emitter-appended) ---
"""Pipeline reference for scband-gnnmodel-91319594647969 (READ-ONLY COPY).

The authoritative reference and input builder live on the scoring server;
editing this copy changes nothing except your own understanding.
"""

import jax, jax.numpy as jnp
import numpy as np

N = 10000
E = 320000
D_IN = 128
D_HID = 128
N_CLS = 64
N_HEADS = 4
ALPHA = 0.5
BETA = 0.5
RHO = 0.5
SCALE = 1.0
EPS = 1e-8


def _w(k, shape, fan_in):
    return (jax.random.normal(k, shape, dtype=jnp.float32) / np.sqrt(fan_in)).astype(jnp.float32)


def setup_inputs(seed: int = 0) -> dict:
    key = jax.random.key(seed)
    ks = jax.random.split(key, 16)
    inp = {}
    inp['x'] = jax.random.normal(ks[0], (N, D_IN), dtype=jnp.float32)
    inp['adjs'] = jax.random.randint(ks[1], (2, E), 0, N, dtype=jnp.int32)
    # GNN layer weights
    inp['W2_1'] = _w(ks[2], (D_IN, D_HID), D_IN)
    inp['W2_2'] = _w(ks[3], (D_HID, N_CLS), D_HID)
    inp['W3_1'] = _w(ks[4], (D_IN, D_HID), D_IN)
    inp['W3_2'] = _w(ks[5], (D_HID, N_CLS), D_HID)
    inp['W4_1'] = _w(ks[6], (D_IN, D_HID), D_IN)
    inp['W4_2'] = _w(ks[7], (D_HID, N_CLS), D_HID)
    # fc: Linear(in_features, hidden_features)
    inp['Wfc'] = _w(ks[8], (D_HID, D_IN), D_IN)
    inp['bfc'] = jnp.zeros((D_HID,), dtype=jnp.float32)
    # MultiheadAttention (embed_dim = N_CLS)
    inp['Wqkv'] = _w(ks[9], (3 * N_CLS, N_CLS), N_CLS)
    inp['bqkv'] = jnp.zeros((3 * N_CLS,), dtype=jnp.float32)
    inp['Wo'] = _w(ks[10], (N_CLS, N_CLS), N_CLS)
    inp['bo'] = jnp.zeros((N_CLS,), dtype=jnp.float32)
    return inp


def _minmax(h):
    mn = h.min(axis=1, keepdims=True)
    mx = h.max(axis=1, keepdims=True)
    return (h - mn) / (mx - mn + EPS)


def _mha(xseq, Wqkv, bqkv, Wo, bo):
    L, B, C = xseq.shape
    dh = C // N_HEADS
    qkv = xseq @ Wqkv.T + bqkv
    q, k, v = jnp.split(qkv, 3, axis=-1)
    def rs(t):
        return t.reshape(L, B, N_HEADS, dh).transpose(1, 2, 0, 3)
    q, k, v = rs(q), rs(k), rs(v)
    attn = jax.nn.softmax((q @ k.transpose(0, 1, 3, 2)) / np.sqrt(dh), axis=-1)
    o = (attn @ v).transpose(2, 0, 1, 3).reshape(L, B, C)
    return o @ Wo.T + bo


def reference(x, adjs, W2_1, W2_2, W3_1, W3_2, W4_1, W4_2, Wfc, bfc, Wqkv, bqkv, Wo, bo):
    src = adjs[0]
    dst = adjs[1]

    def prop(h):
        agg = jax.ops.segment_sum(h[src], dst, num_segments=N)
        deg = jax.ops.segment_sum(jnp.ones((E,), jnp.float32), dst, num_segments=N)
        return agg / jnp.clip(deg, 1.0)[:, None]

    def layer2(h, h0, W):
        return SCALE * ((ALPHA * prop(h) + BETA * h0) @ W)

    def layer3(h, h0, W):
        return SCALE * ((RHO * h + (1.0 - RHO) * h0) @ W)

    def layer4(h, h0, W):
        return SCALE * (jnp.tanh(ALPHA * h + BETA * h0) @ W)

    xn = _minmax(x)

    out1 = layer2(xn, xn, W2_1)
    out1 = jax.nn.relu(_minmax(out1))
    Xr = xn @ Wfc.T + bfc  # dropout is identity at eval
    out1 = layer2(out1, Xr, W2_2)
    out1 = jax.nn.log_softmax(out1, axis=1)

    out2 = layer3(xn, xn, W3_1)
    out2 = jax.nn.relu(_minmax(out2))
    out2 = layer3(out2, Xr, W3_2)
    out2 = jax.nn.log_softmax(out2, axis=1)

    out3 = layer4(xn, xn, W4_1)
    out3 = jax.nn.relu(_minmax(out3))
    out3 = layer4(out3, Xr, W4_2)
    out3 = jax.nn.log_softmax(out3, axis=1)

    gnn_outputs = jnp.stack([out1, out2, out3], axis=0)  # [3, N, C]
    attn_output = _mha(gnn_outputs, Wqkv, bqkv, Wo, bo)
    attn_output = attn_output.mean(axis=0)
    return jax.nn.log_softmax(attn_output, axis=1)

if __name__ == "__main__":
    import jax
    _d = setup_inputs()
    print(jax.jit(kernel)(*tuple(_d.values())))

</pallas_src>

<mosaic_0001>
#map = affine_map<(d0, d1) -> (0, 0)>
#map1 = affine_map<(d0, d1) -> (0)>
#map2 = affine_map<(d0, d1) -> (0, 0, 0)>
module attributes {stable_mosaic.version = 14 : i64} {
  func.func @sc_segment_sum(%arg0: i32, %arg1: i32, %arg2: memref<10112x128xf32, #tpu.memory_space<hbm>>, %arg3: memref<323584xi32, #tpu.memory_space<hbm>>, %arg4: memref<32x79x128xi32, #tpu.memory_space<hbm>>, %arg5: memref<632x128xf32, #tpu.memory_space<hbm>>, %arg6: memref<128xf32, #tpu.memory_space<hbm>>, %arg7: memref<128xf32, #tpu.memory_space<hbm>>, %arg8: memref<10112x128xf32, #tpu.memory_space<hbm>>, %arg9: memref<10112x128xf32, #tpu.memory_space<hbm>>, %arg10: memref<10112xf32, #tpu.memory_space<hbm>>, %arg11: memref<10112xf32, #tpu.memory_space<hbm>>, %arg12: memref<128xi32, #tpu.memory_space<vmem>>, %arg13: memref<128xi32, #tpu.memory_space<vmem>>, %arg14: memref<79x128xi32, #tpu.memory_space<vmem>>, %arg15: memref<128xf32, #tpu.memory_space<vmem>>, %arg16: memref<128x128xf32, #tpu.memory_space<vmem>>, %arg17: memref<128x128xf32, #tpu.memory_space<vmem>>, %arg18: memref<10112x128xf32, #tpu.memory_space<vmem_shared>>, %arg19: memref<10112xf32, #tpu.memory_space<vmem_shared>>, %arg20: memref<!tpu.dma_semaphore, #tpu.memory_space<semaphore_mem>>, %arg21: memref<!tpu.dma_semaphore, #tpu.memory_space<semaphore_mem>>, %arg22: memref<!tpu.dma_semaphore, #tpu.memory_space<semaphore_mem>>, %arg23: memref<!tpu.dma_semaphore, #tpu.memory_space<semaphore_mem>>, %arg24: memref<!tpu.dma_semaphore, #tpu.memory_space<semaphore_mem>>, %arg25: memref<!tpu.dma_semaphore, #tpu.memory_space<semaphore_mem>>, %arg26: memref<!tpu.dma_semaphore, #tpu.memory_space<semaphore_mem>>) attributes {dimension_semantics = [#tpu.dimension_semantics<core_parallel>, #tpu.dimension_semantics<subcore_parallel>], iteration_bounds = array<i64: 2, 16>, scalar_prefetch = 0 : i64, scratch_operands = 15 : i64, tpu.core_type = #tpu.core_type<sc_vector_subcore>, window_params = [{transform_indices = #map}, {transform_indices = #map1}, {transform_indices = #map2}, {transform_indices = #map}, {transform_indices = #map1}, {transform_indices = #map1}, {transform_indices = #map}, {transform_indices = #map}, {transform_indices = #map1}, {transform_indices = #map1}]} {
    %mul3A = arith.constant 2 : i32
    %mul3A_0 = arith.muli %arg1, %mul3A : i32
    %add3A = arith.addi %mul3A_0, %arg0 : i32
    %mul3A_1 = arith.constant 632 : i32
    %mul3A_2 = arith.muli %arg1, %mul3A_1 : i32
    "tpu.region"() ({
      %run_scoped3A = tpu.sem_alloc : memref<!tpu.dma_semaphore, #tpu.memory_space<semaphore_mem>>
      %dma_start3A_142 = arith.constant 0 : i32
      %dma_start3A_143 = tpu.memref_slice %arg18[%mul3A_2, %dma_start3A_142] : memref<10112x128xf32, #tpu.memory_space<vmem_shared>> -> memref<632x128xf32, #tpu.memory_space<vmem_shared>>
      tpu.enqueue_dma source(%arg5 : memref<632x128xf32, #tpu.memory_space<hbm>>) target(%dma_start3A_143 : memref<632x128xf32, #tpu.memory_space<vmem_shared>>) target_semaphore(%run_scoped3A : memref<!tpu.dma_semaphore, #tpu.memory_space<semaphore_mem>>)
      %dma_wait3A_144 = arith.constant 0 : i32
      %dma_wait3A_145 = tpu.memref_slice %arg18[%mul3A_2, %dma_wait3A_144] : memref<10112x128xf32, #tpu.memory_space<vmem_shared>> -> memref<632x128xf32, #tpu.memory_space<vmem_shared>>
      tpu.wait_dma2 semaphore(%run_scoped3A : memref<!tpu.dma_semaphore, #tpu.memory_space<semaphore_mem>>) src(%arg5 : memref<632x128xf32, #tpu.memory_space<hbm>>) dst(%dma_wait3A_145 : memref<632x128xf32, #tpu.memory_space<vmem_shared>>)
      tpu.yield
    }) : () -> ()
    %add3A_3 = arith.constant 0 : i32
    %add3A_4 = arith.addi %arg1, %add3A_3 : i32
    %lt3A = arith.constant 79 : i32
    %lt3A_5 = arith.cmpi slt, %add3A_4, %lt3A : i32
    %convert_element_type3A = arith.extui %lt3A_5 : i1 to i32
    %cond3A = arith.constant 0 : i32
    %cond3A_6 = arith.cmpi ne, %convert_element_type3A, %cond3A : i32
    scf.if %cond3A_6 {
      %add3A_142 = arith.constant 0 : i32
      %add3A_143 = arith.addi %arg1, %add3A_142 : i32
      %mul3A_144 = arith.constant 128 : i32
      %mul3A_145 = arith.muli %add3A_143, %mul3A_144 : i32
      "tpu.region"() ({
        %run_scoped3A = tpu.sem_alloc : memref<!tpu.dma_semaphore, #tpu.memory_space<semaphore_mem>>
        %dma_start3A_146 = tpu.memref_slice %arg19[%mul3A_145] : memref<10112xf32, #tpu.memory_space<vmem_shared>> -> memref<128xf32, #tpu.memory_space<vmem_shared>>
        tpu.enqueue_dma source(%arg6 : memref<128xf32, #tpu.memory_space<hbm>>) target(%dma_start3A_146 : memref<128xf32, #tpu.memory_space<vmem_shared>>) target_semaphore(%run_scoped3A : memref<!tpu.dma_semaphore, #tpu.memory_space<semaphore_mem>>)
        %dma_wait3A_147 = tpu.memref_slice %arg19[%mul3A_145] : memref<10112xf32, #tpu.memory_space<vmem_shared>> -> memref<128xf32, #tpu.memory_space<vmem_shared>>
        tpu.wait_dma2 semaphore(%run_scoped3A : memref<!tpu.dma_semaphore, #tpu.memory_space<semaphore_mem>>) src(%arg6 : memref<128xf32, #tpu.memory_space<hbm>>) dst(%dma_wait3A_147 : memref<128xf32, #tpu.memory_space<vmem_shared>>)
        tpu.yield
      }) : () -> ()
    } else {
    }
    %add3A_7 = arith.constant 16 : i32
    %add3A_8 = arith.addi %arg1, %add3A_7 : i32
    %lt3A_9 = arith.constant 79 : i32
    %lt3A_10 = arith.cmpi slt, %add3A_8, %lt3A_9 : i32
    %convert_element_type3A_11 = arith.extui %lt3A_10 : i1 to i32
    %cond3A_12 = arith.constant 0 : i32
    %cond3A_13 = arith.cmpi ne, %convert_element_type3A_11, %cond3A_12 : i32
    scf.if %cond3A_13 {
      %add3A_142 = arith.constant 16 : i32
      %add3A_143 = arith.addi %arg1, %add3A_142 : i32
      %mul3A_144 = arith.constant 128 : i32
      %mul3A_145 = arith.muli %add3A_143, %mul3A_144 : i32
      "tpu.region"() ({
        %run_scoped3A = tpu.sem_alloc : memref<!tpu.dma_semaphore, #tpu.memory_space<semaphore_mem>>
        %dma_start3A_146 = tpu.memref_slice %arg19[%mul3A_145] : memref<10112xf32, #tpu.memory_space<vmem_shared>> -> memref<128xf32, #tpu.memory_space<vmem_shared>>
        tpu.enqueue_dma source(%arg6 : memref<128xf32, #tpu.memory_space<hbm>>) target(%dma_start3A_146 : memref<128xf32, #tpu.memory_space<vmem_shared>>) target_semaphore(%run_scoped3A : memref<!tpu.dma_semaphore, #tpu.memory_space<semaphore_mem>>)
        %dma_wait3A_147 = tpu.memref_slice %arg19[%mul3A_145] : memref<10112xf32, #tpu.memory_space<vmem_shared>> -> memref<128xf32, #tpu.memory_space<vmem_shared>>
        tpu.wait_dma2 semaphore(%run_scoped3A : memref<!tpu.dma_semaphore, #tpu.memory_space<semaphore_mem>>) src(%arg6 : memref<128xf32, #tpu.memory_space<hbm>>) dst(%dma_wait3A_147 : memref<128xf32, #tpu.memory_space<vmem_shared>>)
        tpu.yield
      }) : () -> ()
    } else {
    }
    %add3A_14 = arith.constant 32 : i32
    %add3A_15 = arith.addi %arg1, %add3A_14 : i32
    %lt3A_16 = arith.constant 79 : i32
    %lt3A_17 = arith.cmpi slt, %add3A_15, %lt3A_16 : i32
    %convert_element_type3A_18 = arith.extui %lt3A_17 : i1 to i32
    %cond3A_19 = arith.constant 0 : i32
    %cond3A_20 = arith.cmpi ne, %convert_element_type3A_18, %cond3A_19 : i32
    scf.if %cond3A_20 {
      %add3A_142 = arith.constant 32 : i32
      %add3A_143 = arith.addi %arg1, %add3A_142 : i32
      %mul3A_144 = arith.constant 128 : i32
      %mul3A_145 = arith.muli %add3A_143, %mul3A_144 : i32
      "tpu.region"() ({
        %run_scoped3A = tpu.sem_alloc : memref<!tpu.dma_semaphore, #tpu.memory_space<semaphore_mem>>
        %dma_start3A_146 = tpu.memref_slice %arg19[%mul3A_145] : memref<10112xf32, #tpu.memory_space<vmem_shared>> -> memref<128xf32, #tpu.memory_space<vmem_shared>>
        tpu.enqueue_dma source(%arg6 : memref<128xf32, #tpu.memory_space<hbm>>) target(%dma_start3A_146 : memref<128xf32, #tpu.memory_space<vmem_shared>>) target_semaphore(%run_scoped3A : memref<!tpu.dma_semaphore, #tpu.memory_space<semaphore_mem>>)
        %dma_wait3A_147 = tpu.memref_slice %arg19[%mul3A_145] : memref<10112xf32, #tpu.memory_space<vmem_shared>> -> memref<128xf32, #tpu.memory_space<vmem_shared>>
        tpu.wait_dma2 semaphore(%run_scoped3A : memref<!tpu.dma_semaphore, #tpu.memory_space<semaphore_mem>>) src(%arg6 : memref<128xf32, #tpu.memory_space<hbm>>) dst(%dma_wait3A_147 : memref<128xf32, #tpu.memory_space<vmem_shared>>)
        tpu.yield
      }) : () -> ()
    } else {
    }
    %add3A_21 = arith.constant 48 : i32
    %add3A_22 = arith.addi %arg1, %add3A_21 : i32
    %lt3A_23 = arith.constant 79 : i32
    %lt3A_24 = arith.cmpi slt, %add3A_22, %lt3A_23 : i32
    %convert_element_type3A_25 = arith.extui %lt3A_24 : i1 to i32
    %cond3A_26 = arith.constant 0 : i32
    %cond3A_27 = arith.cmpi ne, %convert_element_type3A_25, %cond3A_26 : i32
    scf.if %cond3A_27 {
      %add3A_142 = arith.constant 48 : i32
      %add3A_143 = arith.addi %arg1, %add3A_142 : i32
      %mul3A_144 = arith.constant 128 : i32
      %mul3A_145 = arith.muli %add3A_143, %mul3A_144 : i32
      "tpu.region"() ({
        %run_scoped3A = tpu.sem_alloc : memref<!tpu.dma_semaphore, #tpu.memory_space<semaphore_mem>>
        %dma_start3A_146 = tpu.memref_slice %arg19[%mul3A_145] : memref<10112xf32, #tpu.memory_space<vmem_shared>> -> memref<128xf32, #tpu.memory_space<vmem_shared>>
        tpu.enqueue_dma source(%arg6 : memref<128xf32, #tpu.memory_space<hbm>>) target(%dma_start3A_146 : memref<128xf32, #tpu.memory_space<vmem_shared>>) target_semaphore(%run_scoped3A : memref<!tpu.dma_semaphore, #tpu.memory_space<semaphore_mem>>)
        %dma_wait3A_147 = tpu.memref_slice %arg19[%mul3A_145] : memref<10112xf32, #tpu.memory_space<vmem_shared>> -> memref<128xf32, #tpu.memory_space<vmem_shared>>
        tpu.wait_dma2 semaphore(%run_scoped3A : memref<!tpu.dma_semaphore, #tpu.memory_space<semaphore_mem>>) src(%arg6 : memref<128xf32, #tpu.memory_space<hbm>>) dst(%dma_wait3A_147 : memref<128xf32, #tpu.memory_space<vmem_shared>>)
        tpu.yield
      }) : () -> ()
    } else {
    }
    %add3A_28 = arith.constant 64 : i32
    %add3A_29 = arith.addi %arg1, %add3A_28 : i32
    %lt3A_30 = arith.constant 79 : i32
    %lt3A_31 = arith.cmpi slt, %add3A_29, %lt3A_30 : i32
    %convert_element_type3A_32 = arith.extui %lt3A_31 : i1 to i32
    %cond3A_33 = arith.constant 0 : i32
    %cond3A_34 = arith.cmpi ne, %convert_element_type3A_32, %cond3A_33 : i32
    scf.if %cond3A_34 {
      %add3A_142 = arith.constant 64 : i32
      %add3A_143 = arith.addi %arg1, %add3A_142 : i32
      %mul3A_144 = arith.constant 128 : i32
      %mul3A_145 = arith.muli %add3A_143, %mul3A_144 : i32
      "tpu.region"() ({
        %run_scoped3A = tpu.sem_alloc : memref<!tpu.dma_semaphore, #tpu.memory_space<semaphore_mem>>
        %dma_start3A_146 = tpu.memref_slice %arg19[%mul3A_145] : memref<10112xf32, #tpu.memory_space<vmem_shared>> -> memref<128xf32, #tpu.memory_space<vmem_shared>>
        tpu.enqueue_dma source(%arg6 : memref<128xf32, #tpu.memory_space<hbm>>) target(%dma_start3A_146 : memref<128xf32, #tpu.memory_space<vmem_shared>>) target_semaphore(%run_scoped3A : memref<!tpu.dma_semaphore, #tpu.memory_space<semaphore_mem>>)
        %dma_wait3A_147 = tpu.memref_slice %arg19[%mul3A_145] : memref<10112xf32, #tpu.memory_space<vmem_shared>> -> memref<128xf32, #tpu.memory_space<vmem_shared>>
        tpu.wait_dma2 semaphore(%run_scoped3A : memref<!tpu.dma_semaphore, #tpu.memory_space<semaphore_mem>>) src(%arg6 : memref<128xf32, #tpu.memory_space<hbm>>) dst(%dma_wait3A_147 : memref<128xf32, #tpu.memory_space<vmem_shared>>)
        tpu.yield
      }) : () -> ()
    } else {
    }
    "tpu.region"() ({
      %run_scoped3A = tpu.sem_alloc : memref<!tpu.dma_semaphore, #tpu.memory_space<semaphore_mem>>
      %dma_start3A_142 = arith.constant 0 : i32
      %dma_start3A_143 = arith.constant 0 : i32
      %dma_start3A_144 = tpu.memref_slice %arg4[%add3A, %dma_start3A_142, %dma_start3A_143] : memref<32x79x128xi32, #tpu.memory_space<hbm>> -> memref<1x79x128xi32, #tpu.memory_space<hbm>>
      %dma_start3A_145 = tpu.memref_squeeze %dma_start3A_144 : memref<1x79x128xi32, #tpu.memory_space<hbm>> -> memref<79x128xi32, #tpu.memory_space<hbm>>
      %dma_start3A_146 = arith.constant 0 : i32
      %dma_start3A_147 = arith.constant 0 : i32
      %dma_start3A_148 = tpu.memref_slice %arg4[%add3A, %dma_start3A_146, %dma_start3A_147] : memref<32x79x128xi32, #tpu.memory_space<hbm>> -> memref<1x79x128xi32, #tpu.memory_space<hbm>>
      %dma_start3A_149 = tpu.memref_squeeze %dma_start3A_148 : memref<1x79x128xi32, #tpu.memory_space<hbm>> -> memref<79x128xi32, #tpu.memory_space<hbm>>
      tpu.enqueue_dma source(%dma_start3A_149 : memref<79x128xi32, #tpu.memory_space<hbm>>) target(%arg14 : memref<79x128xi32, #tpu.memory_space<vmem>>) target_semaphore(%run_scoped3A : memref<!tpu.dma_semaphore, #tpu.memory_space<semaphore_mem>>)
      %dma_wait3A_150 = arith.constant 0 : i32
      %dma_wait3A_151 = arith.constant 0 : i32
      %dma_wait3A_152 = tpu.memref_slice %arg4[%add3A, %dma_wait3A_150, %dma_wait3A_151] : memref<32x79x128xi32, #tpu.memory_space<hbm>> -> memref<1x79x128xi32, #tpu.memory_space<hbm>>
      %dma_wait3A_153 = tpu.memref_squeeze %dma_wait3A_152 : memref<1x79x128xi32, #tpu.memory_space<hbm>> -> memref<79x128xi32, #tpu.memory_space<hbm>>
      %dma_wait3A_154 = arith.constant 0 : i32
      %dma_wait3A_155 = arith.constant 0 : i32
      %dma_wait3A_156 = tpu.memref_slice %arg4[%add3A, %dma_wait3A_154, %dma_wait3A_155] : memref<32x79x128xi32, #tpu.memory_space<hbm>> -> memref<1x79x128xi32, #tpu.memory_space<hbm>>
      %dma_wait3A_157 = tpu.memref_squeeze %dma_wait3A_156 : memref<1x79x128xi32, #tpu.memory_space<hbm>> -> memref<79x128xi32, #tpu.memory_space<hbm>>
      tpu.wait_dma2 semaphore(%run_scoped3A : memref<!tpu.dma_semaphore, #tpu.memory_space<semaphore_mem>>) src(%dma_wait3A_157 : memref<79x128xi32, #tpu.memory_space<hbm>>) dst(%arg14 : memref<79x128xi32, #tpu.memory_space<vmem>>)
      tpu.yield
    }) : () -> ()
    "tpu.region"() ({
      %run_scoped3A = tpu.sem_alloc : memref<!tpu.dma_semaphore, #tpu.memory_space<semaphore_mem>>
      tpu.enqueue_dma source(%arg7 : memref<128xf32, #tpu.memory_space<hbm>>) target(%arg15 : memref<128xf32, #tpu.memory_space<vmem>>) target_semaphore(%run_scoped3A : memref<!tpu.dma_semaphore, #tpu.memory_space<semaphore_mem>>)
      tpu.wait_dma2 semaphore(%run_scoped3A : memref<!tpu.dma_semaphore, #tpu.memory_space<semaphore_mem>>) src(%arg7 : memref<128xf32, #tpu.memory_space<hbm>>) dst(%arg15 : memref<128xf32, #tpu.memory_space<vmem>>)
      tpu.yield
    }) : () -> ()
    %barrier3A = arith.constant 0 : index
    tpu.barrier barrier_id(%barrier3A)
    %mul3A_35 = arith.constant 10112 : i32
    %mul3A_36 = arith.muli %add3A, %mul3A_35 : i32
    "tpu.region"() ({
      %run_scoped3A = tpu.sem_alloc : memref<!tpu.dma_semaphore, #tpu.memory_space<semaphore_mem>>
      %dma_start3A_142 = tpu.memref_slice %arg3[%mul3A_36] : memref<323584xi32, #tpu.memory_space<hbm>> -> memref<128xi32, #tpu.memory_space<hbm>>
      %dma_start3A_143 = tpu.memref_slice %arg3[%mul3A_36] : memref<323584xi32, #tpu.memory_space<hbm>> -> memref<128xi32, #tpu.memory_space<hbm>>
      tpu.enqueue_dma source(%dma_start3A_143 : memref<128xi32, #tpu.memory_space<hbm>>) target(%arg12 : memref<128xi32, #tpu.memory_space<vmem>>) target_semaphore(%run_scoped3A : memref<!tpu.dma_semaphore, #tpu.memory_space<semaphore_mem>>)
      %dma_wait3A_144 = tpu.memref_slice %arg3[%mul3A_36] : memref<323584xi32, #tpu.memory_space<hbm>> -> memref<128xi32, #tpu.memory_space<hbm>>
      %dma_wait3A_145 = tpu.memref_slice %arg3[%mul3A_36] : memref<323584xi32, #tpu.memory_space<hbm>> -> memref<128xi32, #tpu.memory_space<hbm>>
      tpu.wait_dma2 semaphore(%run_scoped3A : memref<!tpu.dma_semaphore, #tpu.memory_space<semaphore_mem>>) src(%dma_wait3A_145 : memref<128xi32, #tpu.memory_space<hbm>>) dst(%arg12 : memref<128xi32, #tpu.memory_space<vmem>>)
      tpu.yield
    }) : () -> ()
    %dma_start3A = arith.constant 0 : i32
    %dma_start3A_37 = arith.constant 0 : i32
    %dma_start3A_38 = tpu.memref_slice %arg2[%dma_start3A, %dma_start3A_37] : memref<10112x128xf32, #tpu.memory_space<hbm>> -> memref<10112x128xf32, #tpu.memory_space<hbm>>
    tpu.enqueue_indirect_dma source(%dma_start3A_38 : memref<10112x128xf32, #tpu.memory_space<hbm>>) target(%arg16 : memref<128x128xf32, #tpu.memory_space<vmem>>) offsets(%arg12 : memref<128xi32, #tpu.memory_space<vmem>>) semaphore(%arg20 : memref<!tpu.dma_semaphore, #tpu.memory_space<semaphore_mem>>)
    %add3A_39 = arith.constant 128 : i32
    %add3A_40 = arith.addi %mul3A_36, %add3A_39 : i32
    "tpu.region"() ({
      %run_scoped3A = tpu.sem_alloc : memref<!tpu.dma_semaphore, #tpu.memory_space<semaphore_mem>>
      %dma_start3A_142 = tpu.memref_slice %arg3[%add3A_40] : memref<323584xi32, #tpu.memory_space<hbm>> -> memref<128xi32, #tpu.memory_space<hbm>>
      %dma_start3A_143 = tpu.memref_slice %arg3[%add3A_40] : memref<323584xi32, #tpu.memory_space<hbm>> -> memref<128xi32, #tpu.memory_space<hbm>>
      tpu.enqueue_dma source(%dma_start3A_143 : memref<128xi32, #tpu.memory_space<hbm>>) target(%arg13 : memref<128xi32, #tpu.memory_space<vmem>>) target_semaphore(%run_scoped3A : memref<!tpu.dma_semaphore, #tpu.memory_space<semaphore_mem>>)
      %dma_wait3A_144 = tpu.memref_slice %arg3[%add3A_40] : memref<323584xi32, #tpu.memory_space<hbm>> -> memref<128xi32, #tpu.memory_space<hbm>>
      %dma_wait3A_145 = tpu.memref_slice %arg3[%add3A_40] : memref<323584xi32, #tpu.memory_space<hbm>> -> memref<128xi32, #tpu.memory_space<hbm>>
      tpu.wait_dma2 semaphore(%run_scoped3A : memref<!tpu.dma_semaphore, #tpu.memory_space<semaphore_mem>>) src(%dma_wait3A_145 : memref<128xi32, #tpu.memory_space<hbm>>) dst(%arg13 : memref<128xi32, #tpu.memory_space<vmem>>)
      tpu.yield
    }) : () -> ()
    %dma_start3A_41 = arith.constant 0 : i32
    %dma_start3A_42 = arith.constant 0 : i32
    %dma_start3A_43 = tpu.memref_slice %arg2[%dma_start3A_41, %dma_start3A_42] : memref<10112x128xf32, #tpu.memory_space<hbm>> -> memref<10112x128xf32, #tpu.memory_space<hbm>>
    tpu.enqueue_indirect_dma source(%dma_start3A_43 : memref<10112x128xf32, #tpu.memory_space<hbm>>) target(%arg17 : memref<128x128xf32, #tpu.memory_space<vmem>>) offsets(%arg13 : memref<128xi32, #tpu.memory_space<vmem>>) semaphore(%arg21 : memref<!tpu.dma_semaphore, #tpu.memory_space<semaphore_mem>>)
    %scan3A = arith.constant 0 : i32
    %scan3A_44 = arith.constant 38 : i32
    %scan3A_45 = arith.addi %scan3A, %scan3A_44 : i32
    %scan3A_46 = arith.constant 1 : i32
    scf.for %scan3A_142 = %scan3A to %scan3A_45 step %scan3A_46  : i32 {
      %mul3A_143 = arith.constant 2 : i32
      %mul3A_144 = arith.muli %scan3A_142, %mul3A_143 : i32
      %add3A_145 = arith.constant 0 : i32
      %add3A_146 = arith.addi %add3A_145, %mul3A_144 : i32
      %dma_wait3A_147 = arith.constant 0 : i32
      %dma_wait3A_148 = arith.constant 0 : i32
      %dma_wait3A_149 = tpu.memref_slice %arg2[%dma_wait3A_147, %dma_wait3A_148] : memref<10112x128xf32, #tpu.memory_space<hbm>> -> memref<10112x128xf32, #tpu.memory_space<hbm>>
      tpu.wait_indirect_dma semaphore(%arg20 : memref<!tpu.dma_semaphore, #tpu.memory_space<semaphore_mem>>) src(%dma_wait3A_149 : memref<10112x128xf32, #tpu.memory_space<hbm>>) dst(%arg16 : memref<128x128xf32, #tpu.memory_space<vmem>>)
      %add3A_150 = arith.constant 2 : i32
      %add3A_151 = arith.addi %add3A_146, %add3A_150 : i32
      %mul3A_152 = arith.constant 128 : i32
      %mul3A_153 = arith.muli %add3A_151, %mul3A_152 : i32
      %add3A_154 = arith.addi %mul3A_36, %mul3A_153 : i32
      %dma_start3A_155 = tpu.memref_slice %arg3[%add3A_154] : memref<323584xi32, #tpu.memory_space<hbm>> -> memref<128xi32, #tpu.memory_space<hbm>>
      %dma_start3A_156 = tpu.memref_slice %arg3[%add3A_154] : memref<323584xi32, #tpu.memory_space<hbm>> -> memref<128xi32, #tpu.memory_space<hbm>>
      tpu.enqueue_dma source(%dma_start3A_156 : memref<128xi32, #tpu.memory_space<hbm>>) target(%arg12 : memref<128xi32, #tpu.memory_space<vmem>>) target_semaphore(%arg22 : memref<!tpu.dma_semaphore, #tpu.memory_space<semaphore_mem>>)
      %dma_start3A_157 = arith.constant 0 : i32
      %dma_start3A_158 = tpu.memref_slice %arg14[%add3A_146, %dma_start3A_157] : memref<79x128xi32, #tpu.memory_space<vmem>> -> memref<1x128xi32, #tpu.memory_space<vmem>>
      %dma_start3A_159 = tpu.memref_squeeze %dma_start3A_158 : memref<1x128xi32, #tpu.memory_space<vmem>> -> memref<128xi32, #tpu.memory_space<vmem>>
      %dma_start3A_160 = arith.constant 0 : i32
      %dma_start3A_161 = arith.constant 0 : i32
      %dma_start3A_162 = tpu.memref_slice %arg18[%dma_start3A_160, %dma_start3A_161] : memref<10112x128xf32, #tpu.memory_space<vmem_shared>> -> memref<10112x128xf32, #tpu.memory_space<vmem_shared>>
      tpu.enqueue_indirect_dma source(%arg16 : memref<128x128xf32, #tpu.memory_space<vmem>>) target(%dma_start3A_162 : memref<10112x128xf32, #tpu.memory_space<vmem_shared>>) offsets(%dma_start3A_159 : memref<128xi32, #tpu.memory_space<vmem>>) semaphore(%arg24 : memref<!tpu.dma_semaphore, #tpu.memory_space<semaphore_mem>>) {add = true}
      %dma_start3A_163 = arith.constant 0 : i32
      %dma_start3A_164 = tpu.memref_slice %arg14[%add3A_146, %dma_start3A_163] : memref<79x128xi32, #tpu.memory_space<vmem>> -> memref<1x128xi32, #tpu.memory_space<vmem>>
      %dma_start3A_165 = tpu.memref_squeeze %dma_start3A_164 : memref<1x128xi32, #tpu.memory_space<vmem>> -> memref<128xi32, #tpu.memory_space<vmem>>
      %dma_start3A_166 = arith.constant 0 : i32
      %dma_start3A_167 = tpu.memref_slice %arg19[%dma_start3A_166] : memref<10112xf32, #tpu.memory_space<vmem_shared>> -> memref<10112xf32, #tpu.memory_space<vmem_shared>>
      tpu.enqueue_indirect_dma source(%arg15 : memref<128xf32, #tpu.memory_space<vmem>>) target(%dma_start3A_167 : memref<10112xf32, #tpu.memory_space<vmem_shared>>) offsets(%dma_start3A_165 : memref<128xi32, #tpu.memory_space<vmem>>) semaphore(%arg26 : memref<!tpu.dma_semaphore, #tpu.memory_space<semaphore_mem>>) {add = true}
      %dma_wait3A_168 = arith.constant 0 : i32
      %dma_wait3A_169 = arith.constant 0 : i32
      %dma_wait3A_170 = tpu.memref_slice %arg2[%dma_wait3A_168, %dma_wait3A_169] : memref<10112x128xf32, #tpu.memory_space<hbm>> -> memref<10112x128xf32, #tpu.memory_space<hbm>>
      tpu.wait_indirect_dma semaphore(%arg21 : memref<!tpu.dma_semaphore, #tpu.memory_space<semaphore_mem>>) src(%dma_wait3A_170 : memref<10112x128xf32, #tpu.memory_space<hbm>>) dst(%arg17 : memref<128x128xf32, #tpu.memory_space<vmem>>)
      %add3A_171 = arith.constant 3 : i32
      %add3A_172 = arith.addi %add3A_146, %add3A_171 : i32
      %mul3A_173 = arith.constant 128 : i32
      %mul3A_174 = arith.muli %add3A_172, %mul3A_173 : i32
      %add3A_175 = arith.addi %mul3A_36, %mul3A_174 : i32
      %dma_start3A_176 = tpu.memref_slice %arg3[%add3A_175] : memref<323584xi32, #tpu.memory_space<hbm>> -> memref<128xi32, #tpu.memory_space<hbm>>
      %dma_start3A_177 = tpu.memref_slice %arg3[%add3A_175] : memref<323584xi32, #tpu.memory_space<hbm>> -> memref<128xi32, #tpu.memory_space<hbm>>
      tpu.enqueue_dma source(%dma_start3A_177 : memref<128xi32, #tpu.memory_space<hbm>>) target(%arg13 : memref<128xi32, #tpu.memory_space<vmem>>) target_semaphore(%arg23 : memref<!tpu.dma_semaphore, #tpu.memory_space<semaphore_mem>>)
      %add3A_178 = arith.constant 1 : i32
      %add3A_179 = arith.addi %add3A_146, %add3A_178 : i32
      %dma_start3A_180 = arith.constant 0 : i32
      %dma_start3A_181 = tpu.memref_slice %arg14[%add3A_179, %dma_start3A_180] : memref<79x128xi32, #tpu.memory_space<vmem>> -> memref<1x128xi32, #tpu.memory_space<vmem>>
      %dma_start3A_182 = tpu.memref_squeeze %dma_start3A_181 : memref<1x128xi32, #tpu.memory_space<vmem>> -> memref<128xi32, #tpu.memory_space<vmem>>
      %dma_start3A_183 = arith.constant 0 : i32
      %dma_start3A_184 = arith.constant 0 : i32
      %dma_start3A_185 = tpu.memref_slice %arg18[%dma_start3A_183, %dma_start3A_184] : memref<10112x128xf32, #tpu.memory_space<vmem_shared>> -> memref<10112x128xf32, #tpu.memory_space<vmem_shared>>
      tpu.enqueue_indirect_dma source(%arg17 : memref<128x128xf32, #tpu.memory_space<vmem>>) target(%dma_start3A_185 : memref<10112x128xf32, #tpu.memory_space<vmem_shared>>) offsets(%dma_start3A_182 : memref<128xi32, #tpu.memory_space<vmem>>) semaphore(%arg25 : memref<!tpu.dma_semaphore, #tpu.memory_space<semaphore_mem>>) {add = true}
      %dma_start3A_186 = arith.constant 0 : i32
      %dma_start3A_187 = tpu.memref_slice %arg14[%add3A_179, %dma_start3A_186] : memref<79x128xi32, #tpu.memory_space<vmem>> -> memref<1x128xi32, #tpu.memory_space<vmem>>
      %dma_start3A_188 = tpu.memref_squeeze %dma_start3A_187 : memref<1x128xi32, #tpu.memory_space<vmem>> -> memref<128xi32, #tpu.memory_space<vmem>>
      %dma_start3A_189 = arith.constant 0 : i32
      %dma_start3A_190 = tpu.memref_slice %arg19[%dma_start3A_189] : memref<10112xf32, #tpu.memory_space<vmem_shared>> -> memref<10112xf32, #tpu.memory_space<vmem_shared>>
      tpu.enqueue_indirect_dma source(%arg15 : memref<128xf32, #tpu.memory_space<vmem>>) target(%dma_start3A_190 : memref<10112xf32, #tpu.memory_space<vmem_shared>>) offsets(%dma_start3A_188 : memref<128xi32, #tpu.memory_space<vmem>>) semaphore(%arg26 : memref<!tpu.dma_semaphore, #tpu.memory_space<semaphore_mem>>) {add = true}
      %add3A_191 = arith.constant 2 : i32
      %add3A_192 = arith.addi %add3A_146, %add3A_191 : i32
      %mul3A_193 = arith.constant 128 : i32
      %mul3A_194 = arith.muli %add3A_192, %mul3A_193 : i32
      %add3A_195 = arith.addi %mul3A_36, %mul3A_194 : i32
      %dma_wait3A_196 = tpu.memref_slice %arg3[%add3A_195] : memref<323584xi32, #tpu.memory_space<hbm>> -> memref<128xi32, #tpu.memory_space<hbm>>
      %dma_wait3A_197 = tpu.memref_slice %arg3[%add3A_195] : memref<323584xi32, #tpu.memory_space<hbm>> -> memref<128xi32, #tpu.memory_space<hbm>>
      tpu.wait_dma2 semaphore(%arg22 : memref<!tpu.dma_semaphore, #tpu.memory_space<semaphore_mem>>) src(%dma_wait3A_197 : memref<128xi32, #tpu.memory_space<hbm>>) dst(%arg12 : memref<128xi32, #tpu.memory_space<vmem>>)
      %dma_wait3A_198 = arith.constant 0 : i32
      %dma_wait3A_199 = tpu.memref_slice %arg14[%add3A_146, %dma_wait3A_198] : memref<79x128xi32, #tpu.memory_space<vmem>> -> memref<1x128xi32, #tpu.memory_space<vmem>>
      %dma_wait3A_200 = tpu.memref_squeeze %dma_wait3A_199 : memref<1x128xi32, #tpu.memory_space<vmem>> -> memref<128xi32, #tpu.memory_space<vmem>>
      %dma_wait3A_201 = arith.constant 0 : i32
      %dma_wait3A_202 = arith.constant 0 : i32
      %dma_wait3A_203 = tpu.memref_slice %arg18[%dma_wait3A_201, %dma_wait3A_202] : memref<10112x128xf32, #tpu.memory_space<vmem_shared>> -> memref<10112x128xf32, #tpu.memory_space<vmem_shared>>
      tpu.wait_indirect_dma semaphore(%arg24 : memref<!tpu.dma_semaphore, #tpu.memory_space<semaphore_mem>>) src(%arg16 : memref<128x128xf32, #tpu.memory_space<vmem>>) dst(%dma_wait3A_203 : memref<10112x128xf32, #tpu.memory_space<vmem_shared>>)
      %dma_start3A_204 = arith.constant 0 : i32
      %dma_start3A_205 = arith.constant 0 : i32
      %dma_start3A_206 = tpu.memref_slice %arg2[%dma_start3A_204, %dma_start3A_205] : memref<10112x128xf32, #tpu.memory_space<hbm>> -> memref<10112x128xf32, #tpu.memory_space<hbm>>
      tpu.enqueue_indirect_dma source(%dma_start3A_206 : memref<10112x128xf32, #tpu.memory_space<hbm>>) target(%arg16 : memref<128x128xf32, #tpu.memory_space<vmem>>) offsets(%arg12 : memref<128xi32, #tpu.memory_space<vmem>>) semaphore(%arg20 : memref<!tpu.dma_semaphore, #tpu.memory_space<semaphore_mem>>)
      %add3A_207 = arith.constant 3 : i32
      %add3A_208 = arith.addi %add3A_146, %add3A_207 : i32
      %mul3A_209 = arith.constant 128 : i32
      %mul3A_210 = arith.muli %add3A_208, %mul3A_209 : i32
      %add3A_211 = arith.addi %mul3A_36, %mul3A_210 : i32
      %dma_wait3A_212 = tpu.memref_slice %arg3[%add3A_211] : memref<323584xi32, #tpu.memory_space<hbm>> -> memref<128xi32, #tpu.memory_space<hbm>>
      %dma_wait3A_213 = tpu.memref_slice %arg3[%add3A_211] : memref<323584xi32, #tpu.memory_space<hbm>> -> memref<128xi32, #tpu.memory_space<hbm>>
      tpu.wait_dma2 semaphore(%arg23 : memref<!tpu.dma_semaphore, #tpu.memory_space<semaphore_mem>>) src(%dma_wait3A_213 : memref<128xi32, #tpu.memory_space<hbm>>) dst(%arg13 : memref<128xi32, #tpu.memory_space<vmem>>)
      %add3A_214 = arith.constant 1 : i32
      %add3A_215 = arith.addi %add3A_146, %add3A_214 : i32
      %dma_wait3A_216 = arith.constant 0 : i32
      %dma_wait3A_217 = tpu.memref_slice %arg14[%add3A_215, %dma_wait3A_216] : memref<79x128xi32, #tpu.memory_space<vmem>> -> memref<1x128xi32, #tpu.memory_space<vmem>>
      %dma_wait3A_218 = tpu.memref_squeeze %dma_wait3A_217 : memref<1x128xi32, #tpu.memory_space<vmem>> -> memref<128xi32, #tpu.memory_space<vmem>>
      %dma_wait3A_219 = arith.constant 0 : i32
      %dma_wait3A_220 = arith.constant 0 : i32
      %dma_wait3A_221 = tpu.memref_slice %arg18[%dma_wait3A_219, %dma_wait3A_220] : memref<10112x128xf32, #tpu.memory_space<vmem_shared>> -> memref<10112x128xf32, #tpu.memory_space<vmem_shared>>
      tpu.wait_indirect_dma semaphore(%arg25 : memref<!tpu.dma_semaphore, #tpu.memory_space<semaphore_mem>>) src(%arg17 : memref<128x128xf32, #tpu.memory_space<vmem>>) dst(%dma_wait3A_221 : memref<10112x128xf32, #tpu.memory_space<vmem_shared>>)
      %dma_start3A_222 = arith.constant 0 : i32
      %dma_start3A_223 = arith.constant 0 : i32
      %dma_start3A_224 = tpu.memref_slice %arg2[%dma_start3A_222, %dma_start3A_223] : memref<10112x128xf32, #tpu.memory_space<hbm>> -> memref<10112x128xf32, #tpu.memory_space<hbm>>
      tpu.enqueue_indirect_dma source(%dma_start3A_224 : memref<10112x128xf32, #tpu.memory_space<hbm>>) target(%arg17 : memref<128x128xf32, #tpu.memory_space<vmem>>) offsets(%arg13 : memref<128xi32, #tpu.memory_space<vmem>>) semaphore(%arg21 : memref<!tpu.dma_semaphore, #tpu.memory_space<semaphore_mem>>)
    }
    %scan3A_47 = arith.constant 38 : i32
    %dma_wait3A = arith.constant 0 : i32
    %dma_wait3A_48 = arith.constant 0 : i32
    %dma_wait3A_49 = tpu.memref_slice %arg2[%dma_wait3A, %dma_wait3A_48] : memref<10112x128xf32, #tpu.memory_space<hbm>> -> memref<10112x128xf32, #tpu.memory_space<hbm>>
    tpu.wait_indirect_dma semaphore(%arg20 : memref<!tpu.dma_semaphore, #tpu.memory_space<semaphore_mem>>) src(%dma_wait3A_49 : memref<10112x128xf32, #tpu.memory_space<hbm>>) dst(%arg16 : memref<128x128xf32, #tpu.memory_space<vmem>>)
    %add3A_50 = arith.constant 9984 : i32
    %add3A_51 = arith.addi %mul3A_36, %add3A_50 : i32
    %dma_start3A_52 = tpu.memref_slice %arg3[%add3A_51] : memref<323584xi32, #tpu.memory_space<hbm>> -> memref<128xi32, #tpu.memory_space<hbm>>
    %dma_start3A_53 = tpu.memref_slice %arg3[%add3A_51] : memref<323584xi32, #tpu.memory_space<hbm>> -> memref<128xi32, #tpu.memory_space<hbm>>
    tpu.enqueue_dma source(%dma_start3A_53 : memref<128xi32, #tpu.memory_space<hbm>>) target(%arg12 : memref<128xi32, #tpu.memory_space<vmem>>) target_semaphore(%arg22 : memref<!tpu.dma_semaphore, #tpu.memory_space<semaphore_mem>>)
    %dma_start3A_54 = arith.constant 76 : i32
    %dma_start3A_55 = arith.constant 0 : i32
    %dma_start3A_56 = tpu.memref_slice %arg14[%dma_start3A_54, %dma_start3A_55] : memref<79x128xi32, #tpu.memory_space<vmem>> -> memref<1x128xi32, #tpu.memory_space<vmem>>
    %dma_start3A_57 = tpu.memref_squeeze %dma_start3A_56 : memref<1x128xi32, #tpu.memory_space<vmem>> -> memref<128xi32, #tpu.memory_space<vmem>>
    %dma_start3A_58 = arith.constant 0 : i32
    %dma_start3A_59 = arith.constant 0 : i32
    %dma_start3A_60 = tpu.memref_slice %arg18[%dma_start3A_58, %dma_start3A_59] : memref<10112x128xf32, #tpu.memory_space<vmem_shared>> -> memref<10112x128xf32, #tpu.memory_space<vmem_shared>>
    tpu.enqueue_indirect_dma source(%arg16 : memref<128x128xf32, #tpu.memory_space<vmem>>) target(%dma_start3A_60 : memref<10112x128xf32, #tpu.memory_space<vmem_shared>>) offsets(%dma_start3A_57 : memref<128xi32, #tpu.memory_space<vmem>>) semaphore(%arg24 : memref<!tpu.dma_semaphore, #tpu.memory_space<semaphore_mem>>) {add = true}
    %dma_start3A_61 = arith.constant 76 : i32
    %dma_start3A_62 = arith.constant 0 : i32
    %dma_start3A_63 = tpu.memref_slice %arg14[%dma_start3A_61, %dma_start3A_62] : memref<79x128xi32, #tpu.memory_space<vmem>> -> memref<1x128xi32, #tpu.memory_space<vmem>>
    %dma_start3A_64 = tpu.memref_squeeze %dma_start3A_63 : memref<1x128xi32, #tpu.memory_space<vmem>> -> memref<128xi32, #tpu.memory_space<vmem>>
    %dma_start3A_65 = arith.constant 0 : i32
    %dma_start3A_66 = tpu.memref_slice %arg19[%dma_start3A_65] : memref<10112xf32, #tpu.memory_space<vmem_shared>> -> memref<10112xf32, #tpu.memory_space<vmem_shared>>
    tpu.enqueue_indirect_dma source(%arg15 : memref<128xf32, #tpu.memory_space<vmem>>) target(%dma_start3A_66 : memref<10112xf32, #tpu.memory_space<vmem_shared>>) offsets(%dma_start3A_64 : memref<128xi32, #tpu.memory_space<vmem>>) semaphore(%arg26 : memref<!tpu.dma_semaphore, #tpu.memory_space<semaphore_mem>>) {add = true}
    %dma_wait3A_67 = arith.constant 0 : i32
    %dma_wait3A_68 = arith.constant 0 : i32
    %dma_wait3A_69 = tpu.memref_slice %arg2[%dma_wait3A_67, %dma_wait3A_68] : memref<10112x128xf32, #tpu.memory_space<hbm>> -> memref<10112x128xf32, #tpu.memory_space<hbm>>
    tpu.wait_indirect_dma semaphore(%arg21 : memref<!tpu.dma_semaphore, #tpu.memory_space<semaphore_mem>>) src(%dma_wait3A_69 : memref<10112x128xf32, #tpu.memory_space<hbm>>) dst(%arg17 : memref<128x128xf32, #tpu.memory_space<vmem>>)
    %dma_start3A_70 = arith.constant 77 : i32
    %dma_start3A_71 = arith.constant 0 : i32
    %dma_start3A_72 = tpu.memref_slice %arg14[%dma_start3A_70, %dma_start3A_71] : memref<79x128xi32, #tpu.memory_space<vmem>> -> memref<1x128xi32, #tpu.memory_space<vmem>>
    %dma_start3A_73 = tpu.memref_squeeze %dma_start3A_72 : memref<1x128xi32, #tpu.memory_space<vmem>> -> memref<128xi32, #tpu.memory_space<vmem>>
    %dma_start3A_74 = arith.constant 0 : i32
    %dma_start3A_75 = arith.constant 0 : i32
    %dma_start3A_76 = tpu.memref_slice %arg18[%dma_start3A_74, %dma_start3A_75] : memref<10112x128xf32, #tpu.memory_space<vmem_shared>> -> memref<10112x128xf32, #tpu.memory_space<vmem_shared>>
    tpu.enqueue_indirect_dma source(%arg17 : memref<128x128xf32, #tpu.memory_space<vmem>>) target(%dma_start3A_76 : memref<10112x128xf32, #tpu.memory_space<vmem_shared>>) offsets(%dma_start3A_73 : memref<128xi32, #tpu.memory_space<vmem>>) semaphore(%arg25 : memref<!tpu.dma_semaphore, #tpu.memory_space<semaphore_mem>>) {add = true}
    %dma_start3A_77 = arith.constant 77 : i32
    %dma_start3A_78 = arith.constant 0 : i32
    %dma_start3A_79 = tpu.memref_slice %arg14[%dma_start3A_77, %dma_start3A_78] : memref<79x128xi32, #tpu.memory_space<vmem>> -> memref<1x128xi32, #tpu.memory_space<vmem>>
    %dma_start3A_80 = tpu.memref_squeeze %dma_start3A_79 : memref<1x128xi32, #tpu.memory_space<vmem>> -> memref<128xi32, #tpu.memory_space<vmem>>
    %dma_start3A_81 = arith.constant 0 : i32
    %dma_start3A_82 = tpu.memref_slice %arg19[%dma_start3A_81] : memref<10112xf32, #tpu.memory_space<vmem_shared>> -> memref<10112xf32, #tpu.memory_space<vmem_shared>>
    tpu.enqueue_indirect_dma source(%arg15 : memref<128xf32, #tpu.memory_space<vmem>>) target(%dma_start3A_82 : memref<10112xf32, #tpu.memory_space<vmem_shared>>) offsets(%dma_start3A_80 : memref<128xi32, #tpu.memory_space<vmem>>) semaphore(%arg26 : memref<!tpu.dma_semaphore, #tpu.memory_space<semaphore_mem>>) {add = true}
    %add3A_83 = arith.constant 9984 : i32
    %add3A_84 = arith.addi %mul3A_36, %add3A_83 : i32
    %dma_wait3A_85 = tpu.memref_slice %arg3[%add3A_84] : memref<323584xi32, #tpu.memory_space<hbm>> -> memref<128xi32, #tpu.memory_space<hbm>>
    %dma_wait3A_86 = tpu.memref_slice %arg3[%add3A_84] : memref<323584xi32, #tpu.memory_space<hbm>> -> memref<128xi32, #tpu.memory_space<hbm>>
    tpu.wait_dma2 semaphore(%arg22 : memref<!tpu.dma_semaphore, #tpu.memory_space<semaphore_mem>>) src(%dma_wait3A_86 : memref<128xi32, #tpu.memory_space<hbm>>) dst(%arg12 : memref<128xi32, #tpu.memory_space<vmem>>)
    %dma_wait3A_87 = arith.constant 76 : i32
    %dma_wait3A_88 = arith.constant 0 : i32
    %dma_wait3A_89 = tpu.memref_slice %arg14[%dma_wait3A_87, %dma_wait3A_88] : memref<79x128xi32, #tpu.memory_space<vmem>> -> memref<1x128xi32, #tpu.memory_space<vmem>>
    %dma_wait3A_90 = tpu.memref_squeeze %dma_wait3A_89 : memref<1x128xi32, #tpu.memory_space<vmem>> -> memref<128xi32, #tpu.memory_space<vmem>>
    %dma_wait3A_91 = arith.constant 0 : i32
    %dma_wait3A_92 = arith.constant 0 : i32
    %dma_wait3A_93 = tpu.memref_slice %arg18[%dma_wait3A_91, %dma_wait3A_92] : memref<10112x128xf32, #tpu.memory_space<vmem_shared>> -> memref<10112x128xf32, #tpu.memory_space<vmem_shared>>
    tpu.wait_indirect_dma semaphore(%arg24 : memref<!tpu.dma_semaphore, #tpu.memory_space<semaphore_mem>>) src(%arg16 : memref<128x128xf32, #tpu.memory_space<vmem>>) dst(%dma_wait3A_93 : memref<10112x128xf32, #tpu.memory_space<vmem_shared>>)
    %dma_start3A_94 = arith.constant 0 : i32
    %dma_start3A_95 = arith.constant 0 : i32
    %dma_start3A_96 = tpu.memref_slice %arg2[%dma_start3A_94, %dma_start3A_95] : memref<10112x128xf32, #tpu.memory_space<hbm>> -> memref<10112x128xf32, #tpu.memory_space<hbm>>
    tpu.enqueue_indirect_dma source(%dma_start3A_96 : memref<10112x128xf32, #tpu.memory_space<hbm>>) target(%arg16 : memref<128x128xf32, #tpu.memory_space<vmem>>) offsets(%arg12 : memref<128xi32, #tpu.memory_space<vmem>>) semaphore(%arg20 : memref<!tpu.dma_semaphore, #tpu.memory_space<semaphore_mem>>)
    %dma_wait3A_97 = arith.constant 0 : i32
    %dma_wait3A_98 = arith.constant 0 : i32
    %dma_wait3A_99 = tpu.memref_slice %arg2[%dma_wait3A_97, %dma_wait3A_98] : memref<10112x128xf32, #tpu.memory_space<hbm>> -> memref<10112x128xf32, #tpu.memory_space<hbm>>
    tpu.wait_indirect_dma semaphore(%arg20 : memref<!tpu.dma_semaphore, #tpu.memory_space<semaphore_mem>>) src(%dma_wait3A_99 : memref<10112x128xf32, #tpu.memory_space<hbm>>) dst(%arg16 : memref<128x128xf32, #tpu.memory_space<vmem>>)
    %dma_start3A_100 = arith.constant 78 : i32
    %dma_start3A_101 = arith.constant 0 : i32
    %dma_start3A_102 = tpu.memref_slice %arg14[%dma_start3A_100, %dma_start3A_101] : memref<79x128xi32, #tpu.memory_space<vmem>> -> memref<1x128xi32, #tpu.memory_space<vmem>>
    %dma_start3A_103 = tpu.memref_squeeze %dma_start3A_102 : memref<1x128xi32, #tpu.memory_space<vmem>> -> memref<128xi32, #tpu.memory_space<vmem>>
    %dma_start3A_104 = arith.constant 0 : i32
    %dma_start3A_105 = arith.constant 0 : i32
    %dma_start3A_106 = tpu.memref_slice %arg18[%dma_start3A_104, %dma_start3A_105] : memref<10112x128xf32, #tpu.memory_space<vmem_shared>> -> memref<10112x128xf32, #tpu.memory_space<vmem_shared>>
    tpu.enqueue_indirect_dma source(%arg16 : memref<128x128xf32, #tpu.memory_space<vmem>>) target(%dma_start3A_106 : memref<10112x128xf32, #tpu.memory_space<vmem_shared>>) offsets(%dma_start3A_103 : memref<128xi32, #tpu.memory_space<vmem>>) semaphore(%arg24 : memref<!tpu.dma_semaphore, #tpu.memory_space<semaphore_mem>>) {add = true}
    %dma_start3A_107 = arith.constant 78 : i32
    %dma_start3A_108 = arith.constant 0 : i32
    %dma_start3A_109 = tpu.memref_slice %arg14[%dma_start3A_107, %dma_start3A_108] : memref<79x128xi32, #tpu.memory_space<vmem>> -> memref<1x128xi32, #tpu.memory_space<vmem>>
    %dma_start3A_110 = tpu.memref_squeeze %dma_start3A_109 : memref<1x128xi32, #tpu.memory_space<vmem>> -> memref<128xi32, #tpu.memory_space<vmem>>
    %dma_start3A_111 = arith.constant 0 : i32
    %dma_start3A_112 = tpu.memref_slice %arg19[%dma_start3A_111] : memref<10112xf32, #tpu.memory_space<vmem_shared>> -> memref<10112xf32, #tpu.memory_space<vmem_shared>>
    tpu.enqueue_indirect_dma source(%arg15 : memref<128xf32, #tpu.memory_space<vmem>>) target(%dma_start3A_112 : memref<10112xf32, #tpu.memory_space<vmem_shared>>) offsets(%dma_start3A_110 : memref<128xi32, #tpu.memory_space<vmem>>) semaphore(%arg26 : memref<!tpu.dma_semaphore, #tpu.memory_space<semaphore_mem>>) {add = true}
    %dma_wait3A_113 = arith.constant 78 : i32
    %dma_wait3A_114 = arith.constant 0 : i32
    %dma_wait3A_115 = tpu.memref_slice %arg14[%dma_wait3A_113, %dma_wait3A_114] : memref<79x128xi32, #tpu.memory_space<vmem>> -> memref<1x128xi32, #tpu.memory_space<vmem>>
    %dma_wait3A_116 = tpu.memref_squeeze %dma_wait3A_115 : memref<1x128xi32, #tpu.memory_space<vmem>> -> memref<128xi32, #tpu.memory_space<vmem>>
    %dma_wait3A_117 = arith.constant 0 : i32
    %dma_wait3A_118 = arith.constant 0 : i32
    %dma_wait3A_119 = tpu.memref_slice %arg18[%dma_wait3A_117, %dma_wait3A_118] : memref<10112x128xf32, #tpu.memory_space<vmem_shared>> -> memref<10112x128xf32, #tpu.memory_space<vmem_shared>>
    tpu.wait_indirect_dma semaphore(%arg24 : memref<!tpu.dma_semaphore, #tpu.memory_space<semaphore_mem>>) src(%arg16 : memref<128x128xf32, #tpu.memory_space<vmem>>) dst(%dma_wait3A_119 : memref<10112x128xf32, #tpu.memory_space<vmem_shared>>)
    %dma_wait3A_120 = arith.constant 77 : i32
    %dma_wait3A_121 = arith.constant 0 : i32
    %dma_wait3A_122 = tpu.memref_slice %arg14[%dma_wait3A_120, %dma_wait3A_121] : memref<79x128xi32, #tpu.memory_space<vmem>> -> memref<1x128xi32, #tpu.memory_space<vmem>>
    %dma_wait3A_123 = tpu.memref_squeeze %dma_wait3A_122 : memref<1x128xi32, #tpu.memory_space<vmem>> -> memref<128xi32, #tpu.memory_space<vmem>>
    %dma_wait3A_124 = arith.constant 0 : i32
    %dma_wait3A_125 = arith.constant 0 : i32
    %dma_wait3A_126 = tpu.memref_slice %arg18[%dma_wait3A_124, %dma_wait3A_125] : memref<10112x128xf32, #tpu.memory_space<vmem_shared>> -> memref<10112x128xf32, #tpu.memory_space<vmem_shared>>
    tpu.wait_indirect_dma semaphore(%arg25 : memref<!tpu.dma_semaphore, #tpu.memory_space<semaphore_mem>>) src(%arg17 : memref<128x128xf32, #tpu.memory_space<vmem>>) dst(%dma_wait3A_126 : memref<10112x128xf32, #tpu.memory_space<vmem_shared>>)
    %scan3A_127 = arith.constant 0 : i32
    %scan3A_128 = arith.constant 79 : i32
    %scan3A_129 = arith.addi %scan3A_127, %scan3A_128 : i32
    %scan3A_130 = arith.constant 1 : i32
    scf.for %scan3A_142 = %scan3A_127 to %scan3A_129 step %scan3A_130  : i32 {
      %mul3A_143 = arith.constant 1 : i32
      %mul3A_144 = arith.muli %scan3A_142, %mul3A_143 : i32
      %add3A_145 = arith.constant 0 : i32
      %add3A_146 = arith.addi %add3A_145, %mul3A_144 : i32
      %dma_wait3A_147 = arith.constant 0 : i32
      %dma_wait3A_148 = arith.constant 0 : i32
      %dma_wait3A_149 = tpu.memref_slice %arg14[%dma_wait3A_147, %dma_wait3A_148] : memref<79x128xi32, #tpu.memory_space<vmem>> -> memref<1x128xi32, #tpu.memory_space<vmem>>
      %dma_wait3A_150 = tpu.memref_squeeze %dma_wait3A_149 : memref<1x128xi32, #tpu.memory_space<vmem>> -> memref<128xi32, #tpu.memory_space<vmem>>
      %dma_wait3A_151 = arith.constant 0 : i32
      %dma_wait3A_152 = tpu.memref_slice %arg19[%dma_wait3A_151] : memref<10112xf32, #tpu.memory_space<vmem_shared>> -> memref<10112xf32, #tpu.memory_space<vmem_shared>>
      tpu.wait_indirect_dma semaphore(%arg26 : memref<!tpu.dma_semaphore, #tpu.memory_space<semaphore_mem>>) src(%arg15 : memref<128xf32, #tpu.memory_space<vmem>>) dst(%dma_wait3A_152 : memref<10112xf32, #tpu.memory_space<vmem_shared>>)
    }
    %scan3A_131 = arith.constant 79 : i32
    %barrier3A_132 = arith.constant 0 : index
    tpu.barrier barrier_id(%barrier3A_132)
    %eq3A = arith.constant 0 : i32
    %eq3A_133 = arith.cmpi eq, %arg0, %eq3A : i32
    %convert_element_type3A_134 = arith.extui %eq3A_133 : i1 to i32
    %cond3A_135 = arith.constant 0 : i32
    %cond3A_136 = arith.cmpi ne, %convert_element_type3A_134, %cond3A_135 : i32
    scf.if %cond3A_136 {
      "tpu.region"() ({
        %run_scoped3A = tpu.sem_alloc : memref<!tpu.dma_semaphore, #tpu.memory_space<semaphore_mem>>
        %dma_start3A_177 = arith.constant 0 : i32
        %dma_start3A_178 = tpu.memref_slice %arg8[%mul3A_2, %dma_start3A_177] : memref<10112x128xf32, #tpu.memory_space<hbm>> -> memref<632x128xf32, #tpu.memory_space<hbm>>
        %dma_start3A_179 = arith.constant 0 : i32
        %dma_start3A_180 = tpu.memref_slice %arg18[%mul3A_2, %dma_start3A_179] : memref<10112x128xf32, #tpu.memory_space<vmem_shared>> -> memref<632x128xf32, #tpu.memory_space<vmem_shared>>
        tpu.enqueue_dma source(%dma_start3A_180 : memref<632x128xf32, #tpu.memory_space<vmem_shared>>) target(%dma_start3A_178 : memref<632x128xf32, #tpu.memory_space<hbm>>) target_semaphore(%run_scoped3A : memref<!tpu.dma_semaphore, #tpu.memory_space<semaphore_mem>>)
        %dma_wait3A_181 = arith.constant 0 : i32
        %dma_wait3A_182 = tpu.memref_slice %arg8[%mul3A_2, %dma_wait3A_181] : memref<10112x128xf32, #tpu.memory_space<hbm>> -> memref<632x128xf32, #tpu.memory_space<hbm>>
        %dma_wait3A_183 = arith.constant 0 : i32
        %dma_wait3A_184 = tpu.memref_slice %arg18[%mul3A_2, %dma_wait3A_183] : memref<10112x128xf32, #tpu.memory_space<vmem_shared>> -> memref<632x128xf32, #tpu.memory_space<vmem_shared>>
        tpu.wait_dma2 semaphore(%run_scoped3A : memref<!tpu.dma_semaphore, #tpu.memory_space<semaphore_mem>>) src(%dma_wait3A_184 : memref<632x128xf32, #tpu.memory_space<vmem_shared>>) dst(%dma_wait3A_182 : memref<632x128xf32, #tpu.memory_space<hbm>>)
        tpu.yield
      }) : () -> ()
      %add3A_142 = arith.constant 0 : i32
      %add3A_143 = arith.addi %arg1, %add3A_142 : i32
      %lt3A_144 = arith.constant 79 : i32
      %lt3A_145 = arith.cmpi slt, %add3A_143, %lt3A_144 : i32
      %convert_element_type3A_146 = arith.extui %lt3A_145 : i1 to i32
      %cond3A_147 = arith.constant 0 : i32
      %cond3A_148 = arith.cmpi ne, %convert_element_type3A_146, %cond3A_147 : i32
      scf.if %cond3A_148 {
        %add3A_177 = arith.constant 0 : i32
        %add3A_178 = arith.addi %arg1, %add3A_177 : i32
        %mul3A_179 = arith.constant 128 : i32
        %mul3A_180 = arith.muli %add3A_178, %mul3A_179 : i32
        "tpu.region"() ({
          %run_scoped3A = tpu.sem_alloc : memref<!tpu.dma_semaphore, #tpu.memory_space<semaphore_mem>>
          %dma_start3A_181 = tpu.memref_slice %arg10[%mul3A_180] : memref<10112xf32, #tpu.memory_space<hbm>> -> memref<128xf32, #tpu.memory_space<hbm>>
          %dma_start3A_182 = tpu.memref_slice %arg19[%mul3A_180] : memref<10112xf32, #tpu.memory_space<vmem_shared>> -> memref<128xf32, #tpu.memory_space<vmem_shared>>
          tpu.enqueue_dma source(%dma_start3A_182 : memref<128xf32, #tpu.memory_space<vmem_shared>>) target(%dma_start3A_181 : memref<128xf32, #tpu.memory_space<hbm>>) target_semaphore(%run_scoped3A : memref<!tpu.dma_semaphore, #tpu.memory_space<semaphore_mem>>)
          %dma_wait3A_183 = tpu.memref_slice %arg10[%mul3A_180] : memref<10112xf32, #tpu.memory_space<hbm>> -> memref<128xf32, #tpu.memory_space<hbm>>
          %dma_wait3A_184 = tpu.memref_slice %arg19[%mul3A_180] : memref<10112xf32, #tpu.memory_space<vmem_shared>> -> memref<128xf32, #tpu.memory_space<vmem_shared>>
          tpu.wait_dma2 semaphore(%run_scoped3A : memref<!tpu.dma_semaphore, #tpu.memory_space<semaphore_mem>>) src(%dma_wait3A_184 : memref<128xf32, #tpu.memory_space<vmem_shared>>) dst(%dma_wait3A_183 : memref<128xf32, #tpu.memory_space<hbm>>)
          tpu.yield
        }) : () -> ()
      } else {
      }
      %add3A_149 = arith.constant 16 : i32
      %add3A_150 = arith.addi %arg1, %add3A_149 : i32
      %lt3A_151 = arith.constant 79 : i32
      %lt3A_152 = arith.cmpi slt, %add3A_150, %lt3A_151 : i32
      %convert_element_type3A_153 = arith.extui %lt3A_152 : i1 to i32
      %cond3A_154 = arith.constant 0 : i32
      %cond3A_155 = arith.cmpi ne, %convert_element_type3A_153, %cond3A_154 : i32
      scf.if %cond3A_155 {
        %add3A_177 = arith.constant 16 : i32
        %add3A_178 = arith.addi %arg1, %add3A_177 : i32
        %mul3A_179 = arith.constant 128 : i32
        %mul3A_180 = arith.muli %add3A_178, %mul3A_179 : i32
        "tpu.region"() ({
          %run_scoped3A = tpu.sem_alloc : memref<!tpu.dma_semaphore, #tpu.memory_space<semaphore_mem>>
          %dma_start3A_181 = tpu.memref_slice %arg10[%mul3A_180] : memref<10112xf32, #tpu.memory_space<hbm>> -> memref<128xf32, #tpu.memory_space<hbm>>
          %dma_start3A_182 = tpu.memref_slice %arg19[%mul3A_180] : memref<10112xf32, #tpu.memory_space<vmem_shared>> -> memref<128xf32, #tpu.memory_space<vmem_shared>>
          tpu.enqueue_dma source(%dma_start3A_182 : memref<128xf32, #tpu.memory_space<vmem_shared>>) target(%dma_start3A_181 : memref<128xf32, #tpu.memory_space<hbm>>) target_semaphore(%run_scoped3A : memref<!tpu.dma_semaphore, #tpu.memory_space<semaphore_mem>>)
          %dma_wait3A_183 = tpu.memref_slice %arg10[%mul3A_180] : memref<10112xf32, #tpu.memory_space<hbm>> -> memref<128xf32, #tpu.memory_space<hbm>>
          %dma_wait3A_184 = tpu.memref_slice %arg19[%mul3A_180] : memref<10112xf32, #tpu.memory_space<vmem_shared>> -> memref<128xf32, #tpu.memory_space<vmem_shared>>
          tpu.wait_dma2 semaphore(%run_scoped3A : memref<!tpu.dma_semaphore, #tpu.memory_space<semaphore_mem>>) src(%dma_wait3A_184 : memref<128xf32, #tpu.memory_space<vmem_shared>>) dst(%dma_wait3A_183 : memref<128xf32, #tpu.memory_space<hbm>>)
          tpu.yield
        }) : () -> ()
      } else {
      }
      %add3A_156 = arith.constant 32 : i32
      %add3A_157 = arith.addi %arg1, %add3A_156 : i32
      %lt3A_158 = arith.constant 79 : i32
      %lt3A_159 = arith.cmpi slt, %add3A_157, %lt3A_158 : i32
      %convert_element_type3A_160 = arith.extui %lt3A_159 : i1 to i32
      %cond3A_161 = arith.constant 0 : i32
      %cond3A_162 = arith.cmpi ne, %convert_element_type3A_160, %cond3A_161 : i32
      scf.if %cond3A_162 {
        %add3A_177 = arith.constant 32 : i32
        %add3A_178 = arith.addi %arg1, %add3A_177 : i32
        %mul3A_179 = arith.constant 128 : i32
        %mul3A_180 = arith.muli %add3A_178, %mul3A_179 : i32
        "tpu.region"() ({
          %run_scoped3A = tpu.sem_alloc : memref<!tpu.dma_semaphore, #tpu.memory_space<semaphore_mem>>
          %dma_start3A_181 = tpu.memref_slice %arg10[%mul3A_180] : memref<10112xf32, #tpu.memory_space<hbm>> -> memref<128xf32, #tpu.memory_space<hbm>>
          %dma_start3A_182 = tpu.memref_slice %arg19[%mul3A_180] : memref<10112xf32, #tpu.memory_space<vmem_shared>> -> memref<128xf32, #tpu.memory_space<vmem_shared>>
          tpu.enqueue_dma source(%dma_start3A_182 : memref<128xf32, #tpu.memory_space<vmem_shared>>) target(%dma_start3A_181 : memref<128xf32, #tpu.memory_space<hbm>>) target_semaphore(%run_scoped3A : memref<!tpu.dma_semaphore, #tpu.memory_space<semaphore_mem>>)
          %dma_wait3A_183 = tpu.memref_slice %arg10[%mul3A_180] : memref<10112xf32, #tpu.memory_space<hbm>> -> memref<128xf32, #tpu.memory_space<hbm>>
          %dma_wait3A_184 = tpu.memref_slice %arg19[%mul3A_180] : memref<10112xf32, #tpu.memory_space<vmem_shared>> -> memref<128xf32, #tpu.memory_space<vmem_shared>>
          tpu.wait_dma2 semaphore(%run_scoped3A : memref<!tpu.dma_semaphore, #tpu.memory_space<semaphore_mem>>) src(%dma_wait3A_184 : memref<128xf32, #tpu.memory_space<vmem_shared>>) dst(%dma_wait3A_183 : memref<128xf32, #tpu.memory_space<hbm>>)
          tpu.yield
        }) : () -> ()
      } else {
      }
      %add3A_163 = arith.constant 48 : i32
      %add3A_164 = arith.addi %arg1, %add3A_163 : i32
      %lt3A_165 = arith.constant 79 : i32
      %lt3A_166 = arith.cmpi slt, %add3A_164, %lt3A_165 : i32
      %convert_element_type3A_167 = arith.extui %lt3A_166 : i1 to i32
      %cond3A_168 = arith.constant 0 : i32
      %cond3A_169 = arith.cmpi ne, %convert_element_type3A_167, %cond3A_168 : i32
      scf.if %cond3A_169 {
        %add3A_177 = arith.constant 48 : i32
        %add3A_178 = arith.addi %arg1, %add3A_177 : i32
        %mul3A_179 = arith.constant 128 : i32
        %mul3A_180 = arith.muli %add3A_178, %mul3A_179 : i32
        "tpu.region"() ({
          %run_scoped3A = tpu.sem_alloc : memref<!tpu.dma_semaphore, #tpu.memory_space<semaphore_mem>>
          %dma_start3A_181 = tpu.memref_slice %arg10[%mul3A_180] : memref<10112xf32, #tpu.memory_space<hbm>> -> memref<128xf32, #tpu.memory_space<hbm>>
          %dma_start3A_182 = tpu.memref_slice %arg19[%mul3A_180] : memref<10112xf32, #tpu.memory_space<vmem_shared>> -> memref<128xf32, #tpu.memory_space<vmem_shared>>
          tpu.enqueue_dma source(%dma_start3A_182 : memref<128xf32, #tpu.memory_space<vmem_shared>>) target(%dma_start3A_181 : memref<128xf32, #tpu.memory_space<hbm>>) target_semaphore(%run_scoped3A : memref<!tpu.dma_semaphore, #tpu.memory_space<semaphore_mem>>)
          %dma_wait3A_183 = tpu.memref_slice %arg10[%mul3A_180] : memref<10112xf32, #tpu.memory_space<hbm>> -> memref<128xf32, #tpu.memory_space<hbm>>
          %dma_wait3A_184 = tpu.memref_slice %arg19[%mul3A_180] : memref<10112xf32, #tpu.memory_space<vmem_shared>> -> memref<128xf32, #tpu.memory_space<vmem_shared>>
          tpu.wait_dma2 semaphore(%run_scoped3A : memref<!tpu.dma_semaphore, #tpu.memory_space<semaphore_mem>>) src(%dma_wait3A_184 : memref<128xf32, #tpu.memory_space<vmem_shared>>) dst(%dma_wait3A_183 : memref<128xf32, #tpu.memory_space<hbm>>)
          tpu.yield
        }) : () -> ()
      } else {
      }
      %add3A_170 = arith.constant 64 : i32
      %add3A_171 = arith.addi %arg1, %add3A_170 : i32
      %lt3A_172 = arith.constant 79 : i32
      %lt3A_173 = arith.cmpi slt, %add3A_171, %lt3A_172 : i32
      %convert_element_type3A_174 = arith.extui %lt3A_173 : i1 to i32
      %cond3A_175 = arith.constant 0 : i32
      %cond3A_176 = arith.cmpi ne, %convert_element_type3A_174, %cond3A_175 : i32
      scf.if %cond3A_176 {
        %add3A_177 = arith.constant 64 : i32
        %add3A_178 = arith.addi %arg1, %add3A_177 : i32
        %mul3A_179 = arith.constant 128 : i32
        %mul3A_180 = arith.muli %add3A_178, %mul3A_179 : i32
        "tpu.region"() ({
          %run_scoped3A = tpu.sem_alloc : memref<!tpu.dma_semaphore, #tpu.memory_space<semaphore_mem>>
          %dma_start3A_181 = tpu.memref_slice %arg10[%mul3A_180] : memref<10112xf32, #tpu.memory_space<hbm>> -> memref<128xf32, #tpu.memory_space<hbm>>
          %dma_start3A_182 = tpu.memref_slice %arg19[%mul3A_180] : memref<10112xf32, #tpu.memory_space<vmem_shared>> -> memref<128xf32, #tpu.memory_space<vmem_shared>>
          tpu.enqueue_dma source(%dma_start3A_182 : memref<128xf32, #tpu.memory_space<vmem_shared>>) target(%dma_start3A_181 : memref<128xf32, #tpu.memory_space<hbm>>) target_semaphore(%run_scoped3A : memref<!tpu.dma_semaphore, #tpu.memory_space<semaphore_mem>>)
          %dma_wait3A_183 = tpu.memref_slice %arg10[%mul3A_180] : memref<10112xf32, #tpu.memory_space<hbm>> -> memref<128xf32, #tpu.memory_space<hbm>>
          %dma_wait3A_184 = tpu.memref_slice %arg19[%mul3A_180] : memref<10112xf32, #tpu.memory_space<vmem_shared>> -> memref<128xf32, #tpu.memory_space<vmem_shared>>
          tpu.wait_dma2 semaphore(%run_scoped3A : memref<!tpu.dma_semaphore, #tpu.memory_space<semaphore_mem>>) src(%dma_wait3A_184 : memref<128xf32, #tpu.memory_space<vmem_shared>>) dst(%dma_wait3A_183 : memref<128xf32, #tpu.memory_space<hbm>>)
          tpu.yield
        }) : () -> ()
      } else {
      }
    } else {
    }
    %eq3A_137 = arith.constant 1 : i32
    %eq3A_138 = arith.cmpi eq, %arg0, %eq3A_137 : i32
    %convert_element_type3A_139 = arith.extui %eq3A_138 : i1 to i32
    %cond3A_140 = arith.constant 0 : i32
    %cond3A_141 = arith.cmpi ne, %convert_element_type3A_139, %cond3A_140 : i32
    scf.if %cond3A_141 {
      "tpu.region"() ({
        %run_scoped3A = tpu.sem_alloc : memref<!tpu.dma_semaphore, #tpu.memory_space<semaphore_mem>>
        %dma_start3A_177 = arith.constant 0 : i32
        %dma_start3A_178 = tpu.memref_slice %arg9[%mul3A_2, %dma_start3A_177] : memref<10112x128xf32, #tpu.memory_space<hbm>> -> memref<632x128xf32, #tpu.memory_space<hbm>>
        %dma_start3A_179 = arith.constant 0 : i32
        %dma_start3A_180 = tpu.memref_slice %arg18[%mul3A_2, %dma_start3A_179] : memref<10112x128xf32, #tpu.memory_space<vmem_shared>> -> memref<632x128xf32, #tpu.memory_space<vmem_shared>>
        tpu.enqueue_dma source(%dma_start3A_180 : memref<632x128xf32, #tpu.memory_space<vmem_shared>>) target(%dma_start3A_178 : memref<632x128xf32, #tpu.memory_space<hbm>>) target_semaphore(%run_scoped3A : memref<!tpu.dma_semaphore, #tpu.memory_space<semaphore_mem>>)
        %dma_wait3A_181 = arith.constant 0 : i32
        %dma_wait3A_182 = tpu.memref_slice %arg9[%mul3A_2, %dma_wait3A_181] : memref<10112x128xf32, #tpu.memory_space<hbm>> -> memref<632x128xf32, #tpu.memory_space<hbm>>
        %dma_wait3A_183 = arith.constant 0 : i32
        %dma_wait3A_184 = tpu.memref_slice %arg18[%mul3A_2, %dma_wait3A_183] : memref<10112x128xf32, #tpu.memory_space<vmem_shared>> -> memref<632x128xf32, #tpu.memory_space<vmem_shared>>
        tpu.wait_dma2 semaphore(%run_scoped3A : memref<!tpu.dma_semaphore, #tpu.memory_space<semaphore_mem>>) src(%dma_wait3A_184 : memref<632x128xf32, #tpu.memory_space<vmem_shared>>) dst(%dma_wait3A_182 : memref<632x128xf32, #tpu.memory_space<hbm>>)
        tpu.yield
      }) : () -> ()
      %add3A_142 = arith.constant 0 : i32
      %add3A_143 = arith.addi %arg1, %add3A_142 : i32
      %lt3A_144 = arith.constant 79 : i32
      %lt3A_145 = arith.cmpi slt, %add3A_143, %lt3A_144 : i32
      %convert_element_type3A_146 = arith.extui %lt3A_145 : i1 to i32
      %cond3A_147 = arith.constant 0 : i32
      %cond3A_148 = arith.cmpi ne, %convert_element_type3A_146, %cond3A_147 : i32
      scf.if %cond3A_148 {
        %add3A_177 = arith.constant 0 : i32
        %add3A_178 = arith.addi %arg1, %add3A_177 : i32
        %mul3A_179 = arith.constant 128 : i32
        %mul3A_180 = arith.muli %add3A_178, %mul3A_179 : i32
        "tpu.region"() ({
          %run_scoped3A = tpu.sem_alloc : memref<!tpu.dma_semaphore, #tpu.memory_space<semaphore_mem>>
          %dma_start3A_181 = tpu.memref_slice %arg11[%mul3A_180] : memref<10112xf32, #tpu.memory_space<hbm>> -> memref<128xf32, #tpu.memory_space<hbm>>
          %dma_start3A_182 = tpu.memref_slice %arg19[%mul3A_180] : memref<10112xf32, #tpu.memory_space<vmem_shared>> -> memref<128xf32, #tpu.memory_space<vmem_shared>>
          tpu.enqueue_dma source(%dma_start3A_182 : memref<128xf32, #tpu.memory_space<vmem_shared>>) target(%dma_start3A_181 : memref<128xf32, #tpu.memory_space<hbm>>) target_semaphore(%run_scoped3A : memref<!tpu.dma_semaphore, #tpu.memory_space<semaphore_mem>>)
          %dma_wait3A_183 = tpu.memref_slice %arg11[%mul3A_180] : memref<10112xf32, #tpu.memory_space<hbm>> -> memref<128xf32, #tpu.memory_space<hbm>>
          %dma_wait3A_184 = tpu.memref_slice %arg19[%mul3A_180] : memref<10112xf32, #tpu.memory_space<vmem_shared>> -> memref<128xf32, #tpu.memory_space<vmem_shared>>
          tpu.wait_dma2 semaphore(%run_scoped3A : memref<!tpu.dma_semaphore, #tpu.memory_space<semaphore_mem>>) src(%dma_wait3A_184 : memref<128xf32, #tpu.memory_space<vmem_shared>>) dst(%dma_wait3A_183 : memref<128xf32, #tpu.memory_space<hbm>>)
          tpu.yield
        }) : () -> ()
      } else {
      }
      %add3A_149 = arith.constant 16 : i32
      %add3A_150 = arith.addi %arg1, %add3A_149 : i32
      %lt3A_151 = arith.constant 79 : i32
      %lt3A_152 = arith.cmpi slt, %add3A_150, %lt3A_151 : i32
      %convert_element_type3A_153 = arith.extui %lt3A_152 : i1 to i32
      %cond3A_154 = arith.constant 0 : i32
      %cond3A_155 = arith.cmpi ne, %convert_element_type3A_153, %cond3A_154 : i32
      scf.if %cond3A_155 {
        %add3A_177 = arith.constant 16 : i32
        %add3A_178 = arith.addi %arg1, %add3A_177 : i32
        %mul3A_179 = arith.constant 128 : i32
        %mul3A_180 = arith.muli %add3A_178, %mul3A_179 : i32
        "tpu.region"() ({
          %run_scoped3A = tpu.sem_alloc : memref<!tpu.dma_semaphore, #tpu.memory_space<semaphore_mem>>
          %dma_start3A_181 = tpu.memref_slice %arg11[%mul3A_180] : memref<10112xf32, #tpu.memory_space<hbm>> -> memref<128xf32, #tpu.memory_space<hbm>>
          %dma_start3A_182 = tpu.memref_slice %arg19[%mul3A_180] : memref<10112xf32, #tpu.memory_space<vmem_shared>> -> memref<128xf32, #tpu.memory_space<vmem_shared>>
          tpu.enqueue_dma source(%dma_start3A_182 : memref<128xf32, #tpu.memory_space<vmem_shared>>) target(%dma_start3A_181 : memref<128xf32, #tpu.memory_space<hbm>>) target_semaphore(%run_scoped3A : memref<!tpu.dma_semaphore, #tpu.memory_space<semaphore_mem>>)
          %dma_wait3A_183 = tpu.memref_slice %arg11[%mul3A_180] : memref<10112xf32, #tpu.memory_space<hbm>> -> memref<128xf32, #tpu.memory_space<hbm>>
          %dma_wait3A_184 = tpu.memref_slice %arg19[%mul3A_180] : memref<10112xf32, #tpu.memory_space<vmem_shared>> -> memref<128xf32, #tpu.memory_space<vmem_shared>>
          tpu.wait_dma2 semaphore(%run_scoped3A : memref<!tpu.dma_semaphore, #tpu.memory_space<semaphore_mem>>) src(%dma_wait3A_184 : memref<128xf32, #tpu.memory_space<vmem_shared>>) dst(%dma_wait3A_183 : memref<128xf32, #tpu.memory_space<hbm>>)
          tpu.yield
        }) : () -> ()
      } else {
      }
      %add3A_156 = arith.constant 32 : i32
      %add3A_157 = arith.addi %arg1, %add3A_156 : i32
      %lt3A_158 = arith.constant 79 : i32
      %lt3A_159 = arith.cmpi slt, %add3A_157, %lt3A_158 : i32
      %convert_element_type3A_160 = arith.extui %lt3A_159 : i1 to i32
      %cond3A_161 = arith.constant 0 : i32
      %cond3A_162 = arith.cmpi ne, %convert_element_type3A_160, %cond3A_161 : i32
      scf.if %cond3A_162 {
        %add3A_177 = arith.constant 32 : i32
        %add3A_178 = arith.addi %arg1, %add3A_177 : i32
        %mul3A_179 = arith.constant 128 : i32
        %mul3A_180 = arith.muli %add3A_178, %mul3A_179 : i32
        "tpu.region"() ({
          %run_scoped3A = tpu.sem_alloc : memref<!tpu.dma_semaphore, #tpu.memory_space<semaphore_mem>>
          %dma_start3A_181 = tpu.memref_slice %arg11[%mul3A_180] : memref<10112xf32, #tpu.memory_space<hbm>> -> memref<128xf32, #tpu.memory_space<hbm>>
          %dma_start3A_182 = tpu.memref_slice %arg19[%mul3A_180] : memref<10112xf32, #tpu.memory_space<vmem_shared>> -> memref<128xf32, #tpu.memory_space<vmem_shared>>
          tpu.enqueue_dma source(%dma_start3A_182 : memref<128xf32, #tpu.memory_space<vmem_shared>>) target(%dma_start3A_181 : memref<128xf32, #tpu.memory_space<hbm>>) target_semaphore(%run_scoped3A : memref<!tpu.dma_semaphore, #tpu.memory_space<semaphore_mem>>)
          %dma_wait3A_183 = tpu.memref_slice %arg11[%mul3A_180] : memref<10112xf32, #tpu.memory_space<hbm>> -> memref<128xf32, #tpu.memory_space<hbm>>
          %dma_wait3A_184 = tpu.memref_slice %arg19[%mul3A_180] : memref<10112xf32, #tpu.memory_space<vmem_shared>> -> memref<128xf32, #tpu.memory_space<vmem_shared>>
          tpu.wait_dma2 semaphore(%run_scoped3A : memref<!tpu.dma_semaphore, #tpu.memory_space<semaphore_mem>>) src(%dma_wait3A_184 : memref<128xf32, #tpu.memory_space<vmem_shared>>) dst(%dma_wait3A_183 : memref<128xf32, #tpu.memory_space<hbm>>)
          tpu.yield
        }) : () -> ()
      } else {
      }
      %add3A_163 = arith.constant 48 : i32
      %add3A_164 = arith.addi %arg1, %add3A_163 : i32
      %lt3A_165 = arith.constant 79 : i32
      %lt3A_166 = arith.cmpi slt, %add3A_164, %lt3A_165 : i32
      %convert_element_type3A_167 = arith.extui %lt3A_166 : i1 to i32
      %cond3A_168 = arith.constant 0 : i32
      %cond3A_169 = arith.cmpi ne, %convert_element_type3A_167, %cond3A_168 : i32
      scf.if %cond3A_169 {
        %add3A_177 = arith.constant 48 : i32
        %add3A_178 = arith.addi %arg1, %add3A_177 : i32
        %mul3A_179 = arith.constant 128 : i32
        %mul3A_180 = arith.muli %add3A_178, %mul3A_179 : i32
        "tpu.region"() ({
          %run_scoped3A = tpu.sem_alloc : memref<!tpu.dma_semaphore, #tpu.memory_space<semaphore_mem>>
          %dma_start3A_181 = tpu.memref_slice %arg11[%mul3A_180] : memref<10112xf32, #tpu.memory_space<hbm>> -> memref<128xf32, #tpu.memory_space<hbm>>
          %dma_start3A_182 = tpu.memref_slice %arg19[%mul3A_180] : memref<10112xf32, #tpu.memory_space<vmem_shared>> -> memref<128xf32, #tpu.memory_space<vmem_shared>>
          tpu.enqueue_dma source(%dma_start3A_182 : memref<128xf32, #tpu.memory_space<vmem_shared>>) target(%dma_start3A_181 : memref<128xf32, #tpu.memory_space<hbm>>) target_semaphore(%run_scoped3A : memref<!tpu.dma_semaphore, #tpu.memory_space<semaphore_mem>>)
          %dma_wait3A_183 = tpu.memref_slice %arg11[%mul3A_180] : memref<10112xf32, #tpu.memory_space<hbm>> -> memref<128xf32, #tpu.memory_space<hbm>>
          %dma_wait3A_184 = tpu.memref_slice %arg19[%mul3A_180] : memref<10112xf32, #tpu.memory_space<vmem_shared>> -> memref<128xf32, #tpu.memory_space<vmem_shared>>
          tpu.wait_dma2 semaphore(%run_scoped3A : memref<!tpu.dma_semaphore, #tpu.memory_space<semaphore_mem>>) src(%dma_wait3A_184 : memref<128xf32, #tpu.memory_space<vmem_shared>>) dst(%dma_wait3A_183 : memref<128xf32, #tpu.memory_space<hbm>>)
          tpu.yield
        }) : () -> ()
      } else {
      }
      %add3A_170 = arith.constant 64 : i32
      %add3A_171 = arith.addi %arg1, %add3A_170 : i32
      %lt3A_172 = arith.constant 79 : i32
      %lt3A_173 = arith.cmpi slt, %add3A_171, %lt3A_172 : i32
      %convert_element_type3A_174 = arith.extui %lt3A_173 : i1 to i32
      %cond3A_175 = arith.constant 0 : i32
      %cond3A_176 = arith.cmpi ne, %convert_element_type3A_174, %cond3A_175 : i32
      scf.if %cond3A_176 {
        %add3A_177 = arith.constant 64 : i32
        %add3A_178 = arith.addi %arg1, %add3A_177 : i32
        %mul3A_179 = arith.constant 128 : i32
        %mul3A_180 = arith.muli %add3A_178, %mul3A_179 : i32
        "tpu.region"() ({
          %run_scoped3A = tpu.sem_alloc : memref<!tpu.dma_semaphore, #tpu.memory_space<semaphore_mem>>
          %dma_start3A_181 = tpu.memref_slice %arg11[%mul3A_180] : memref<10112xf32, #tpu.memory_space<hbm>> -> memref<128xf32, #tpu.memory_space<hbm>>
          %dma_start3A_182 = tpu.memref_slice %arg19[%mul3A_180] : memref<10112xf32, #tpu.memory_space<vmem_shared>> -> memref<128xf32, #tpu.memory_space<vmem_shared>>
          tpu.enqueue_dma source(%dma_start3A_182 : memref<128xf32, #tpu.memory_space<vmem_shared>>) target(%dma_start3A_181 : memref<128xf32, #tpu.memory_space<hbm>>) target_semaphore(%run_scoped3A : memref<!tpu.dma_semaphore, #tpu.memory_space<semaphore_mem>>)
          %dma_wait3A_183 = tpu.memref_slice %arg11[%mul3A_180] : memref<10112xf32, #tpu.memory_space<hbm>> -> memref<128xf32, #tpu.memory_space<hbm>>
          %dma_wait3A_184 = tpu.memref_slice %arg19[%mul3A_180] : memref<10112xf32, #tpu.memory_space<vmem_shared>> -> memref<128xf32, #tpu.memory_space<vmem_shared>>
          tpu.wait_dma2 semaphore(%run_scoped3A : memref<!tpu.dma_semaphore, #tpu.memory_space<semaphore_mem>>) src(%dma_wait3A_184 : memref<128xf32, #tpu.memory_space<vmem_shared>>) dst(%dma_wait3A_183 : memref<128xf32, #tpu.memory_space<hbm>>)
          tpu.yield
        }) : () -> ()
      } else {
      }
    } else {
    }
    return
  }
}

#map = affine_map<(d0, d1) -> (0, 0)>
#map1 = affine_map<(d0, d1) -> (0)>
#map2 = affine_map<(d0, d1) -> (0, 0, 0)>
module attributes {stable_mosaic.version = 14 : i64} {
  func.func @sc_segment_sum(%arg0: i32, %arg1: i32, %arg2: memref<10112x128xf32, #tpu.memory_space<hbm>>, %arg3: memref<323584xi32, #tpu.memory_space<hbm>>, %arg4: memref<32x79x128xi32, #tpu.memory_space<hbm>>, %arg5: memref<632x128xf32, #tpu.memory_space<hbm>>, %arg6: memref<128xf32, #tpu.memory_space<hbm>>, %arg7: memref<128xf32, #tpu.memory_space<hbm>>, %arg8: memref<10112x128xf32, #tpu.memory_space<hbm>>, %arg9: memref<10112x128xf32, #tpu.memory_space<hbm>>, %arg10: memref<128xi32, #tpu.memory_space<vmem>>, %arg11: memref<128xi32, #tpu.memory_space<vmem>>, %arg12: memref<79x128xi32, #tpu.memory_space<vmem>>, %arg13: memref<128xf32, #tpu.memory_space<vmem>>, %arg14: memref<128x128xf32, #tpu.memory_space<vmem>>, %arg15: memref<128x128xf32, #tpu.memory_space<vmem>>, %arg16: memref<10112x128xf32, #tpu.memory_space<vmem_shared>>, %arg17: memref<10112xf32, #tpu.memory_space<vmem_shared>>, %arg18: memref<!tpu.dma_semaphore, #tpu.memory_space<semaphore_mem>>, %arg19: memref<!tpu.dma_semaphore, #tpu.memory_space<semaphore_mem>>, %arg20: memref<!tpu.dma_semaphore, #tpu.memory_space<semaphore_mem>>, %arg21: memref<!tpu.dma_semaphore, #tpu.memory_space<semaphore_mem>>, %arg22: memref<!tpu.dma_semaphore, #tpu.memory_space<semaphore_mem>>, %arg23: memref<!tpu.dma_semaphore, #tpu.memory_space<semaphore_mem>>, %arg24: memref<!tpu.dma_semaphore, #tpu.memory_space<semaphore_mem>>) attributes {dimension_semantics = [#tpu.dimension_semantics<core_parallel>, #tpu.dimension_semantics<subcore_parallel>], iteration_bounds = array<i64: 2, 16>, scalar_prefetch = 0 : i64, scratch_operands = 15 : i64, tpu.core_type = #tpu.core_type<sc_vector_subcore>, window_params = [{transform_indices = #map}, {transform_indices = #map1}, {transform_indices = #map2}, {transform_indices = #map}, {transform_indices = #map1}, {transform_indices = #map1}, {transform_indices = #map}, {transform_indices = #map}]} {
    %mul3A = arith.constant 2 : i32
    %mul3A_0 = arith.muli %arg1, %mul3A : i32
    %add3A = arith.addi %mul3A_0, %arg0 : i32
    %mul3A_1 = arith.constant 632 : i32
    %mul3A_2 = arith.muli %arg1, %mul3A_1 : i32
    "tpu.region"() ({
      %run_scoped3A = tpu.sem_alloc : memref<!tpu.dma_semaphore, #tpu.memory_space<semaphore_mem>>
      %dma_start3A_85 = arith.constant 0 : i32
      %dma_start3A_86 = tpu.memref_slice %arg16[%mul3A_2, %dma_start3A_85] : memref<10112x128xf32, #tpu.memory_space<vmem_shared>> -> memref<632x128xf32, #tpu.memory_space<vmem_shared>>
      tpu.enqueue_dma source(%arg5 : memref<632x128xf32, #tpu.memory_space<hbm>>) target(%dma_start3A_86 : memref<632x128xf32, #tpu.memory_space<vmem_shared>>) target_semaphore(%run_scoped3A : memref<!tpu.dma_semaphore, #tpu.memory_space<semaphore_mem>>)
      %dma_wait3A_87 = arith.constant 0 : i32
      %dma_wait3A_88 = tpu.memref_slice %arg16[%mul3A_2, %dma_wait3A_87] : memref<10112x128xf32, #tpu.memory_space<vmem_shared>> -> memref<632x128xf32, #tpu.memory_space<vmem_shared>>
      tpu.wait_dma2 semaphore(%run_scoped3A : memref<!tpu.dma_semaphore, #tpu.memory_space<semaphore_mem>>) src(%arg5 : memref<632x128xf32, #tpu.memory_space<hbm>>) dst(%dma_wait3A_88 : memref<632x128xf32, #tpu.memory_space<vmem_shared>>)
      tpu.yield
    }) : () -> ()
    "tpu.region"() ({
      %run_scoped3A = tpu.sem_alloc : memref<!tpu.dma_semaphore, #tpu.memory_space<semaphore_mem>>
      %dma_start3A_85 = arith.constant 0 : i32
      %dma_start3A_86 = arith.constant 0 : i32
      %dma_start3A_87 = tpu.memref_slice %arg4[%add3A, %dma_start3A_85, %dma_start3A_86] : memref<32x79x128xi32, #tpu.memory_space<hbm>> -> memref<1x79x128xi32, #tpu.memory_space<hbm>>
      %dma_start3A_88 = tpu.memref_squeeze %dma_start3A_87 : memref<1x79x128xi32, #tpu.memory_space<hbm>> -> memref<79x128xi32, #tpu.memory_space<hbm>>
      %dma_start3A_89 = arith.constant 0 : i32
      %dma_start3A_90 = arith.constant 0 : i32
      %dma_start3A_91 = tpu.memref_slice %arg4[%add3A, %dma_start3A_89, %dma_start3A_90] : memref<32x79x128xi32, #tpu.memory_space<hbm>> -> memref<1x79x128xi32, #tpu.memory_space<hbm>>
      %dma_start3A_92 = tpu.memref_squeeze %dma_start3A_91 : memref<1x79x128xi32, #tpu.memory_space<hbm>> -> memref<79x128xi32, #tpu.memory_space<hbm>>
      tpu.enqueue_dma source(%dma_start3A_92 : memref<79x128xi32, #tpu.memory_space<hbm>>) target(%arg12 : memref<79x128xi32, #tpu.memory_space<vmem>>) target_semaphore(%run_scoped3A : memref<!tpu.dma_semaphore, #tpu.memory_space<semaphore_mem>>)
      %dma_wait3A_93 = arith.constant 0 : i32
      %dma_wait3A_94 = arith.constant 0 : i32
      %dma_wait3A_95 = tpu.memref_slice %arg4[%add3A, %dma_wait3A_93, %dma_wait3A_94] : memref<32x79x128xi32, #tpu.memory_space<hbm>> -> memref<1x79x128xi32, #tpu.memory_space<hbm>>
      %dma_wait3A_96 = tpu.memref_squeeze %dma_wait3A_95 : memref<1x79x128xi32, #tpu.memory_space<hbm>> -> memref<79x128xi32, #tpu.memory_space<hbm>>
      %dma_wait3A_97 = arith.constant 0 : i32
      %dma_wait3A_98 = arith.constant 0 : i32
      %dma_wait3A_99 = tpu.memref_slice %arg4[%add3A, %dma_wait3A_97, %dma_wait3A_98] : memref<32x79x128xi32, #tpu.memory_space<hbm>> -> memref<1x79x128xi32, #tpu.memory_space<hbm>>
      %dma_wait3A_100 = tpu.memref_squeeze %dma_wait3A_99 : memref<1x79x128xi32, #tpu.memory_space<hbm>> -> memref<79x128xi32, #tpu.memory_space<hbm>>
      tpu.wait_dma2 semaphore(%run_scoped3A : memref<!tpu.dma_semaphore, #tpu.memory_space<semaphore_mem>>) src(%dma_wait3A_100 : memref<79x128xi32, #tpu.memory_space<hbm>>) dst(%arg12 : memref<79x128xi32, #tpu.memory_space<vmem>>)
      tpu.yield
    }) : () -> ()
    "tpu.region"() ({
      %run_scoped3A = tpu.sem_alloc : memref<!tpu.dma_semaphore, #tpu.memory_space<semaphore_mem>>
      tpu.enqueue_dma source(%arg7 : memref<128xf32, #tpu.memory_space<hbm>>) target(%arg13 : memref<128xf32, #tpu.memory_space<vmem>>) target_semaphore(%run_scoped3A : memref<!tpu.dma_semaphore, #tpu.memory_space<semaphore_mem>>)
      tpu.wait_dma2 semaphore(%run_scoped3A : memref<!tpu.dma_semaphore, #tpu.memory_space<semaphore_mem>>) src(%arg7 : memref<128xf32, #tpu.memory_space<hbm>>) dst(%arg13 : memref<128xf32, #tpu.memory_space<vmem>>)
      tpu.yield
    }) : () -> ()
    %barrier3A = arith.constant 0 : index
    tpu.barrier barrier_id(%barrier3A)
    %mul3A_3 = arith.constant 10112 : i32
    %mul3A_4 = arith.muli %add3A, %mul3A_3 : i32
    "tpu.region"() ({
      %run_scoped3A = tpu.sem_alloc : memref<!tpu.dma_semaphore, #tpu.memory_space<semaphore_mem>>
      %dma_start3A_85 = tpu.memref_slice %arg3[%mul3A_4] : memref<323584xi32, #tpu.memory_space<hbm>> -> memref<128xi32, #tpu.memory_space<hbm>>
      %dma_start3A_86 = tpu.memref_slice %arg3[%mul3A_4] : memref<323584xi32, #tpu.memory_space<hbm>> -> memref<128xi32, #tpu.memory_space<hbm>>
      tpu.enqueue_dma source(%dma_start3A_86 : memref<128xi32, #tpu.memory_space<hbm>>) target(%arg10 : memref<128xi32, #tpu.memory_space<vmem>>) target_semaphore(%run_scoped3A : memref<!tpu.dma_semaphore, #tpu.memory_space<semaphore_mem>>)
      %dma_wait3A_87 = tpu.memref_slice %arg3[%mul3A_4] : memref<323584xi32, #tpu.memory_space<hbm>> -> memref<128xi32, #tpu.memory_space<hbm>>
      %dma_wait3A_88 = tpu.memref_slice %arg3[%mul3A_4] : memref<323584xi32, #tpu.memory_space<hbm>> -> memref<128xi32, #tpu.memory_space<hbm>>
      tpu.wait_dma2 semaphore(%run_scoped3A : memref<!tpu.dma_semaphore, #tpu.memory_space<semaphore_mem>>) src(%dma_wait3A_88 : memref<128xi32, #tpu.memory_space<hbm>>) dst(%arg10 : memref<128xi32, #tpu.memory_space<vmem>>)
      tpu.yield
    }) : () -> ()
    %dma_start3A = arith.constant 0 : i32
    %dma_start3A_5 = arith.constant 0 : i32
    %dma_start3A_6 = tpu.memref_slice %arg2[%dma_start3A, %dma_start3A_5] : memref<10112x128xf32, #tpu.memory_space<hbm>> -> memref<10112x128xf32, #tpu.memory_space<hbm>>
    tpu.enqueue_indirect_dma source(%dma_start3A_6 : memref<10112x128xf32, #tpu.memory_space<hbm>>) target(%arg14 : memref<128x128xf32, #tpu.memory_space<vmem>>) offsets(%arg10 : memref<128xi32, #tpu.memory_space<vmem>>) semaphore(%arg18 : memref<!tpu.dma_semaphore, #tpu.memory_space<semaphore_mem>>)
    %add3A_7 = arith.constant 128 : i32
    %add3A_8 = arith.addi %mul3A_4, %add3A_7 : i32
    "tpu.region"() ({
      %run_scoped3A = tpu.sem_alloc : memref<!tpu.dma_semaphore, #tpu.memory_space<semaphore_mem>>
      %dma_start3A_85 = tpu.memref_slice %arg3[%add3A_8] : memref<323584xi32, #tpu.memory_space<hbm>> -> memref<128xi32, #tpu.memory_space<hbm>>
      %dma_start3A_86 = tpu.memref_slice %arg3[%add3A_8] : memref<323584xi32, #tpu.memory_space<hbm>> -> memref<128xi32, #tpu.memory_space<hbm>>
      tpu.enqueue_dma source(%dma_start3A_86 : memref<128xi32, #tpu.memory_space<hbm>>) target(%arg11 : memref<128xi32, #tpu.memory_space<vmem>>) target_semaphore(%run_scoped3A : memref<!tpu.dma_semaphore, #tpu.memory_space<semaphore_mem>>)
      %dma_wait3A_87 = tpu.memref_slice %arg3[%add3A_8] : memref<323584xi32, #tpu.memory_space<hbm>> -> memref<128xi32, #tpu.memory_space<hbm>>
      %dma_wait3A_88 = tpu.memref_slice %arg3[%add3A_8] : memref<323584xi32, #tpu.memory_space<hbm>> -> memref<128xi32, #tpu.memory_space<hbm>>
      tpu.wait_dma2 semaphore(%run_scoped3A : memref<!tpu.dma_semaphore, #tpu.memory_space<semaphore_mem>>) src(%dma_wait3A_88 : memref<128xi32, #tpu.memory_space<hbm>>) dst(%arg11 : memref<128xi32, #tpu.memory_space<vmem>>)
      tpu.yield
    }) : () -> ()
    %dma_start3A_9 = arith.constant 0 : i32
    %dma_start3A_10 = arith.constant 0 : i32
    %dma_start3A_11 = tpu.memref_slice %arg2[%dma_start3A_9, %dma_start3A_10] : memref<10112x128xf32, #tpu.memory_space<hbm>> -> memref<10112x128xf32, #tpu.memory_space<hbm>>
    tpu.enqueue_indirect_dma source(%dma_start3A_11 : memref<10112x128xf32, #tpu.memory_space<hbm>>) target(%arg15 : memref<128x128xf32, #tpu.memory_space<vmem>>) offsets(%arg11 : memref<128xi32, #tpu.memory_space<vmem>>) semaphore(%arg19 : memref<!tpu.dma_semaphore, #tpu.memory_space<semaphore_mem>>)
    %scan3A = arith.constant 0 : i32
    %scan3A_12 = arith.constant 38 : i32
    %scan3A_13 = arith.addi %scan3A, %scan3A_12 : i32
    %scan3A_14 = arith.constant 1 : i32
    scf.for %scan3A_85 = %scan3A to %scan3A_13 step %scan3A_14  : i32 {
      %mul3A_86 = arith.constant 2 : i32
      %mul3A_87 = arith.muli %scan3A_85, %mul3A_86 : i32
      %add3A_88 = arith.constant 0 : i32
      %add3A_89 = arith.addi %add3A_88, %mul3A_87 : i32
      %dma_wait3A_90 = arith.constant 0 : i32
      %dma_wait3A_91 = arith.constant 0 : i32
      %dma_wait3A_92 = tpu.memref_slice %arg2[%dma_wait3A_90, %dma_wait3A_91] : memref<10112x128xf32, #tpu.memory_space<hbm>> -> memref<10112x128xf32, #tpu.memory_space<hbm>>
      tpu.wait_indirect_dma semaphore(%arg18 : memref<!tpu.dma_semaphore, #tpu.memory_space<semaphore_mem>>) src(%dma_wait3A_92 : memref<10112x128xf32, #tpu.memory_space<hbm>>) dst(%arg14 : memref<128x128xf32, #tpu.memory_space<vmem>>)
      %add3A_93 = arith.constant 2 : i32
      %add3A_94 = arith.addi %add3A_89, %add3A_93 : i32
      %mul3A_95 = arith.constant 128 : i32
      %mul3A_96 = arith.muli %add3A_94, %mul3A_95 : i32
      %add3A_97 = arith.addi %mul3A_4, %mul3A_96 : i32
      %dma_start3A_98 = tpu.memref_slice %arg3[%add3A_97] : memref<323584xi32, #tpu.memory_space<hbm>> -> memref<128xi32, #tpu.memory_space<hbm>>
      %dma_start3A_99 = tpu.memref_slice %arg3[%add3A_97] : memref<323584xi32, #tpu.memory_space<hbm>> -> memref<128xi32, #tpu.memory_space<hbm>>
      tpu.enqueue_dma source(%dma_start3A_99 : memref<128xi32, #tpu.memory_space<hbm>>) target(%arg10 : memref<128xi32, #tpu.memory_space<vmem>>) target_semaphore(%arg20 : memref<!tpu.dma_semaphore, #tpu.memory_space<semaphore_mem>>)
      %dma_start3A_100 = arith.constant 0 : i32
      %dma_start3A_101 = tpu.memref_slice %arg12[%add3A_89, %dma_start3A_100] : memref<79x128xi32, #tpu.memory_space<vmem>> -> memref<1x128xi32, #tpu.memory_space<vmem>>
      %dma_start3A_102 = tpu.memref_squeeze %dma_start3A_101 : memref<1x128xi32, #tpu.memory_space<vmem>> -> memref<128xi32, #tpu.memory_space<vmem>>
      %dma_start3A_103 = arith.constant 0 : i32
      %dma_start3A_104 = arith.constant 0 : i32
      %dma_start3A_105 = tpu.memref_slice %arg16[%dma_start3A_103, %dma_start3A_104] : memref<10112x128xf32, #tpu.memory_space<vmem_shared>> -> memref<10112x128xf32, #tpu.memory_space<vmem_shared>>
      tpu.enqueue_indirect_dma source(%arg14 : memref<128x128xf32, #tpu.memory_space<vmem>>) target(%dma_start3A_105 : memref<10112x128xf32, #tpu.memory_space<vmem_shared>>) offsets(%dma_start3A_102 : memref<128xi32, #tpu.memory_space<vmem>>) semaphore(%arg22 : memref<!tpu.dma_semaphore, #tpu.memory_space<semaphore_mem>>) {add = true}
      %dma_wait3A_106 = arith.constant 0 : i32
      %dma_wait3A_107 = arith.constant 0 : i32
      %dma_wait3A_108 = tpu.memref_slice %arg2[%dma_wait3A_106, %dma_wait3A_107] : memref<10112x128xf32, #tpu.memory_space<hbm>> -> memref<10112x128xf32, #tpu.memory_space<hbm>>
      tpu.wait_indirect_dma semaphore(%arg19 : memref<!tpu.dma_semaphore, #tpu.memory_space<semaphore_mem>>) src(%dma_wait3A_108 : memref<10112x128xf32, #tpu.memory_space<hbm>>) dst(%arg15 : memref<128x128xf32, #tpu.memory_space<vmem>>)
      %add3A_109 = arith.constant 3 : i32
      %add3A_110 = arith.addi %add3A_89, %add3A_109 : i32
      %mul3A_111 = arith.constant 128 : i32
      %mul3A_112 = arith.muli %add3A_110, %mul3A_111 : i32
      %add3A_113 = arith.addi %mul3A_4, %mul3A_112 : i32
      %dma_start3A_114 = tpu.memref_slice %arg3[%add3A_113] : memref<323584xi32, #tpu.memory_space<hbm>> -> memref<128xi32, #tpu.memory_space<hbm>>
      %dma_start3A_115 = tpu.memref_slice %arg3[%add3A_113] : memref<323584xi32, #tpu.memory_space<hbm>> -> memref<128xi32, #tpu.memory_space<hbm>>
      tpu.enqueue_dma source(%dma_start3A_115 : memref<128xi32, #tpu.memory_space<hbm>>) target(%arg11 : memref<128xi32, #tpu.memory_space<vmem>>) target_semaphore(%arg21 : memref<!tpu.dma_semaphore, #tpu.memory_space<semaphore_mem>>)
      %add3A_116 = arith.constant 1 : i32
      %add3A_117 = arith.addi %add3A_89, %add3A_116 : i32
      %dma_start3A_118 = arith.constant 0 : i32
      %dma_start3A_119 = tpu.memref_slice %arg12[%add3A_117, %dma_start3A_118] : memref<79x128xi32, #tpu.memory_space<vmem>> -> memref<1x128xi32, #tpu.memory_space<vmem>>
      %dma_start3A_120 = tpu.memref_squeeze %dma_start3A_119 : memref<1x128xi32, #tpu.memory_space<vmem>> -> memref<128xi32, #tpu.memory_space<vmem>>
      %dma_start3A_121 = arith.constant 0 : i32
      %dma_start3A_122 = arith.constant 0 : i32
      %dma_start3A_123 = tpu.memref_slice %arg16[%dma_start3A_121, %dma_start3A_122] : memref<10112x128xf32, #tpu.memory_space<vmem_shared>> -> memref<10112x128xf32, #tpu.memory_space<vmem_shared>>
      tpu.enqueue_indirect_dma source(%arg15 : memref<128x128xf32, #tpu.memory_space<vmem>>) target(%dma_start3A_123 : memref<10112x128xf32, #tpu.memory_space<vmem_shared>>) offsets(%dma_start3A_120 : memref<128xi32, #tpu.memory_space<vmem>>) semaphore(%arg23 : memref<!tpu.dma_semaphore, #tpu.memory_space<semaphore_mem>>) {add = true}
      %add3A_124 = arith.constant 2 : i32
      %add3A_125 = arith.addi %add3A_89, %add3A_124 : i32
      %mul3A_126 = arith.constant 128 : i32
      %mul3A_127 = arith.muli %add3A_125, %mul3A_126 : i32
      %add3A_128 = arith.addi %mul3A_4, %mul3A_127 : i32
      %dma_wait3A_129 = tpu.memref_slice %arg3[%add3A_128] : memref<323584xi32, #tpu.memory_space<hbm>> -> memref<128xi32, #tpu.memory_space<hbm>>
      %dma_wait3A_130 = tpu.memref_slice %arg3[%add3A_128] : memref<323584xi32, #tpu.memory_space<hbm>> -> memref<128xi32, #tpu.memory_space<hbm>>
      tpu.wait_dma2 semaphore(%arg20 : memref<!tpu.dma_semaphore, #tpu.memory_space<semaphore_mem>>) src(%dma_wait3A_130 : memref<128xi32, #tpu.memory_space<hbm>>) dst(%arg10 : memref<128xi32, #tpu.memory_space<vmem>>)
      %dma_wait3A_131 = arith.constant 0 : i32
      %dma_wait3A_132 = tpu.memref_slice %arg12[%add3A_89, %dma_wait3A_131] : memref<79x128xi32, #tpu.memory_space<vmem>> -> memref<1x128xi32, #tpu.memory_space<vmem>>
      %dma_wait3A_133 = tpu.memref_squeeze %dma_wait3A_132 : memref<1x128xi32, #tpu.memory_space<vmem>> -> memref<128xi32, #tpu.memory_space<vmem>>
      %dma_wait3A_134 = arith.constant 0 : i32
      %dma_wait3A_135 = arith.constant 0 : i32
      %dma_wait3A_136 = tpu.memref_slice %arg16[%dma_wait3A_134, %dma_wait3A_135] : memref<10112x128xf32, #tpu.memory_space<vmem_shared>> -> memref<10112x128xf32, #tpu.memory_space<vmem_shared>>
      tpu.wait_indirect_dma semaphore(%arg22 : memref<!tpu.dma_semaphore, #tpu.memory_space<semaphore_mem>>) src(%arg14 : memref<128x128xf32, #tpu.memory_space<vmem>>) dst(%dma_wait3A_136 : memref<10112x128xf32, #tpu.memory_space<vmem_shared>>)
      %dma_start3A_137 = arith.constant 0 : i32
      %dma_start3A_138 = arith.constant 0 : i32
      %dma_start3A_139 = tpu.memref_slice %arg2[%dma_start3A_137, %dma_start3A_138] : memref<10112x128xf32, #tpu.memory_space<hbm>> -> memref<10112x128xf32, #tpu.memory_space<hbm>>
      tpu.enqueue_indirect_dma source(%dma_start3A_139 : memref<10112x128xf32, #tpu.memory_space<hbm>>) target(%arg14 : memref<128x128xf32, #tpu.memory_space<vmem>>) offsets(%arg10 : memref<128xi32, #tpu.memory_space<vmem>>) semaphore(%arg18 : memref<!tpu.dma_semaphore, #tpu.memory_space<semaphore_mem>>)
      %add3A_140 = arith.constant 3 : i32
      %add3A_141 = arith.addi %add3A_89, %add3A_140 : i32
      %mul3A_142 = arith.constant 128 : i32
      %mul3A_143 = arith.muli %add3A_141, %mul3A_142 : i32
      %add3A_144 = arith.addi %mul3A_4, %mul3A_143 : i32
      %dma_wait3A_145 = tpu.memref_slice %arg3[%add3A_144] : memref<323584xi32, #tpu.memory_space<hbm>> -> memref<128xi32, #tpu.memory_space<hbm>>
      %dma_wait3A_146 = tpu.memref_slice %arg3[%add3A_144] : memref<323584xi32, #tpu.memory_space<hbm>> -> memref<128xi32, #tpu.memory_space<hbm>>
      tpu.wait_dma2 semaphore(%arg21 : memref<!tpu.dma_semaphore, #tpu.memory_space<semaphore_mem>>) src(%dma_wait3A_146 : memref<128xi32, #tpu.memory_space<hbm>>) dst(%arg11 : memref<128xi32, #tpu.memory_space<vmem>>)
      %add3A_147 = arith.constant 1 : i32
      %add3A_148 = arith.addi %add3A_89, %add3A_147 : i32
      %dma_wait3A_149 = arith.constant 0 : i32
      %dma_wait3A_150 = tpu.memref_slice %arg12[%add3A_148, %dma_wait3A_149] : memref<79x128xi32, #tpu.memory_space<vmem>> -> memref<1x128xi32, #tpu.memory_space<vmem>>
      %dma_wait3A_151 = tpu.memref_squeeze %dma_wait3A_150 : memref<1x128xi32, #tpu.memory_space<vmem>> -> memref<128xi32, #tpu.memory_space<vmem>>
      %dma_wait3A_152 = arith.constant 0 : i32
      %dma_wait3A_153 = arith.constant 0 : i32
      %dma_wait3A_154 = tpu.memref_slice %arg16[%dma_wait3A_152, %dma_wait3A_153] : memref<10112x128xf32, #tpu.memory_space<vmem_shared>> -> memref<10112x128xf32, #tpu.memory_space<vmem_shared>>
      tpu.wait_indirect_dma semaphore(%arg23 : memref<!tpu.dma_semaphore, #tpu.memory_space<semaphore_mem>>) src(%arg15 : memref<128x128xf32, #tpu.memory_space<vmem>>) dst(%dma_wait3A_154 : memref<10112x128xf32, #tpu.memory_space<vmem_shared>>)
      %dma_start3A_155 = arith.constant 0 : i32
      %dma_start3A_156 = arith.constant 0 : i32
      %dma_start3A_157 = tpu.memref_slice %arg2[%dma_start3A_155, %dma_start3A_156] : memref<10112x128xf32, #tpu.memory_space<hbm>> -> memref<10112x128xf32, #tpu.memory_space<hbm>>
      tpu.enqueue_indirect_dma source(%dma_start3A_157 : memref<10112x128xf32, #tpu.memory_space<hbm>>) target(%arg15 : memref<128x128xf32, #tpu.memory_space<vmem>>) offsets(%arg11 : memref<128xi32, #tpu.memory_space<vmem>>) semaphore(%arg19 : memref<!tpu.dma_semaphore, #tpu.memory_space<semaphore_mem>>)
    }
    %scan3A_15 = arith.constant 38 : i32
    %dma_wait3A = arith.constant 0 : i32
    %dma_wait3A_16 = arith.constant 0 : i32
    %dma_wait3A_17 = tpu.memref_slice %arg2[%dma_wait3A, %dma_wait3A_16] : memref<10112x128xf32, #tpu.memory_space<hbm>> -> memref<10112x128xf32, #tpu.memory_space<hbm>>
    tpu.wait_indirect_dma semaphore(%arg18 : memref<!tpu.dma_semaphore, #tpu.memory_space<semaphore_mem>>) src(%dma_wait3A_17 : memref<10112x128xf32, #tpu.memory_space<hbm>>) dst(%arg14 : memref<128x128xf32, #tpu.memory_space<vmem>>)
    %add3A_18 = arith.constant 9984 : i32
    %add3A_19 = arith.addi %mul3A_4, %add3A_18 : i32
    %dma_start3A_20 = tpu.memref_slice %arg3[%add3A_19] : memref<323584xi32, #tpu.memory_space<hbm>> -> memref<128xi32, #tpu.memory_space<hbm>>
    %dma_start3A_21 = tpu.memref_slice %arg3[%add3A_19] : memref<323584xi32, #tpu.memory_space<hbm>> -> memref<128xi32, #tpu.memory_space<hbm>>
    tpu.enqueue_dma source(%dma_start3A_21 : memref<128xi32, #tpu.memory_space<hbm>>) target(%arg10 : memref<128xi32, #tpu.memory_space<vmem>>) target_semaphore(%arg20 : memref<!tpu.dma_semaphore, #tpu.memory_space<semaphore_mem>>)
    %dma_start3A_22 = arith.constant 76 : i32
    %dma_start3A_23 = arith.constant 0 : i32
    %dma_start3A_24 = tpu.memref_slice %arg12[%dma_start3A_22, %dma_start3A_23] : memref<79x128xi32, #tpu.memory_space<vmem>> -> memref<1x128xi32, #tpu.memory_space<vmem>>
    %dma_start3A_25 = tpu.memref_squeeze %dma_start3A_24 : memref<1x128xi32, #tpu.memory_space<vmem>> -> memref<128xi32, #tpu.memory_space<vmem>>
    %dma_start3A_26 = arith.constant 0 : i32
    %dma_start3A_27 = arith.constant 0 : i32
    %dma_start3A_28 = tpu.memref_slice %arg16[%dma_start3A_26, %dma_start3A_27] : memref<10112x128xf32, #tpu.memory_space<vmem_shared>> -> memref<10112x128xf32, #tpu.memory_space<vmem_shared>>
    tpu.enqueue_indirect_dma source(%arg14 : memref<128x128xf32, #tpu.memory_space<vmem>>) target(%dma_start3A_28 : memref<10112x128xf32, #tpu.memory_space<vmem_shared>>) offsets(%dma_start3A_25 : memref<128xi32, #tpu.memory_space<vmem>>) semaphore(%arg22 : memref<!tpu.dma_semaphore, #tpu.memory_space<semaphore_mem>>) {add = true}
    %dma_wait3A_29 = arith.constant 0 : i32
    %dma_wait3A_30 = arith.constant 0 : i32
    %dma_wait3A_31 = tpu.memref_slice %arg2[%dma_wait3A_29, %dma_wait3A_30] : memref<10112x128xf32, #tpu.memory_space<hbm>> -> memref<10112x128xf32, #tpu.memory_space<hbm>>
    tpu.wait_indirect_dma semaphore(%arg19 : memref<!tpu.dma_semaphore, #tpu.memory_space<semaphore_mem>>) src(%dma_wait3A_31 : memref<10112x128xf32, #tpu.memory_space<hbm>>) dst(%arg15 : memref<128x128xf32, #tpu.memory_space<vmem>>)
    %dma_start3A_32 = arith.constant 77 : i32
    %dma_start3A_33 = arith.constant 0 : i32
    %dma_start3A_34 = tpu.memref_slice %arg12[%dma_start3A_32, %dma_start3A_33] : memref<79x128xi32, #tpu.memory_space<vmem>> -> memref<1x128xi32, #tpu.memory_space<vmem>>
    %dma_start3A_35 = tpu.memref_squeeze %dma_start3A_34 : memref<1x128xi32, #tpu.memory_space<vmem>> -> memref<128xi32, #tpu.memory_space<vmem>>
    %dma_start3A_36 = arith.constant 0 : i32
    %dma_start3A_37 = arith.constant 0 : i32
    %dma_start3A_38 = tpu.memref_slice %arg16[%dma_start3A_36, %dma_start3A_37] : memref<10112x128xf32, #tpu.memory_space<vmem_shared>> -> memref<10112x128xf32, #tpu.memory_space<vmem_shared>>
    tpu.enqueue_indirect_dma source(%arg15 : memref<128x128xf32, #tpu.memory_space<vmem>>) target(%dma_start3A_38 : memref<10112x128xf32, #tpu.memory_space<vmem_shared>>) offsets(%dma_start3A_35 : memref<128xi32, #tpu.memory_space<vmem>>) semaphore(%arg23 : memref<!tpu.dma_semaphore, #tpu.memory_space<semaphore_mem>>) {add = true}
    %add3A_39 = arith.constant 9984 : i32
    %add3A_40 = arith.addi %mul3A_4, %add3A_39 : i32
    %dma_wait3A_41 = tpu.memref_slice %arg3[%add3A_40] : memref<323584xi32, #tpu.memory_space<hbm>> -> memref<128xi32, #tpu.memory_space<hbm>>
    %dma_wait3A_42 = tpu.memref_slice %arg3[%add3A_40] : memref<323584xi32, #tpu.memory_space<hbm>> -> memref<128xi32, #tpu.memory_space<hbm>>
    tpu.wait_dma2 semaphore(%arg20 : memref<!tpu.dma_semaphore, #tpu.memory_space<semaphore_mem>>) src(%dma_wait3A_42 : memref<128xi32, #tpu.memory_space<hbm>>) dst(%arg10 : memref<128xi32, #tpu.memory_space<vmem>>)
    %dma_wait3A_43 = arith.constant 76 : i32
    %dma_wait3A_44 = arith.constant 0 : i32
    %dma_wait3A_45 = tpu.memref_slice %arg12[%dma_wait3A_43, %dma_wait3A_44] : memref<79x128xi32, #tpu.memory_space<vmem>> -> memref<1x128xi32, #tpu.memory_space<vmem>>
    %dma_wait3A_46 = tpu.memref_squeeze %dma_wait3A_45 : memref<1x128xi32, #tpu.memory_space<vmem>> -> memref<128xi32, #tpu.memory_space<vmem>>
    %dma_wait3A_47 = arith.constant 0 : i32
    %dma_wait3A_48 = arith.constant 0 : i32
    %dma_wait3A_49 = tpu.memref_slice %arg16[%dma_wait3A_47, %dma_wait3A_48] : memref<10112x128xf32, #tpu.memory_space<vmem_shared>> -> memref<10112x128xf32, #tpu.memory_space<vmem_shared>>
    tpu.wait_indirect_dma semaphore(%arg22 : memref<!tpu.dma_semaphore, #tpu.memory_space<semaphore_mem>>) src(%arg14 : memref<128x128xf32, #tpu.memory_space<vmem>>) dst(%dma_wait3A_49 : memref<10112x128xf32, #tpu.memory_space<vmem_shared>>)
    %dma_start3A_50 = arith.constant 0 : i32
    %dma_start3A_51 = arith.constant 0 : i32
    %dma_start3A_52 = tpu.memref_slice %arg2[%dma_start3A_50, %dma_start3A_51] : memref<10112x128xf32, #tpu.memory_space<hbm>> -> memref<10112x128xf32, #tpu.memory_space<hbm>>
    tpu.enqueue_indirect_dma source(%dma_start3A_52 : memref<10112x128xf32, #tpu.memory_space<hbm>>) target(%arg14 : memref<128x128xf32, #tpu.memory_space<vmem>>) offsets(%arg10 : memref<128xi32, #tpu.memory_space<vmem>>) semaphore(%arg18 : memref<!tpu.dma_semaphore, #tpu.memory_space<semaphore_mem>>)
    %dma_wait3A_53 = arith.constant 0 : i32
    %dma_wait3A_54 = arith.constant 0 : i32
    %dma_wait3A_55 = tpu.memref_slice %arg2[%dma_wait3A_53, %dma_wait3A_54] : memref<10112x128xf32, #tpu.memory_space<hbm>> -> memref<10112x128xf32, #tpu.memory_space<hbm>>
    tpu.wait_indirect_dma semaphore(%arg18 : memref<!tpu.dma_semaphore, #tpu.memory_space<semaphore_mem>>) src(%dma_wait3A_55 : memref<10112x128xf32, #tpu.memory_space<hbm>>) dst(%arg14 : memref<128x128xf32, #tpu.memory_space<vmem>>)
    %dma_start3A_56 = arith.constant 78 : i32
    %dma_start3A_57 = arith.constant 0 : i32
    %dma_start3A_58 = tpu.memref_slice %arg12[%dma_start3A_56, %dma_start3A_57] : memref<79x128xi32, #tpu.memory_space<vmem>> -> memref<1x128xi32, #tpu.memory_space<vmem>>
    %dma_start3A_59 = tpu.memref_squeeze %dma_start3A_58 : memref<1x128xi32, #tpu.memory_space<vmem>> -> memref<128xi32, #tpu.memory_space<vmem>>
    %dma_start3A_60 = arith.constant 0 : i32
    %dma_start3A_61 = arith.constant 0 : i32
    %dma_start3A_62 = tpu.memref_slice %arg16[%dma_start3A_60, %dma_start3A_61] : memref<10112x128xf32, #tpu.memory_space<vmem_shared>> -> memref<10112x128xf32, #tpu.memory_space<vmem_shared>>
    tpu.enqueue_indirect_dma source(%arg14 : memref<128x128xf32, #tpu.memory_space<vmem>>) target(%dma_start3A_62 : memref<10112x128xf32, #tpu.memory_space<vmem_shared>>) offsets(%dma_start3A_59 : memref<128xi32, #tpu.memory_space<vmem>>) semaphore(%arg22 : memref<!tpu.dma_semaphore, #tpu.memory_space<semaphore_mem>>) {add = true}
    %dma_wait3A_63 = arith.constant 78 : i32
    %dma_wait3A_64 = arith.constant 0 : i32
    %dma_wait3A_65 = tpu.memref_slice %arg12[%dma_wait3A_63, %dma_wait3A_64] : memref<79x128xi32, #tpu.memory_space<vmem>> -> memref<1x128xi32, #tpu.memory_space<vmem>>
    %dma_wait3A_66 = tpu.memref_squeeze %dma_wait3A_65 : memref<1x128xi32, #tpu.memory_space<vmem>> -> memref<128xi32, #tpu.memory_space<vmem>>
    %dma_wait3A_67 = arith.constant 0 : i32
    %dma_wait3A_68 = arith.constant 0 : i32
    %dma_wait3A_69 = tpu.memref_slice %arg16[%dma_wait3A_67, %dma_wait3A_68] : memref<10112x128xf32, #tpu.memory_space<vmem_shared>> -> memref<10112x128xf32, #tpu.memory_space<vmem_shared>>
    tpu.wait_indirect_dma semaphore(%arg22 : memref<!tpu.dma_semaphore, #tpu.memory_space<semaphore_mem>>) src(%arg14 : memref<128x128xf32, #tpu.memory_space<vmem>>) dst(%dma_wait3A_69 : memref<10112x128xf32, #tpu.memory_space<vmem_shared>>)
    %dma_wait3A_70 = arith.constant 77 : i32
    %dma_wait3A_71 = arith.constant 0 : i32
    %dma_wait3A_72 = tpu.memref_slice %arg12[%dma_wait3A_70, %dma_wait3A_71] : memref<79x128xi32, #tpu.memory_space<vmem>> -> memref<1x128xi32, #tpu.memory_space<vmem>>
    %dma_wait3A_73 = tpu.memref_squeeze %dma_wait3A_72 : memref<1x128xi32, #tpu.memory_space<vmem>> -> memref<128xi32, #tpu.memory_space<vmem>>
    %dma_wait3A_74 = arith.constant 0 : i32
    %dma_wait3A_75 = arith.constant 0 : i32
    %dma_wait3A_76 = tpu.memref_slice %arg16[%dma_wait3A_74, %dma_wait3A_75] : memref<10112x128xf32, #tpu.memory_space<vmem_shared>> -> memref<10112x128xf32, #tpu.memory_space<vmem_shared>>
    tpu.wait_indirect_dma semaphore(%arg23 : memref<!tpu.dma_semaphore, #tpu.memory_space<semaphore_mem>>) src(%arg15 : memref<128x128xf32, #tpu.memory_space<vmem>>) dst(%dma_wait3A_76 : memref<10112x128xf32, #tpu.memory_space<vmem_shared>>)
    %barrier3A_77 = arith.constant 0 : index
    tpu.barrier barrier_id(%barrier3A_77)
    %eq3A = arith.constant 0 : i32
    %eq3A_78 = arith.cmpi eq, %arg0, %eq3A : i32
    %convert_element_type3A = arith.extui %eq3A_78 : i1 to i32
    %cond3A = arith.constant 0 : i32
    %cond3A_79 = arith.cmpi ne, %convert_element_type3A, %cond3A : i32
    scf.if %cond3A_79 {
      "tpu.region"() ({
        %run_scoped3A = tpu.sem_alloc : memref<!tpu.dma_semaphore, #tpu.memory_space<semaphore_mem>>
        %dma_start3A_85 = arith.constant 0 : i32
        %dma_start3A_86 = tpu.memref_slice %arg8[%mul3A_2, %dma_start3A_85] : memref<10112x128xf32, #tpu.memory_space<hbm>> -> memref<632x128xf32, #tpu.memory_space<hbm>>
        %dma_start3A_87 = arith.constant 0 : i32
        %dma_start3A_88 = tpu.memref_slice %arg16[%mul3A_2, %dma_start3A_87] : memref<10112x128xf32, #tpu.memory_space<vmem_shared>> -> memref<632x128xf32, #tpu.memory_space<vmem_shared>>
        tpu.enqueue_dma source(%dma_start3A_88 : memref<632x128xf32, #tpu.memory_space<vmem_shared>>) target(%dma_start3A_86 : memref<632x128xf32, #tpu.memory_space<hbm>>) target_semaphore(%run_scoped3A : memref<!tpu.dma_semaphore, #tpu.memory_space<semaphore_mem>>)
        %dma_wait3A_89 = arith.constant 0 : i32
        %dma_wait3A_90 = tpu.memref_slice %arg8[%mul3A_2, %dma_wait3A_89] : memref<10112x128xf32, #tpu.memory_space<hbm>> -> memref<632x128xf32, #tpu.memory_space<hbm>>
        %dma_wait3A_91 = arith.constant 0 : i32
        %dma_wait3A_92 = tpu.memref_slice %arg16[%mul3A_2, %dma_wait3A_91] : memref<10112x128xf32, #tpu.memory_space<vmem_shared>> -> memref<632x128xf32, #tpu.memory_space<vmem_shared>>
        tpu.wait_dma2 semaphore(%run_scoped3A : memref<!tpu.dma_semaphore, #tpu.memory_space<semaphore_mem>>) src(%dma_wait3A_92 : memref<632x128xf32, #tpu.memory_space<vmem_shared>>) dst(%dma_wait3A_90 : memref<632x128xf32, #tpu.memory_space<hbm>>)
        tpu.yield
      }) : () -> ()
    } else {
    }
    %eq3A_80 = arith.constant 1 : i32
    %eq3A_81 = arith.cmpi eq, %arg0, %eq3A_80 : i32
    %convert_element_type3A_82 = arith.extui %eq3A_81 : i1 to i32
    %cond3A_83 = arith.constant 0 : i32
    %cond3A_84 = arith.cmpi ne, %convert_element_type3A_82, %cond3A_83 : i32
    scf.if %cond3A_84 {
      "tpu.region"() ({
        %run_scoped3A = tpu.sem_alloc : memref<!tpu.dma_semaphore, #tpu.memory_space<semaphore_mem>>
        %dma_start3A_85 = arith.constant 0 : i32
        %dma_start3A_86 = tpu.memref_slice %arg9[%mul3A_2, %dma_start3A_85] : memref<10112x128xf32, #tpu.memory_space<hbm>> -> memref<632x128xf32, #tpu.memory_space<hbm>>
        %dma_start3A_87 = arith.constant 0 : i32
        %dma_start3A_88 = tpu.memref_slice %arg16[%mul3A_2, %dma_start3A_87] : memref<10112x128xf32, #tpu.memory_space<vmem_shared>> -> memref<632x128xf32, #tpu.memory_space<vmem_shared>>
        tpu.enqueue_dma source(%dma_start3A_88 : memref<632x128xf32, #tpu.memory_space<vmem_shared>>) target(%dma_start3A_86 : memref<632x128xf32, #tpu.memory_space<hbm>>) target_semaphore(%run_scoped3A : memref<!tpu.dma_semaphore, #tpu.memory_space<semaphore_mem>>)
        %dma_wait3A_89 = arith.constant 0 : i32
        %dma_wait3A_90 = tpu.memref_slice %arg9[%mul3A_2, %dma_wait3A_89] : memref<10112x128xf32, #tpu.memory_space<hbm>> -> memref<632x128xf32, #tpu.memory_space<hbm>>
        %dma_wait3A_91 = arith.constant 0 : i32
        %dma_wait3A_92 = tpu.memref_slice %arg16[%mul3A_2, %dma_wait3A_91] : memref<10112x128xf32, #tpu.memory_space<vmem_shared>> -> memref<632x128xf32, #tpu.memory_space<vmem_shared>>
        tpu.wait_dma2 semaphore(%run_scoped3A : memref<!tpu.dma_semaphore, #tpu.memory_space<semaphore_mem>>) src(%dma_wait3A_92 : memref<632x128xf32, #tpu.memory_space<vmem_shared>>) dst(%dma_wait3A_90 : memref<632x128xf32, #tpu.memory_space<hbm>>)
        tpu.yield
      }) : () -> ()
    } else {
    }
    return
  }
}

module attributes {stable_mosaic.version = 14 : i64} {
  func.func @_stage_a0_body(%arg0: i32, %arg1: memref<632x128xf32, #tpu.memory_space<vmem>>, %arg2: memref<632x128xf32, #tpu.memory_space<vmem>>) attributes {dimension_semantics = [#tpu.dimension_semantics<arbitrary>], iteration_bounds = array<i64: 16>, scalar_prefetch = 0 : i64, scratch_operands = 0 : i64, tpu.core_type = #tpu.core_type<tc>, window_params = [{transform_indices = @transform_0, window_bounds = array<i64: 632, 128>}, {transform_indices = @transform_1, window_bounds = array<i64: 632, 128>}]} {
    %get3A = arith.constant 0 : index
    %get3A_0 = arith.constant 0 : index
    %get3A_1 = vector.load %arg1[%get3A, %get3A_0] : memref<632x128xf32, #tpu.memory_space<vmem>>, vector<632x128xf32>
    %reduce_min3A = arith.constant dense<0x7F800000> : vector<632xf32>
    %reduce_min3A_2 = vector.multi_reduction <minimumf>, %get3A_1, %reduce_min3A [1] : vector<632x128xf32> to vector<632xf32>
    %broadcast_in_dim3A = vector.shape_cast %reduce_min3A_2 : vector<632xf32> to vector<632x1xf32>
    %reduce_max3A = arith.constant dense<0xFF800000> : vector<632xf32>
    %reduce_max3A_3 = vector.multi_reduction <maximumf>, %get3A_1, %reduce_max3A [1] : vector<632x128xf32> to vector<632xf32>
    %broadcast_in_dim3A_4 = vector.shape_cast %reduce_max3A_3 : vector<632xf32> to vector<632x1xf32>
    %sub3A = vector.broadcast %broadcast_in_dim3A : vector<632x1xf32> to vector<632x128xf32>
    %sub3A_5 = arith.subf %get3A_1, %sub3A : vector<632x128xf32>
    %sub3A_6 = arith.subf %broadcast_in_dim3A_4, %broadcast_in_dim3A : vector<632x1xf32>
    %add3A = arith.constant 9.99999993E-9 : f32
    %add3A_7 = vector.broadcast %add3A : f32 to vector<632x1xf32>
    %add3A_8 = arith.addf %sub3A_6, %add3A_7 : vector<632x1xf32>
    %div3A = vector.broadcast %add3A_8 : vector<632x1xf32> to vector<632x128xf32>
    %div3A_9 = arith.divf %sub3A_5, %div3A : vector<632x128xf32>
    %swap3A = arith.constant 0 : index
    %swap3A_10 = arith.constant 0 : index
    %swap3A_11 = vector.load %arg2[%swap3A, %swap3A_10] : memref<632x128xf32, #tpu.memory_space<vmem>>, vector<632x128xf32>
    tpu.vector_store %arg2[%swap3A, %swap3A_10], %div3A_9 {strides = array<i32>} : memref<632x128xf32, #tpu.memory_space<vmem>>, vector<632x128xf32>,
    return
  }
  func.func @transform_0(%arg0: i32) -> (i32, i32) {
    %c0_i32 = arith.constant 0 : i32
    %c0_i32_0 = arith.constant 0 : i32
    return %arg0, %c0_i32 : i32, i32
  }
  func.func @transform_1(%arg0: i32) -> (i32, i32) {
    %c0_i32 = arith.constant 0 : i32
    %c0_i32_0 = arith.constant 0 : i32
    return %arg0, %c0_i32 : i32, i32
  }
}

module attributes {stable_mosaic.version = 14 : i64} {
  func.func @_stage_b_body(%arg0: i32, %arg1: memref<632x128xf32, #tpu.memory_space<vmem>>, %arg2: memref<632x128xf32, #tpu.memory_space<vmem>>, %arg3: memref<632x1xf32, #tpu.memory_space<vmem>>, %arg4: memref<632x1xf32, #tpu.memory_space<vmem>>, %arg5: memref<632x128xf32, #tpu.memory_space<vmem>>, %arg6: memref<128x128xf32, #tpu.memory_space<vmem>>, %arg7: memref<632x128xf32, #tpu.memory_space<vmem>>) attributes {dimension_semantics = [#tpu.dimension_semantics<arbitrary>], iteration_bounds = array<i64: 16>, scalar_prefetch = 0 : i64, scratch_operands = 0 : i64, tpu.core_type = #tpu.core_type<tc>, window_params = [{transform_indices = @transform_0, window_bounds = array<i64: 632, 128>}, {transform_indices = @transform_1, window_bounds = array<i64: 632, 128>}, {transform_indices = @transform_2, window_bounds = array<i64: 632, 1>}, {transform_indices = @transform_3, window_bounds = array<i64: 632, 1>}, {transform_indices = @transform_4, window_bounds = array<i64: 632, 128>}, {pipeline_mode = #tpu.pipeline_mode<synchronous>, transform_indices = @transform_5, window_bounds = array<i64: 128, 128>}, {transform_indices = @transform_6, window_bounds = array<i64: 632, 128>}]} {
    %get3A = arith.constant 0 : index
    %get3A_0 = arith.constant 0 : index
    %get3A_1 = vector.load %arg1[%get3A, %get3A_0] : memref<632x128xf32, #tpu.memory_space<vmem>>, vector<632x128xf32>
    %get3A_2 = arith.constant 0 : index
    %get3A_3 = arith.constant 0 : index
    %get3A_4 = vector.load %arg2[%get3A_2, %get3A_3] : memref<632x128xf32, #tpu.memory_space<vmem>>, vector<632x128xf32>
    %get3A_5 = arith.constant 0 : index
    %get3A_6 = arith.constant 0 : index
    %get3A_7 = vector.load %arg3[%get3A_5, %get3A_6] : memref<632x1xf32, #tpu.memory_space<vmem>>, vector<632x1xf32>
    %get3A_8 = arith.constant 0 : index
    %get3A_9 = arith.constant 0 : index
    %get3A_10 = vector.load %arg4[%get3A_8, %get3A_9] : memref<632x1xf32, #tpu.memory_space<vmem>>, vector<632x1xf32>
    %add3A = arith.addf %get3A_7, %get3A_10 : vector<632x1xf32>
    %max3A = arith.constant 1.000000e+00 : f32
    %max3A_11 = vector.broadcast %max3A : f32 to vector<632x1xf32>
    %max3A_12 = arith.maximumf %add3A, %max3A_11 : vector<632x1xf32>
    %add3A_13 = arith.addf %get3A_1, %get3A_4 : vector<632x128xf32>
    %div3A = vector.broadcast %max3A_12 : vector<632x1xf32> to vector<632x128xf32>
    %div3A_14 = arith.divf %add3A_13, %div3A : vector<632x128xf32>
    %get3A_15 = arith.constant 0 : index
    %get3A_16 = arith.constant 0 : index
    %get3A_17 = vector.load %arg5[%get3A_15, %get3A_16] : memref<632x128xf32, #tpu.memory_space<vmem>>, vector<632x128xf32>
    %mul3A = arith.constant 5.000000e-01 : f32
    %mul3A_18 = vector.broadcast %mul3A : f32 to vector<632x128xf32>
    %mul3A_19 = arith.mulf %mul3A_18, %div3A_14 : vector<632x128xf32>
    %mul3A_20 = arith.constant 5.000000e-01 : f32
    %mul3A_21 = vector.broadcast %mul3A_20 : f32 to vector<632x128xf32>
    %mul3A_22 = arith.mulf %mul3A_21, %get3A_17 : vector<632x128xf32>
    %add3A_23 = arith.addf %mul3A_19, %mul3A_22 : vector<632x128xf32>
    %get3A_24 = arith.constant 0 : index
    %get3A_25 = arith.constant 0 : index
    %get3A_26 = vector.load %arg6[%get3A_24, %get3A_25] : memref<128x128xf32, #tpu.memory_space<vmem>>, vector<128x128xf32>
    %dot_general3A = arith.constant dense<0.000000e+00> : vector<632x128xf32>
    %dot_general3A_27 = tpu.matmul %add3A_23, %get3A_26, %dot_general3A {dimension_numbers = #tpu.dot_dimension_numbers<[1], [0], [0], [1], [0, 0, 1, 1], [], []>, transpose_lhs_hint = false} : vector<632x128xf32>, vector<128x128xf32>, vector<632x128xf32> -> vector<632x128xf32>
    %reduce_min3A = arith.constant dense<0x7F800000> : vector<632xf32>
    %reduce_min3A_28 = vector.multi_reduction <minimumf>, %dot_general3A_27, %reduce_min3A [1] : vector<632x128xf32> to vector<632xf32>
    %broadcast_in_dim3A = vector.shape_cast %reduce_min3A_28 : vector<632xf32> to vector<632x1xf32>
    %reduce_max3A = arith.constant dense<0xFF800000> : vector<632xf32>
    %reduce_max3A_29 = vector.multi_reduction <maximumf>, %dot_general3A_27, %reduce_max3A [1] : vector<632x128xf32> to vector<632xf32>
    %broadcast_in_dim3A_30 = vector.shape_cast %reduce_max3A_29 : vector<632xf32> to vector<632x1xf32>
    %sub3A = vector.broadcast %broadcast_in_dim3A : vector<632x1xf32> to vector<632x128xf32>
    %sub3A_31 = arith.subf %dot_general3A_27, %sub3A : vector<632x128xf32>
    %sub3A_32 = arith.subf %broadcast_in_dim3A_30, %broadcast_in_dim3A : vector<632x1xf32>
    %add3A_33 = arith.constant 9.99999993E-9 : f32
    %add3A_34 = vector.broadcast %add3A_33 : f32 to vector<632x1xf32>
    %add3A_35 = arith.addf %sub3A_32, %add3A_34 : vector<632x1xf32>
    %div3A_36 = vector.broadcast %add3A_35 : vector<632x1xf32> to vector<632x128xf32>
    %div3A_37 = arith.divf %sub3A_31, %div3A_36 : vector<632x128xf32>
    %max3A_38 = arith.constant 0.000000e+00 : f32
    %max3A_39 = vector.broadcast %max3A_38 : f32 to vector<632x128xf32>
    %max3A_40 = arith.maximumf %div3A_37, %max3A_39 : vector<632x128xf32>
    %swap3A = arith.constant 0 : index
    %swap3A_41 = arith.constant 0 : index
    %swap3A_42 = vector.load %arg7[%swap3A, %swap3A_41] : memref<632x128xf32, #tpu.memory_space<vmem>>, vector<632x128xf32>
    tpu.vector_store %arg7[%swap3A, %swap3A_41], %max3A_40 {strides = array<i32>} : memref<632x128xf32, #tpu.memory_space<vmem>>, vector<632x128xf32>,
    return
  }
  func.func @transform_0(%arg0: i32) -> (i32, i32) {
    %c0_i32 = arith.constant 0 : i32
    %c0_i32_0 = arith.constant 0 : i32
    return %arg0, %c0_i32 : i32, i32
  }
  func.func @transform_1(%arg0: i32) -> (i32, i32) {
    %c0_i32 = arith.constant 0 : i32
    %c0_i32_0 = arith.constant 0 : i32
    return %arg0, %c0_i32 : i32, i32
  }
  func.func @transform_2(%arg0: i32) -> (i32, i32) {
    %c0_i32 = arith.constant 0 : i32
    %c0_i32_0 = arith.constant 0 : i32
    return %arg0, %c0_i32 : i32, i32
  }
  func.func @transform_3(%arg0: i32) -> (i32, i32) {
    %c0_i32 = arith.constant 0 : i32
    %c0_i32_0 = arith.constant 0 : i32
    return %arg0, %c0_i32 : i32, i32
  }
  func.func @transform_4(%arg0: i32) -> (i32, i32) {
    %c0_i32 = arith.constant 0 : i32
    %c0_i32_0 = arith.constant 0 : i32
    return %arg0, %c0_i32 : i32, i32
  }
  func.func @transform_5(%arg0: i32) -> (i32, i32) {
    %c0_i32 = arith.constant 0 : i32
    %c0_i32_0 = arith.constant 0 : i32
    %c0_i32_1 = arith.constant 0 : i32
    return %c0_i32, %c0_i32_0 : i32, i32
  }
  func.func @transform_6(%arg0: i32) -> (i32, i32) {
    %c0_i32 = arith.constant 0 : i32
    %c0_i32_0 = arith.constant 0 : i32
    return %arg0, %c0_i32 : i32, i32
  }
}

module attributes {stable_mosaic.version = 14 : i64} {
  func.func @_stage_a1_body(%arg0: i32, %arg1: memref<632x128xf32, #tpu.memory_space<vmem>>, %arg2: memref<128x128xf32, #tpu.memory_space<vmem>>, %arg3: memref<1x128xf32, #tpu.memory_space<vmem>>, %arg4: memref<128x128xf32, #tpu.memory_space<vmem>>, %arg5: memref<128x64xf32, #tpu.memory_space<vmem>>, %arg6: memref<128x128xf32, #tpu.memory_space<vmem>>, %arg7: memref<128x64xf32, #tpu.memory_space<vmem>>, %arg8: memref<632x128xf32, #tpu.memory_space<vmem>>, %arg9: memref<632x64xf32, #tpu.memory_space<vmem>>, %arg10: memref<632x64xf32, #tpu.memory_space<vmem>>) attributes {dimension_semantics = [#tpu.dimension_semantics<arbitrary>], iteration_bounds = array<i64: 16>, scalar_prefetch = 0 : i64, scratch_operands = 0 : i64, tpu.core_type = #tpu.core_type<tc>, window_params = [{transform_indices = @transform_0, window_bounds = array<i64: 632, 128>}, {pipeline_mode = #tpu.pipeline_mode<synchronous>, transform_indices = @transform_1, window_bounds = array<i64: 128, 128>}, {pipeline_mode = #tpu.pipeline_mode<synchronous>, transform_indices = @transform_2, window_bounds = array<i64: 1, 128>}, {pipeline_mode = #tpu.pipeline_mode<synchronous>, transform_indices = @transform_3, window_bounds = array<i64: 128, 128>}, {pipeline_mode = #tpu.pipeline_mode<synchronous>, transform_indices = @transform_4, window_bounds = array<i64: 128, 64>}, {pipeline_mode = #tpu.pipeline_mode<synchronous>, transform_indices = @transform_5, window_bounds = array<i64: 128, 128>}, {pipeline_mode = #tpu.pipeline_mode<synchronous>, transform_indices = @transform_6, window_bounds = array<i64: 128, 64>}, {transform_indices = @transform_7, window_bounds = array<i64: 632, 128>}, {transform_indices = @transform_8, window_bounds = array<i64: 632, 64>}, {transform_indices = @transform_9, window_bounds = array<i64: 632, 64>}]} {
    %get3A = arith.constant 0 : index
    %get3A_0 = arith.constant 0 : index
    %get3A_1 = vector.load %arg1[%get3A, %get3A_0] : memref<632x128xf32, #tpu.memory_space<vmem>>, vector<632x128xf32>
    %get3A_2 = arith.constant 0 : index
    %get3A_3 = arith.constant 0 : index
    %get3A_4 = vector.load %arg2[%get3A_2, %get3A_3] : memref<128x128xf32, #tpu.memory_space<vmem>>, vector<128x128xf32>
    %dot_general3A = arith.constant dense<0.000000e+00> : vector<632x128xf32>
    %dot_general3A_5 = tpu.matmul %get3A_1, %get3A_4, %dot_general3A {dimension_numbers = #tpu.dot_dimension_numbers<[1], [0], [0], [1], [0, 0, 1, 1], [], []>, transpose_lhs_hint = false} : vector<632x128xf32>, vector<128x128xf32>, vector<632x128xf32> -> vector<632x128xf32>
    %get3A_6 = arith.constant 0 : index
    %get3A_7 = arith.constant 0 : index
    %get3A_8 = vector.load %arg3[%get3A_6, %get3A_7] : memref<1x128xf32, #tpu.memory_space<vmem>>, vector<1x128xf32>
    %add3A = vector.broadcast %get3A_8 : vector<1x128xf32> to vector<632x128xf32>
    %add3A_9 = arith.addf %dot_general3A_5, %add3A : vector<632x128xf32>
    %swap3A = arith.constant 0 : index
    %swap3A_10 = arith.constant 0 : index
    %swap3A_11 = vector.load %arg8[%swap3A, %swap3A_10] : memref<632x128xf32, #tpu.memory_space<vmem>>, vector<632x128xf32>
    tpu.vector_store %arg8[%swap3A, %swap3A_10], %add3A_9 {strides = array<i32>} : memref<632x128xf32, #tpu.memory_space<vmem>>, vector<632x128xf32>,
    %get3A_12 = arith.constant 0 : index
    %get3A_13 = arith.constant 0 : index
    %get3A_14 = vector.load %arg4[%get3A_12, %get3A_13] : memref<128x128xf32, #tpu.memory_space<vmem>>, vector<128x128xf32>
    %dot_general3A_15 = arith.constant dense<0.000000e+00> : vector<632x128xf32>
    %dot_general3A_16 = tpu.matmul %get3A_1, %get3A_14, %dot_general3A_15 {dimension_numbers = #tpu.dot_dimension_numbers<[1], [0], [0], [1], [0, 0, 1, 1], [], []>, transpose_lhs_hint = false} : vector<632x128xf32>, vector<128x128xf32>, vector<632x128xf32> -> vector<632x128xf32>
    %reduce_min3A = arith.constant dense<0x7F800000> : vector<632xf32>
    %reduce_min3A_17 = vector.multi_reduction <minimumf>, %dot_general3A_16, %reduce_min3A [1] : vector<632x128xf32> to vector<632xf32>
    %broadcast_in_dim3A = vector.shape_cast %reduce_min3A_17 : vector<632xf32> to vector<632x1xf32>
    %reduce_max3A = arith.constant dense<0xFF800000> : vector<632xf32>
    %reduce_max3A_18 = vector.multi_reduction <maximumf>, %dot_general3A_16, %reduce_max3A [1] : vector<632x128xf32> to vector<632xf32>
    %broadcast_in_dim3A_19 = vector.shape_cast %reduce_max3A_18 : vector<632xf32> to vector<632x1xf32>
    %sub3A = vector.broadcast %broadcast_in_dim3A : vector<632x1xf32> to vector<632x128xf32>
    %sub3A_20 = arith.subf %dot_general3A_16, %sub3A : vector<632x128xf32>
    %sub3A_21 = arith.subf %broadcast_in_dim3A_19, %broadcast_in_dim3A : vector<632x1xf32>
    %add3A_22 = arith.constant 9.99999993E-9 : f32
    %add3A_23 = vector.broadcast %add3A_22 : f32 to vector<632x1xf32>
    %add3A_24 = arith.addf %sub3A_21, %add3A_23 : vector<632x1xf32>
    %div3A = vector.broadcast %add3A_24 : vector<632x1xf32> to vector<632x128xf32>
    %div3A_25 = arith.divf %sub3A_20, %div3A : vector<632x128xf32>
    %max3A = arith.constant 0.000000e+00 : f32
    %max3A_26 = vector.broadcast %max3A : f32 to vector<632x128xf32>
    %max3A_27 = arith.maximumf %div3A_25, %max3A_26 : vector<632x128xf32>
    %mul3A = arith.constant 5.000000e-01 : f32
    %mul3A_28 = vector.broadcast %mul3A : f32 to vector<632x128xf32>
    %mul3A_29 = arith.mulf %mul3A_28, %max3A_27 : vector<632x128xf32>
    %mul3A_30 = arith.constant 5.000000e-01 : f32
    %mul3A_31 = vector.broadcast %mul3A_30 : f32 to vector<632x128xf32>
    %mul3A_32 = arith.mulf %mul3A_31, %add3A_9 : vector<632x128xf32>
    %add3A_33 = arith.addf %mul3A_29, %mul3A_32 : vector<632x128xf32>
    %get3A_34 = arith.constant 0 : index
    %get3A_35 = arith.constant 0 : index
    %get3A_36 = vector.load %arg5[%get3A_34, %get3A_35] : memref<128x64xf32, #tpu.memory_space<vmem>>, vector<128x64xf32>
    %dot_general3A_37 = arith.constant dense<0.000000e+00> : vector<632x64xf32>
    %dot_general3A_38 = tpu.matmul %add3A_33, %get3A_36, %dot_general3A_37 {dimension_numbers = #tpu.dot_dimension_numbers<[1], [0], [0], [1], [0, 0, 1, 1], [], []>, transpose_lhs_hint = false} : vector<632x128xf32>, vector<128x64xf32>, vector<632x64xf32> -> vector<632x64xf32>
    %reduce_max3A_39 = arith.constant dense<0xFF800000> : vector<632xf32>
    %reduce_max3A_40 = vector.multi_reduction <maximumf>, %dot_general3A_38, %reduce_max3A_39 [1] : vector<632x64xf32> to vector<632xf32>
    %broadcast_in_dim3A_41 = vector.shape_cast %reduce_max3A_40 : vector<632xf32> to vector<632x1xf32>
    %sub3A_42 = vector.broadcast %broadcast_in_dim3A_41 : vector<632x1xf32> to vector<632x64xf32>
    %sub3A_43 = arith.subf %dot_general3A_38, %sub3A_42 : vector<632x64xf32>
    %exp3A = math.exp %sub3A_43 : vector<632x64xf32>
    %reduce_sum3A = arith.constant dense<0.000000e+00> : vector<632xf32>
    %reduce_sum3A_44 = vector.multi_reduction <add>, %exp3A, %reduce_sum3A [1] : vector<632x64xf32> to vector<632xf32>
    %broadcast_in_dim3A_45 = vector.shape_cast %reduce_sum3A_44 : vector<632xf32> to vector<632x1xf32>
    %log3A = math.log %broadcast_in_dim3A_45 : vector<632x1xf32>
    %sub3A_46 = vector.broadcast %log3A : vector<632x1xf32> to vector<632x64xf32>
    %sub3A_47 = arith.subf %sub3A_43, %sub3A_46 : vector<632x64xf32>
    %swap3A_48 = arith.constant 0 : index
    %swap3A_49 = arith.constant 0 : index
    %swap3A_50 = vector.load %arg9[%swap3A_48, %swap3A_49] : memref<632x64xf32, #tpu.memory_space<vmem>>, vector<632x64xf32>
    tpu.vector_store %arg9[%swap3A_48, %swap3A_49], %sub3A_47 {strides = array<i32>} : memref<632x64xf32, #tpu.memory_space<vmem>>, vector<632x64xf32>,
    %tanh3A = math.tanh %get3A_1 : vector<632x128xf32>
    %get3A_51 = arith.constant 0 : index
    %get3A_52 = arith.constant 0 : index
    %get3A_53 = vector.load %arg6[%get3A_51, %get3A_52] : memref<128x128xf32, #tpu.memory_space<vmem>>, vector<128x128xf32>
    %dot_general3A_54 = arith.constant dense<0.000000e+00> : vector<632x128xf32>
    %dot_general3A_55 = tpu.matmul %tanh3A, %get3A_53, %dot_general3A_54 {dimension_numbers = #tpu.dot_dimension_numbers<[1], [0], [0], [1], [0, 0, 1, 1], [], []>, transpose_lhs_hint = false} : vector<632x128xf32>, vector<128x128xf32>, vector<632x128xf32> -> vector<632x128xf32>
    %reduce_min3A_56 = arith.constant dense<0x7F800000> : vector<632xf32>
    %reduce_min3A_57 = vector.multi_reduction <minimumf>, %dot_general3A_55, %reduce_min3A_56 [1] : vector<632x128xf32> to vector<632xf32>
    %broadcast_in_dim3A_58 = vector.shape_cast %reduce_min3A_57 : vector<632xf32> to vector<632x1xf32>
    %reduce_max3A_59 = arith.constant dense<0xFF800000> : vector<632xf32>
    %reduce_max3A_60 = vector.multi_reduction <maximumf>, %dot_general3A_55, %reduce_max3A_59 [1] : vector<632x128xf32> to vector<632xf32>
    %broadcast_in_dim3A_61 = vector.shape_cast %reduce_max3A_60 : vector<632xf32> to vector<632x1xf32>
    %sub3A_62 = vector.broadcast %broadcast_in_dim3A_58 : vector<632x1xf32> to vector<632x128xf32>
    %sub3A_63 = arith.subf %dot_general3A_55, %sub3A_62 : vector<632x128xf32>
    %sub3A_64 = arith.subf %broadcast_in_dim3A_61, %broadcast_in_dim3A_58 : vector<632x1xf32>
    %add3A_65 = arith.constant 9.99999993E-9 : f32
    %add3A_66 = vector.broadcast %add3A_65 : f32 to vector<632x1xf32>
    %add3A_67 = arith.addf %sub3A_64, %add3A_66 : vector<632x1xf32>
    %div3A_68 = vector.broadcast %add3A_67 : vector<632x1xf32> to vector<632x128xf32>
    %div3A_69 = arith.divf %sub3A_63, %div3A_68 : vector<632x128xf32>
    %max3A_70 = arith.constant 0.000000e+00 : f32
    %max3A_71 = vector.broadcast %max3A_70 : f32 to vector<632x128xf32>
    %max3A_72 = arith.maximumf %div3A_69, %max3A_71 : vector<632x128xf32>
    %mul3A_73 = arith.constant 5.000000e-01 : f32
    %mul3A_74 = vector.broadcast %mul3A_73 : f32 to vector<632x128xf32>
    %mul3A_75 = arith.mulf %mul3A_74, %max3A_72 : vector<632x128xf32>
    %mul3A_76 = arith.constant 5.000000e-01 : f32
    %mul3A_77 = vector.broadcast %mul3A_76 : f32 to vector<632x128xf32>
    %mul3A_78 = arith.mulf %mul3A_77, %add3A_9 : vector<632x128xf32>
    %add3A_79 = arith.addf %mul3A_75, %mul3A_78 : vector<632x128xf32>
    %tanh3A_80 = math.tanh %add3A_79 : vector<632x128xf32>
    %get3A_81 = arith.constant 0 : index
    %get3A_82 = arith.constant 0 : index
    %get3A_83 = vector.load %arg7[%get3A_81, %get3A_82] : memref<128x64xf32, #tpu.memory_space<vmem>>, vector<128x64xf32>
    %dot_general3A_84 = arith.constant dense<0.000000e+00> : vector<632x64xf32>
    %dot_general3A_85 = tpu.matmul %tanh3A_80, %get3A_83, %dot_general3A_84 {dimension_numbers = #tpu.dot_dimension_numbers<[1], [0], [0], [1], [0, 0, 1, 1], [], []>, transpose_lhs_hint = false} : vector<632x128xf32>, vector<128x64xf32>, vector<632x64xf32> -> vector<632x64xf32>
    %reduce_max3A_86 = arith.constant dense<0xFF800000> : vector<632xf32>
    %reduce_max3A_87 = vector.multi_reduction <maximumf>, %dot_general3A_85, %reduce_max3A_86 [1] : vector<632x64xf32> to vector<632xf32>
    %broadcast_in_dim3A_88 = vector.shape_cast %reduce_max3A_87 : vector<632xf32> to vector<632x1xf32>
    %sub3A_89 = vector.broadcast %broadcast_in_dim3A_88 : vector<632x1xf32> to vector<632x64xf32>
    %sub3A_90 = arith.subf %dot_general3A_85, %sub3A_89 : vector<632x64xf32>
    %exp3A_91 = math.exp %sub3A_90 : vector<632x64xf32>
    %reduce_sum3A_92 = arith.constant dense<0.000000e+00> : vector<632xf32>
    %reduce_sum3A_93 = vector.multi_reduction <add>, %exp3A_91, %reduce_sum3A_92 [1] : vector<632x64xf32> to vector<632xf32>
    %broadcast_in_dim3A_94 = vector.shape_cast %reduce_sum3A_93 : vector<632xf32> to vector<632x1xf32>
    %log3A_95 = math.log %broadcast_in_dim3A_94 : vector<632x1xf32>
    %sub3A_96 = vector.broadcast %log3A_95 : vector<632x1xf32> to vector<632x64xf32>
    %sub3A_97 = arith.subf %sub3A_90, %sub3A_96 : vector<632x64xf32>
    %swap3A_98 = arith.constant 0 : index
    %swap3A_99 = arith.constant 0 : index
    %swap3A_100 = vector.load %arg10[%swap3A_98, %swap3A_99] : memref<632x64xf32, #tpu.memory_space<vmem>>, vector<632x64xf32>
    tpu.vector_store %arg10[%swap3A_98, %swap3A_99], %sub3A_97 {strides = array<i32>} : memref<632x64xf32, #tpu.memory_space<vmem>>, vector<632x64xf32>,
    return
  }
  func.func @transform_0(%arg0: i32) -> (i32, i32) {
    %c0_i32 = arith.constant 0 : i32
    %c0_i32_0 = arith.constant 0 : i32
    return %arg0, %c0_i32 : i32, i32
  }
  func.func @transform_1(%arg0: i32) -> (i32, i32) {
    %c0_i32 = arith.constant 0 : i32
    %c0_i32_0 = arith.constant 0 : i32
    %c0_i32_1 = arith.constant 0 : i32
    return %c0_i32, %c0_i32_0 : i32, i32
  }
  func.func @transform_2(%arg0: i32) -> (i32, i32) {
    %c0_i32 = arith.constant 0 : i32
    %c0_i32_0 = arith.constant 0 : i32
    %c0_i32_1 = arith.constant 0 : i32
    return %c0_i32, %c0_i32_0 : i32, i32
  }
  func.func @transform_3(%arg0: i32) -> (i32, i32) {
    %c0_i32 = arith.constant 0 : i32
    %c0_i32_0 = arith.constant 0 : i32
    %c0_i32_1 = arith.constant 0 : i32
    return %c0_i32, %c0_i32_0 : i32, i32
  }
  func.func @transform_4(%arg0: i32) -> (i32, i32) {
    %c0_i32 = arith.constant 0 : i32
    %c0_i32_0 = arith.constant 0 : i32
    %c0_i32_1 = arith.constant 0 : i32
    return %c0_i32, %c0_i32_0 : i32, i32
  }
  func.func @transform_5(%arg0: i32) -> (i32, i32) {
    %c0_i32 = arith.constant 0 : i32
    %c0_i32_0 = arith.constant 0 : i32
    %c0_i32_1 = arith.constant 0 : i32
    return %c0_i32, %c0_i32_0 : i32, i32
  }
  func.func @transform_6(%arg0: i32) -> (i32, i32) {
    %c0_i32 = arith.constant 0 : i32
    %c0_i32_0 = arith.constant 0 : i32
    %c0_i32_1 = arith.constant 0 : i32
    return %c0_i32, %c0_i32_0 : i32, i32
  }
  func.func @transform_7(%arg0: i32) -> (i32, i32) {
    %c0_i32 = arith.constant 0 : i32
    %c0_i32_0 = arith.constant 0 : i32
    return %arg0, %c0_i32 : i32, i32
  }
  func.func @transform_8(%arg0: i32) -> (i32, i32) {
    %c0_i32 = arith.constant 0 : i32
    %c0_i32_0 = arith.constant 0 : i32
    return %arg0, %c0_i32 : i32, i32
  }
  func.func @transform_9(%arg0: i32) -> (i32, i32) {
    %c0_i32 = arith.constant 0 : i32
    %c0_i32_0 = arith.constant 0 : i32
    return %arg0, %c0_i32 : i32, i32
  }
}

module attributes {stable_mosaic.version = 14 : i64} {
  func.func @_stage_c_body(%arg0: i32, %arg1: memref<400x128xf32, #tpu.memory_space<vmem>>, %arg2: memref<400x128xf32, #tpu.memory_space<vmem>>, %arg3: memref<400x1xf32, #tpu.memory_space<vmem>>, %arg4: memref<400x1xf32, #tpu.memory_space<vmem>>, %arg5: memref<400x128xf32, #tpu.memory_space<vmem>>, %arg6: memref<400x64xf32, #tpu.memory_space<vmem>>, %arg7: memref<400x64xf32, #tpu.memory_space<vmem>>, %arg8: memref<128x64xf32, #tpu.memory_space<vmem>>, %arg9: memref<64x64xf32, #tpu.memory_space<vmem>>, %arg10: memref<64x64xf32, #tpu.memory_space<vmem>>, %arg11: memref<64x64xf32, #tpu.memory_space<vmem>>, %arg12: memref<1x64xf32, #tpu.memory_space<vmem>>, %arg13: memref<1x64xf32, #tpu.memory_space<vmem>>, %arg14: memref<1x64xf32, #tpu.memory_space<vmem>>, %arg15: memref<64x64xf32, #tpu.memory_space<vmem>>, %arg16: memref<1x64xf32, #tpu.memory_space<vmem>>, %arg17: memref<400x64xf32, #tpu.memory_space<vmem>>) attributes {dimension_semantics = [#tpu.dimension_semantics<arbitrary>], iteration_bounds = array<i64: 25>, scalar_prefetch = 0 : i64, scratch_operands = 0 : i64, tpu.core_type = #tpu.core_type<tc>, window_params = [{transform_indices = @transform_0, window_bounds = array<i64: 400, 128>}, {transform_indices = @transform_1, window_bounds = array<i64: 400, 128>}, {transform_indices = @transform_2, window_bounds = array<i64: 400, 1>}, {transform_indices = @transform_3, window_bounds = array<i64: 400, 1>}, {transform_indices = @transform_4, window_bounds = array<i64: 400, 128>}, {transform_indices = @transform_5, window_bounds = array<i64: 400, 64>}, {transform_indices = @transform_6, window_bounds = array<i64: 400, 64>}, {pipeline_mode = #tpu.pipeline_mode<synchronous>, transform_indices = @transform_7, window_bounds = array<i64: 128, 64>}, {pipeline_mode = #tpu.pipeline_mode<synchronous>, transform_indices = @transform_8, window_bounds = array<i64: 64, 64>}, {pipeline_mode = #tpu.pipeline_mode<synchronous>, transform_indices = @transform_9, window_bounds = array<i64: 64, 64>}, {pipeline_mode = #tpu.pipeline_mode<synchronous>, transform_indices = @transform_10, window_bounds = array<i64: 64, 64>}, {pipeline_mode = #tpu.pipeline_mode<synchronous>, transform_indices = @transform_11, window_bounds = array<i64: 1, 64>}, {pipeline_mode = #tpu.pipeline_mode<synchronous>, transform_indices = @transform_12, window_bounds = array<i64: 1, 64>}, {pipeline_mode = #tpu.pipeline_mode<synchronous>, transform_indices = @transform_13, window_bounds = array<i64: 1, 64>}, {pipeline_mode = #tpu.pipeline_mode<synchronous>, transform_indices = @transform_14, window_bounds = array<i64: 64, 64>}, {pipeline_mode = #tpu.pipeline_mode<synchronous>, transform_indices = @transform_15, window_bounds = array<i64: 1, 64>}, {transform_indices = @transform_16, window_bounds = array<i64: 400, 64>}]} {
    %get3A = arith.constant 0 : index
    %get3A_0 = arith.constant 0 : index
    %get3A_1 = vector.load %arg1[%get3A, %get3A_0] : memref<400x128xf32, #tpu.memory_space<vmem>>, vector<400x128xf32>
    %get3A_2 = arith.constant 0 : index
    %get3A_3 = arith.constant 0 : index
    %get3A_4 = vector.load %arg2[%get3A_2, %get3A_3] : memref<400x128xf32, #tpu.memory_space<vmem>>, vector<400x128xf32>
    %get3A_5 = arith.constant 0 : index
    %get3A_6 = arith.constant 0 : index
    %get3A_7 = vector.load %arg3[%get3A_5, %get3A_6] : memref<400x1xf32, #tpu.memory_space<vmem>>, vector<400x1xf32>
    %get3A_8 = arith.constant 0 : index
    %get3A_9 = arith.constant 0 : index
    %get3A_10 = vector.load %arg4[%get3A_8, %get3A_9] : memref<400x1xf32, #tpu.memory_space<vmem>>, vector<400x1xf32>
    %add3A = arith.addf %get3A_7, %get3A_10 : vector<400x1xf32>
    %max3A = arith.constant 1.000000e+00 : f32
    %max3A_11 = vector.broadcast %max3A : f32 to vector<400x1xf32>
    %max3A_12 = arith.maximumf %add3A, %max3A_11 : vector<400x1xf32>
    %add3A_13 = arith.addf %get3A_1, %get3A_4 : vector<400x128xf32>
    %div3A = vector.broadcast %max3A_12 : vector<400x1xf32> to vector<400x128xf32>
    %div3A_14 = arith.divf %add3A_13, %div3A : vector<400x128xf32>
    %mul3A = arith.constant 5.000000e-01 : f32
    %mul3A_15 = vector.broadcast %mul3A : f32 to vector<400x128xf32>
    %mul3A_16 = arith.mulf %mul3A_15, %div3A_14 : vector<400x128xf32>
    %get3A_17 = arith.constant 0 : index
    %get3A_18 = arith.constant 0 : index
    %get3A_19 = vector.load %arg5[%get3A_17, %get3A_18] : memref<400x128xf32, #tpu.memory_space<vmem>>, vector<400x128xf32>
    %mul3A_20 = arith.constant 5.000000e-01 : f32
    %mul3A_21 = vector.broadcast %mul3A_20 : f32 to vector<400x128xf32>
    %mul3A_22 = arith.mulf %mul3A_21, %get3A_19 : vector<400x128xf32>
    %add3A_23 = arith.addf %mul3A_16, %mul3A_22 : vector<400x128xf32>
    %get3A_24 = arith.constant 0 : index
    %get3A_25 = arith.constant 0 : index
    %get3A_26 = vector.load %arg8[%get3A_24, %get3A_25] : memref<128x64xf32, #tpu.memory_space<vmem>>, vector<128x64xf32>
    %dot_general3A = arith.constant dense<0.000000e+00> : vector<400x64xf32>
    %dot_general3A_27 = tpu.matmul %add3A_23, %get3A_26, %dot_general3A {dimension_numbers = #tpu.dot_dimension_numbers<[1], [0], [0], [1], [0, 0, 1, 1], [], []>, transpose_lhs_hint = false} : vector<400x128xf32>, vector<128x64xf32>, vector<400x64xf32> -> vector<400x64xf32>
    %reduce_max3A = arith.constant dense<0xFF800000> : vector<400xf32>
    %reduce_max3A_28 = vector.multi_reduction <maximumf>, %dot_general3A_27, %reduce_max3A [1] : vector<400x64xf32> to vector<400xf32>
    %broadcast_in_dim3A = vector.shape_cast %reduce_max3A_28 : vector<400xf32> to vector<400x1xf32>
    %sub3A = vector.broadcast %broadcast_in_dim3A : vector<400x1xf32> to vector<400x64xf32>
    %sub3A_29 = arith.subf %dot_general3A_27, %sub3A : vector<400x64xf32>
    %exp3A = math.exp %sub3A_29 : vector<400x64xf32>
    %reduce_sum3A = arith.constant dense<0.000000e+00> : vector<400xf32>
    %reduce_sum3A_30 = vector.multi_reduction <add>, %exp3A, %reduce_sum3A [1] : vector<400x64xf32> to vector<400xf32>
    %broadcast_in_dim3A_31 = vector.shape_cast %reduce_sum3A_30 : vector<400xf32> to vector<400x1xf32>
    %log3A = math.log %broadcast_in_dim3A_31 : vector<400x1xf32>
    %sub3A_32 = vector.broadcast %log3A : vector<400x1xf32> to vector<400x64xf32>
    %sub3A_33 = arith.subf %sub3A_29, %sub3A_32 : vector<400x64xf32>
    %get3A_34 = arith.constant 0 : index
    %get3A_35 = arith.constant 0 : index
    %get3A_36 = vector.load %arg6[%get3A_34, %get3A_35] : memref<400x64xf32, #tpu.memory_space<vmem>>, vector<400x64xf32>
    %get3A_37 = arith.constant 0 : index
    %get3A_38 = arith.constant 0 : index
    %get3A_39 = vector.load %arg7[%get3A_37, %get3A_38] : memref<400x64xf32, #tpu.memory_space<vmem>>, vector<400x64xf32>
    %iota3A = tpu.iota {dimensions = array<i32: 0>} : vector<64x4xi32>
    %jit3A = arith.constant 16 : i32
    %div3A_40 = vector.broadcast %jit3A : i32 to vector<64x4xi32>
    %div3A_41 = arith.divsi %iota3A, %div3A_40 : vector<64x4xi32>
    %sign3A = arith.constant 0 : i32
    %sign3A_42 = vector.broadcast %sign3A : i32 to vector<64x4xi32>
    %sign3A_43 = arith.cmpi sgt, %iota3A, %sign3A_42 : vector<64x4xi32>
    %sign3A_44 = arith.extui %sign3A_43 : vector<64x4xi1> to vector<64x4xi32>
    %sign3A_45 = arith.constant 0 : i32
    %sign3A_46 = vector.broadcast %sign3A_45 : i32 to vector<64x4xi32>
    %sign3A_47 = arith.cmpi slt, %iota3A, %sign3A_46 : vector<64x4xi32>
    %sign3A_48 = arith.extui %sign3A_47 : vector<64x4xi1> to vector<64x4xi32>
    %sign3A_49 = arith.subi %sign3A_44, %sign3A_48 : vector<64x4xi32>
    %sign3A_50 = arith.constant 0 : i32
    %sign3A_51 = arith.cmpi sgt, %jit3A, %sign3A_50 : i32
    %sign3A_52 = arith.extui %sign3A_51 : i1 to i32
    %sign3A_53 = arith.constant 0 : i32
    %sign3A_54 = arith.cmpi slt, %jit3A, %sign3A_53 : i32
    %sign3A_55 = arith.extui %sign3A_54 : i1 to i32
    %sign3A_56 = arith.subi %sign3A_52, %sign3A_55 : i32
    %ne3A = vector.broadcast %sign3A_56 : i32 to vector<64x4xi32>
    %ne3A_57 = arith.cmpi ne, %sign3A_49, %ne3A : vector<64x4xi32>
    %rem3A = vector.broadcast %jit3A : i32 to vector<64x4xi32>
    %rem3A_58 = arith.remsi %iota3A, %rem3A : vector<64x4xi32>
    %ne3A_59 = arith.constant 0 : i32
    %ne3A_60 = vector.broadcast %ne3A_59 : i32 to vector<64x4xi32>
    %ne3A_61 = arith.cmpi ne, %rem3A_58, %ne3A_60 : vector<64x4xi32>
    %and3A = arith.andi %ne3A_57, %ne3A_61 : vector<64x4xi1>
    %sub3A_62 = arith.constant 1 : i32
    %sub3A_63 = vector.broadcast %sub3A_62 : i32 to vector<64x4xi32>
    %sub3A_64 = arith.subi %div3A_41, %sub3A_63 : vector<64x4xi32>
    %select_n3A = arith.select %and3A, %sub3A_64, %div3A_41 : vector<64x4xi1>, vector<64x4xi32>
    %iota3A_65 = tpu.iota {dimensions = array<i32: 1>} : vector<64x4xi32>
    %eq3A = arith.cmpi eq, %select_n3A, %iota3A_65 : vector<64x4xi32>
    %convert_element_type3A = arith.extui %eq3A : vector<64x4xi1> to vector<64x4xi32>
    %convert_element_type3A_66 = arith.sitofp %convert_element_type3A : vector<64x4xi32> to vector<64x4xf32>
    %iota3A_67 = tpu.iota {dimensions = array<i32: 0>} : vector<4x64xi32>
    %iota3A_68 = tpu.iota {dimensions = array<i32: 1>} : vector<4x64xi32>
    %jit3A_69 = arith.constant 16 : i32
    %div3A_70 = vector.broadcast %jit3A_69 : i32 to vector<4x64xi32>
    %div3A_71 = arith.divsi %iota3A_68, %div3A_70 : vector<4x64xi32>
    %sign3A_72 = arith.constant 0 : i32
    %sign3A_73 = vector.broadcast %sign3A_72 : i32 to vector<4x64xi32>
    %sign3A_74 = arith.cmpi sgt, %iota3A_68, %sign3A_73 : vector<4x64xi32>
    %sign3A_75 = arith.extui %sign3A_74 : vector<4x64xi1> to vector<4x64xi32>
    %sign3A_76 = arith.constant 0 : i32
    %sign3A_77 = vector.broadcast %sign3A_76 : i32 to vector<4x64xi32>
    %sign3A_78 = arith.cmpi slt, %iota3A_68, %sign3A_77 : vector<4x64xi32>
    %sign3A_79 = arith.extui %sign3A_78 : vector<4x64xi1> to vector<4x64xi32>
    %sign3A_80 = arith.subi %sign3A_75, %sign3A_79 : vector<4x64xi32>
    %sign3A_81 = arith.constant 0 : i32
    %sign3A_82 = arith.cmpi sgt, %jit3A_69, %sign3A_81 : i32
    %sign3A_83 = arith.extui %sign3A_82 : i1 to i32
    %sign3A_84 = arith.constant 0 : i32
    %sign3A_85 = arith.cmpi slt, %jit3A_69, %sign3A_84 : i32
    %sign3A_86 = arith.extui %sign3A_85 : i1 to i32
    %sign3A_87 = arith.subi %sign3A_83, %sign3A_86 : i32
    %ne3A_88 = vector.broadcast %sign3A_87 : i32 to vector<4x64xi32>
    %ne3A_89 = arith.cmpi ne, %sign3A_80, %ne3A_88 : vector<4x64xi32>
    %rem3A_90 = vector.broadcast %jit3A_69 : i32 to vector<4x64xi32>
    %rem3A_91 = arith.remsi %iota3A_68, %rem3A_90 : vector<4x64xi32>
    %ne3A_92 = arith.constant 0 : i32
    %ne3A_93 = vector.broadcast %ne3A_92 : i32 to vector<4x64xi32>
    %ne3A_94 = arith.cmpi ne, %rem3A_91, %ne3A_93 : vector<4x64xi32>
    %and3A_95 = arith.andi %ne3A_89, %ne3A_94 : vector<4x64xi1>
    %sub3A_96 = arith.constant 1 : i32
    %sub3A_97 = vector.broadcast %sub3A_96 : i32 to vector<4x64xi32>
    %sub3A_98 = arith.subi %div3A_71, %sub3A_97 : vector<4x64xi32>
    %select_n3A_99 = arith.select %and3A_95, %sub3A_98, %div3A_71 : vector<4x64xi1>, vector<4x64xi32>
    %eq3A_100 = arith.cmpi eq, %iota3A_67, %select_n3A_99 : vector<4x64xi32>
    %convert_element_type3A_101 = arith.extui %eq3A_100 : vector<4x64xi1> to vector<4x64xi32>
    %convert_element_type3A_102 = arith.sitofp %convert_element_type3A_101 : vector<4x64xi32> to vector<4x64xf32>
    %get3A_103 = arith.constant 0 : index
    %get3A_104 = arith.constant 0 : index
    %get3A_105 = vector.load %arg9[%get3A_103, %get3A_104] : memref<64x64xf32, #tpu.memory_space<vmem>>, vector<64x64xf32>
    %dot_general3A_106 = arith.constant dense<0.000000e+00> : vector<400x64xf32>
    %dot_general3A_107 = tpu.matmul %sub3A_33, %get3A_105, %dot_general3A_106 {dimension_numbers = #tpu.dot_dimension_numbers<[1], [0], [0], [1], [0, 0, 1, 1], [], []>, transpose_lhs_hint = false} : vector<400x64xf32>, vector<64x64xf32>, vector<400x64xf32> -> vector<400x64xf32>
    %get3A_108 = arith.constant 0 : index
    %get3A_109 = arith.constant 0 : index
    %get3A_110 = vector.load %arg12[%get3A_108, %get3A_109] : memref<1x64xf32, #tpu.memory_space<vmem>>, vector<1x64xf32>
    %add3A_111 = vector.broadcast %get3A_110 : vector<1x64xf32> to vector<400x64xf32>
    %add3A_112 = arith.addf %dot_general3A_107, %add3A_111 : vector<400x64xf32>
    %get3A_113 = arith.constant 0 : index
    %get3A_114 = arith.constant 0 : index
    %get3A_115 = vector.load %arg9[%get3A_113, %get3A_114] : memref<64x64xf32, #tpu.memory_space<vmem>>, vector<64x64xf32>
    %dot_general3A_116 = arith.constant dense<0.000000e+00> : vector<400x64xf32>
    %dot_general3A_117 = tpu.matmul %get3A_36, %get3A_115, %dot_general3A_116 {dimension_numbers = #tpu.dot_dimension_numbers<[1], [0], [0], [1], [0, 0, 1, 1], [], []>, transpose_lhs_hint = false} : vector<400x64xf32>, vector<64x64xf32>, vector<400x64xf32> -> vector<400x64xf32>
    %get3A_118 = arith.constant 0 : index
    %get3A_119 = arith.constant 0 : index
    %get3A_120 = vector.load %arg12[%get3A_118, %get3A_119] : memref<1x64xf32, #tpu.memory_space<vmem>>, vector<1x64xf32>
    %add3A_121 = vector.broadcast %get3A_120 : vector<1x64xf32> to vector<400x64xf32>
    %add3A_122 = arith.addf %dot_general3A_117, %add3A_121 : vector<400x64xf32>
    %get3A_123 = arith.constant 0 : index
    %get3A_124 = arith.constant 0 : index
    %get3A_125 = vector.load %arg9[%get3A_123, %get3A_124] : memref<64x64xf32, #tpu.memory_space<vmem>>, vector<64x64xf32>
    %dot_general3A_126 = arith.constant dense<0.000000e+00> : vector<400x64xf32>
    %dot_general3A_127 = tpu.matmul %get3A_39, %get3A_125, %dot_general3A_126 {dimension_numbers = #tpu.dot_dimension_numbers<[1], [0], [0], [1], [0, 0, 1, 1], [], []>, transpose_lhs_hint = false} : vector<400x64xf32>, vector<64x64xf32>, vector<400x64xf32> -> vector<400x64xf32>
    %get3A_128 = arith.constant 0 : index
    %get3A_129 = arith.constant 0 : index
    %get3A_130 = vector.load %arg12[%get3A_128, %get3A_129] : memref<1x64xf32, #tpu.memory_space<vmem>>, vector<1x64xf32>
    %add3A_131 = vector.broadcast %get3A_130 : vector<1x64xf32> to vector<400x64xf32>
    %add3A_132 = arith.addf %dot_general3A_127, %add3A_131 : vector<400x64xf32>
    %get3A_133 = arith.constant 0 : index
    %get3A_134 = arith.constant 0 : index
    %get3A_135 = vector.load %arg10[%get3A_133, %get3A_134] : memref<64x64xf32, #tpu.memory_space<vmem>>, vector<64x64xf32>
    %dot_general3A_136 = arith.constant dense<0.000000e+00> : vector<400x64xf32>
    %dot_general3A_137 = tpu.matmul %sub3A_33, %get3A_135, %dot_general3A_136 {dimension_numbers = #tpu.dot_dimension_numbers<[1], [0], [0], [1], [0, 0, 1, 1], [], []>, transpose_lhs_hint = false} : vector<400x64xf32>, vector<64x64xf32>, vector<400x64xf32> -> vector<400x64xf32>
    %get3A_138 = arith.constant 0 : index
    %get3A_139 = arith.constant 0 : index
    %get3A_140 = vector.load %arg13[%get3A_138, %get3A_139] : memref<1x64xf32, #tpu.memory_space<vmem>>, vector<1x64xf32>
    %add3A_141 = vector.broadcast %get3A_140 : vector<1x64xf32> to vector<400x64xf32>
    %add3A_142 = arith.addf %dot_general3A_137, %add3A_141 : vector<400x64xf32>
    %get3A_143 = arith.constant 0 : index
    %get3A_144 = arith.constant 0 : index
    %get3A_145 = vector.load %arg10[%get3A_143, %get3A_144] : memref<64x64xf32, #tpu.memory_space<vmem>>, vector<64x64xf32>
    %dot_general3A_146 = arith.constant dense<0.000000e+00> : vector<400x64xf32>
    %dot_general3A_147 = tpu.matmul %get3A_36, %get3A_145, %dot_general3A_146 {dimension_numbers = #tpu.dot_dimension_numbers<[1], [0], [0], [1], [0, 0, 1, 1], [], []>, transpose_lhs_hint = false} : vector<400x64xf32>, vector<64x64xf32>, vector<400x64xf32> -> vector<400x64xf32>
    %get3A_148 = arith.constant 0 : index
    %get3A_149 = arith.constant 0 : index
    %get3A_150 = vector.load %arg13[%get3A_148, %get3A_149] : memref<1x64xf32, #tpu.memory_space<vmem>>, vector<1x64xf32>
    %add3A_151 = vector.broadcast %get3A_150 : vector<1x64xf32> to vector<400x64xf32>
    %add3A_152 = arith.addf %dot_general3A_147, %add3A_151 : vector<400x64xf32>
    %get3A_153 = arith.constant 0 : index
    %get3A_154 = arith.constant 0 : index
    %get3A_155 = vector.load %arg10[%get3A_153, %get3A_154] : memref<64x64xf32, #tpu.memory_space<vmem>>, vector<64x64xf32>
    %dot_general3A_156 = arith.constant dense<0.000000e+00> : vector<400x64xf32>
    %dot_general3A_157 = tpu.matmul %get3A_39, %get3A_155, %dot_general3A_156 {dimension_numbers = #tpu.dot_dimension_numbers<[1], [0], [0], [1], [0, 0, 1, 1], [], []>, transpose_lhs_hint = false} : vector<400x64xf32>, vector<64x64xf32>, vector<400x64xf32> -> vector<400x64xf32>
    %get3A_158 = arith.constant 0 : index
    %get3A_159 = arith.constant 0 : index
    %get3A_160 = vector.load %arg13[%get3A_158, %get3A_159] : memref<1x64xf32, #tpu.memory_space<vmem>>, vector<1x64xf32>
    %add3A_161 = vector.broadcast %get3A_160 : vector<1x64xf32> to vector<400x64xf32>
    %add3A_162 = arith.addf %dot_general3A_157, %add3A_161 : vector<400x64xf32>
    %get3A_163 = arith.constant 0 : index
    %get3A_164 = arith.constant 0 : index
    %get3A_165 = vector.load %arg11[%get3A_163, %get3A_164] : memref<64x64xf32, #tpu.memory_space<vmem>>, vector<64x64xf32>
    %dot_general3A_166 = arith.constant dense<0.000000e+00> : vector<400x64xf32>
    %dot_general3A_167 = tpu.matmul %sub3A_33, %get3A_165, %dot_general3A_166 {dimension_numbers = #tpu.dot_dimension_numbers<[1], [0], [0], [1], [0, 0, 1, 1], [], []>, transpose_lhs_hint = false} : vector<400x64xf32>, vector<64x64xf32>, vector<400x64xf32> -> vector<400x64xf32>
    %get3A_168 = arith.constant 0 : index
    %get3A_169 = arith.constant 0 : index
    %get3A_170 = vector.load %arg14[%get3A_168, %get3A_169] : memref<1x64xf32, #tpu.memory_space<vmem>>, vector<1x64xf32>
    %add3A_171 = vector.broadcast %get3A_170 : vector<1x64xf32> to vector<400x64xf32>
    %add3A_172 = arith.addf %dot_general3A_167, %add3A_171 : vector<400x64xf32>
    %get3A_173 = arith.constant 0 : index
    %get3A_174 = arith.constant 0 : index
    %get3A_175 = vector.load %arg11[%get3A_173, %get3A_174] : memref<64x64xf32, #tpu.memory_space<vmem>>, vector<64x64xf32>
    %dot_general3A_176 = arith.constant dense<0.000000e+00> : vector<400x64xf32>
    %dot_general3A_177 = tpu.matmul %get3A_36, %get3A_175, %dot_general3A_176 {dimension_numbers = #tpu.dot_dimension_numbers<[1], [0], [0], [1], [0, 0, 1, 1], [], []>, transpose_lhs_hint = false} : vector<400x64xf32>, vector<64x64xf32>, vector<400x64xf32> -> vector<400x64xf32>
    %get3A_178 = arith.constant 0 : index
    %get3A_179 = arith.constant 0 : index
    %get3A_180 = vector.load %arg14[%get3A_178, %get3A_179] : memref<1x64xf32, #tpu.memory_space<vmem>>, vector<1x64xf32>
    %add3A_181 = vector.broadcast %get3A_180 : vector<1x64xf32> to vector<400x64xf32>
    %add3A_182 = arith.addf %dot_general3A_177, %add3A_181 : vector<400x64xf32>
    %get3A_183 = arith.constant 0 : index
    %get3A_184 = arith.constant 0 : index
    %get3A_185 = vector.load %arg11[%get3A_183, %get3A_184] : memref<64x64xf32, #tpu.memory_space<vmem>>, vector<64x64xf32>
    %dot_general3A_186 = arith.constant dense<0.000000e+00> : vector<400x64xf32>
    %dot_general3A_187 = tpu.matmul %get3A_39, %get3A_185, %dot_general3A_186 {dimension_numbers = #tpu.dot_dimension_numbers<[1], [0], [0], [1], [0, 0, 1, 1], [], []>, transpose_lhs_hint = false} : vector<400x64xf32>, vector<64x64xf32>, vector<400x64xf32> -> vector<400x64xf32>
    %get3A_188 = arith.constant 0 : index
    %get3A_189 = arith.constant 0 : index
    %get3A_190 = vector.load %arg14[%get3A_188, %get3A_189] : memref<1x64xf32, #tpu.memory_space<vmem>>, vector<1x64xf32>
    %add3A_191 = vector.broadcast %get3A_190 : vector<1x64xf32> to vector<400x64xf32>
    %add3A_192 = arith.addf %dot_general3A_187, %add3A_191 : vector<400x64xf32>
    %mul3A_193 = arith.mulf %add3A_112, %add3A_142 : vector<400x64xf32>
    %dot_general3A_194 = arith.constant dense<0.000000e+00> : vector<400x4xf32>
    %dot_general3A_195 = tpu.matmul %mul3A_193, %convert_element_type3A_66, %dot_general3A_194 {dimension_numbers = #tpu.dot_dimension_numbers<[1], [0], [0], [1], [0, 0, 1, 1], [], []>, transpose_lhs_hint = false} : vector<400x64xf32>, vector<64x4xf32>, vector<400x4xf32> -> vector<400x4xf32>
    %mul3A_196 = arith.constant 2.500000e-01 : f32
    %mul3A_197 = vector.broadcast %mul3A_196 : f32 to vector<400x4xf32>
    %mul3A_198 = arith.mulf %dot_general3A_195, %mul3A_197 : vector<400x4xf32>
    %mul3A_199 = arith.mulf %add3A_112, %add3A_152 : vector<400x64xf32>
    %dot_general3A_200 = arith.constant dense<0.000000e+00> : vector<400x4xf32>
    %dot_general3A_201 = tpu.matmul %mul3A_199, %convert_element_type3A_66, %dot_general3A_200 {dimension_numbers = #tpu.dot_dimension_numbers<[1], [0], [0], [1], [0, 0, 1, 1], [], []>, transpose_lhs_hint = false} : vector<400x64xf32>, vector<64x4xf32>, vector<400x4xf32> -> vector<400x4xf32>
    %mul3A_202 = arith.constant 2.500000e-01 : f32
    %mul3A_203 = vector.broadcast %mul3A_202 : f32 to vector<400x4xf32>
    %mul3A_204 = arith.mulf %dot_general3A_201, %mul3A_203 : vector<400x4xf32>
    %mul3A_205 = arith.mulf %add3A_112, %add3A_162 : vector<400x64xf32>
    %dot_general3A_206 = arith.constant dense<0.000000e+00> : vector<400x4xf32>
    %dot_general3A_207 = tpu.matmul %mul3A_205, %convert_element_type3A_66, %dot_general3A_206 {dimension_numbers = #tpu.dot_dimension_numbers<[1], [0], [0], [1], [0, 0, 1, 1], [], []>, transpose_lhs_hint = false} : vector<400x64xf32>, vector<64x4xf32>, vector<400x4xf32> -> vector<400x4xf32>
    %mul3A_208 = arith.constant 2.500000e-01 : f32
    %mul3A_209 = vector.broadcast %mul3A_208 : f32 to vector<400x4xf32>
    %mul3A_210 = arith.mulf %dot_general3A_207, %mul3A_209 : vector<400x4xf32>
    %max3A_211 = arith.maximumf %mul3A_198, %mul3A_204 : vector<400x4xf32>
    %max3A_212 = arith.maximumf %max3A_211, %mul3A_210 : vector<400x4xf32>
    %sub3A_213 = arith.subf %mul3A_198, %max3A_212 : vector<400x4xf32>
    %exp3A_214 = math.exp %sub3A_213 : vector<400x4xf32>
    %sub3A_215 = arith.subf %mul3A_204, %max3A_212 : vector<400x4xf32>
    %exp3A_216 = math.exp %sub3A_215 : vector<400x4xf32>
    %sub3A_217 = arith.subf %mul3A_210, %max3A_212 : vector<400x4xf32>
    %exp3A_218 = math.exp %sub3A_217 : vector<400x4xf32>
    %add3A_219 = arith.addf %exp3A_214, %exp3A_216 : vector<400x4xf32>
    %add3A_220 = arith.addf %add3A_219, %exp3A_218 : vector<400x4xf32>
    %div3A_221 = arith.divf %exp3A_214, %add3A_220 : vector<400x4xf32>
    %dot_general3A_222 = arith.constant dense<0.000000e+00> : vector<400x64xf32>
    %dot_general3A_223 = tpu.matmul %div3A_221, %convert_element_type3A_102, %dot_general3A_222 {dimension_numbers = #tpu.dot_dimension_numbers<[1], [0], [0], [1], [0, 0, 1, 1], [], []>, transpose_lhs_hint = false} : vector<400x4xf32>, vector<4x64xf32>, vector<400x64xf32> -> vector<400x64xf32>
    %mul3A_224 = arith.mulf %dot_general3A_223, %add3A_172 : vector<400x64xf32>
    %div3A_225 = arith.divf %exp3A_216, %add3A_220 : vector<400x4xf32>
    %dot_general3A_226 = arith.constant dense<0.000000e+00> : vector<400x64xf32>
    %dot_general3A_227 = tpu.matmul %div3A_225, %convert_element_type3A_102, %dot_general3A_226 {dimension_numbers = #tpu.dot_dimension_numbers<[1], [0], [0], [1], [0, 0, 1, 1], [], []>, transpose_lhs_hint = false} : vector<400x4xf32>, vector<4x64xf32>, vector<400x64xf32> -> vector<400x64xf32>
    %mul3A_228 = arith.mulf %dot_general3A_227, %add3A_182 : vector<400x64xf32>
    %add3A_229 = arith.addf %mul3A_224, %mul3A_228 : vector<400x64xf32>
    %div3A_230 = arith.divf %exp3A_218, %add3A_220 : vector<400x4xf32>
    %dot_general3A_231 = arith.constant dense<0.000000e+00> : vector<400x64xf32>
    %dot_general3A_232 = tpu.matmul %div3A_230, %convert_element_type3A_102, %dot_general3A_231 {dimension_numbers = #tpu.dot_dimension_numbers<[1], [0], [0], [1], [0, 0, 1, 1], [], []>, transpose_lhs_hint = false} : vector<400x4xf32>, vector<4x64xf32>, vector<400x64xf32> -> vector<400x64xf32>
    %mul3A_233 = arith.mulf %dot_general3A_232, %add3A_192 : vector<400x64xf32>
    %add3A_234 = arith.addf %add3A_229, %mul3A_233 : vector<400x64xf32>
    %get3A_235 = arith.constant 0 : index
    %get3A_236 = arith.constant 0 : index
    %get3A_237 = vector.load %arg15[%get3A_235, %get3A_236] : memref<64x64xf32, #tpu.memory_space<vmem>>, vector<64x64xf32>
    %dot_general3A_238 = arith.constant dense<0.000000e+00> : vector<400x64xf32>
    %dot_general3A_239 = tpu.matmul %add3A_234, %get3A_237, %dot_general3A_238 {dimension_numbers = #tpu.dot_dimension_numbers<[1], [0], [0], [1], [0, 0, 1, 1], [], []>, transpose_lhs_hint = false} : vector<400x64xf32>, vector<64x64xf32>, vector<400x64xf32> -> vector<400x64xf32>
    %get3A_240 = arith.constant 0 : index
    %get3A_241 = arith.constant 0 : index
    %get3A_242 = vector.load %arg16[%get3A_240, %get3A_241] : memref<1x64xf32, #tpu.memory_space<vmem>>, vector<1x64xf32>
    %add3A_243 = vector.broadcast %get3A_242 : vector<1x64xf32> to vector<400x64xf32>
    %add3A_244 = arith.addf %dot_general3A_239, %add3A_243 : vector<400x64xf32>
    %mul3A_245 = arith.mulf %add3A_122, %add3A_142 : vector<400x64xf32>
    %dot_general3A_246 = arith.constant dense<0.000000e+00> : vector<400x4xf32>
    %dot_general3A_247 = tpu.matmul %mul3A_245, %convert_element_type3A_66, %dot_general3A_246 {dimension_numbers = #tpu.dot_dimension_numbers<[1], [0], [0], [1], [0, 0, 1, 1], [], []>, transpose_lhs_hint = false} : vector<400x64xf32>, vector<64x4xf32>, vector<400x4xf32> -> vector<400x4xf32>
    %mul3A_248 = arith.constant 2.500000e-01 : f32
    %mul3A_249 = vector.broadcast %mul3A_248 : f32 to vector<400x4xf32>
    %mul3A_250 = arith.mulf %dot_general3A_247, %mul3A_249 : vector<400x4xf32>
    %mul3A_251 = arith.mulf %add3A_122, %add3A_152 : vector<400x64xf32>
    %dot_general3A_252 = arith.constant dense<0.000000e+00> : vector<400x4xf32>
    %dot_general3A_253 = tpu.matmul %mul3A_251, %convert_element_type3A_66, %dot_general3A_252 {dimension_numbers = #tpu.dot_dimension_numbers<[1], [0], [0], [1], [0, 0, 1, 1], [], []>, transpose_lhs_hint = false} : vector<400x64xf32>, vector<64x4xf32>, vector<400x4xf32> -> vector<400x4xf32>
    %mul3A_254 = arith.constant 2.500000e-01 : f32
    %mul3A_255 = vector.broadcast %mul3A_254 : f32 to vector<400x4xf32>
    %mul3A_256 = arith.mulf %dot_general3A_253, %mul3A_255 : vector<400x4xf32>
    %mul3A_257 = arith.mulf %add3A_122, %add3A_162 : vector<400x64xf32>
    %dot_general3A_258 = arith.constant dense<0.000000e+00> : vector<400x4xf32>
    %dot_general3A_259 = tpu.matmul %mul3A_257, %convert_element_type3A_66, %dot_general3A_258 {dimension_numbers = #tpu.dot_dimension_numbers<[1], [0], [0], [1], [0, 0, 1, 1], [], []>, transpose_lhs_hint = false} : vector<400x64xf32>, vector<64x4xf32>, vector<400x4xf32> -> vector<400x4xf32>
    %mul3A_260 = arith.constant 2.500000e-01 : f32
    %mul3A_261 = vector.broadcast %mul3A_260 : f32 to vector<400x4xf32>
    %mul3A_262 = arith.mulf %dot_general3A_259, %mul3A_261 : vector<400x4xf32>
    %max3A_263 = arith.maximumf %mul3A_250, %mul3A_256 : vector<400x4xf32>
    %max3A_264 = arith.maximumf %max3A_263, %mul3A_262 : vector<400x4xf32>
    %sub3A_265 = arith.subf %mul3A_250, %max3A_264 : vector<400x4xf32>
    %exp3A_266 = math.exp %sub3A_265 : vector<400x4xf32>
    %sub3A_267 = arith.subf %mul3A_256, %max3A_264 : vector<400x4xf32>
    %exp3A_268 = math.exp %sub3A_267 : vector<400x4xf32>
    %sub3A_269 = arith.subf %mul3A_262, %max3A_264 : vector<400x4xf32>
    %exp3A_270 = math.exp %sub3A_269 : vector<400x4xf32>
    %add3A_271 = arith.addf %exp3A_266, %exp3A_268 : vector<400x4xf32>
    %add3A_272 = arith.addf %add3A_271, %exp3A_270 : vector<400x4xf32>
    %div3A_273 = arith.divf %exp3A_266, %add3A_272 : vector<400x4xf32>
    %dot_general3A_274 = arith.constant dense<0.000000e+00> : vector<400x64xf32>
    %dot_general3A_275 = tpu.matmul %div3A_273, %convert_element_type3A_102, %dot_general3A_274 {dimension_numbers = #tpu.dot_dimension_numbers<[1], [0], [0], [1], [0, 0, 1, 1], [], []>, transpose_lhs_hint = false} : vector<400x4xf32>, vector<4x64xf32>, vector<400x64xf32> -> vector<400x64xf32>
    %mul3A_276 = arith.mulf %dot_general3A_275, %add3A_172 : vector<400x64xf32>
    %div3A_277 = arith.divf %exp3A_268, %add3A_272 : vector<400x4xf32>
    %dot_general3A_278 = arith.constant dense<0.000000e+00> : vector<400x64xf32>
    %dot_general3A_279 = tpu.matmul %div3A_277, %convert_element_type3A_102, %dot_general3A_278 {dimension_numbers = #tpu.dot_dimension_numbers<[1], [0], [0], [1], [0, 0, 1, 1], [], []>, transpose_lhs_hint = false} : vector<400x4xf32>, vector<4x64xf32>, vector<400x64xf32> -> vector<400x64xf32>
    %mul3A_280 = arith.mulf %dot_general3A_279, %add3A_182 : vector<400x64xf32>
    %add3A_281 = arith.addf %mul3A_276, %mul3A_280 : vector<400x64xf32>
    %div3A_282 = arith.divf %exp3A_270, %add3A_272 : vector<400x4xf32>
    %dot_general3A_283 = arith.constant dense<0.000000e+00> : vector<400x64xf32>
    %dot_general3A_284 = tpu.matmul %div3A_282, %convert_element_type3A_102, %dot_general3A_283 {dimension_numbers = #tpu.dot_dimension_numbers<[1], [0], [0], [1], [0, 0, 1, 1], [], []>, transpose_lhs_hint = false} : vector<400x4xf32>, vector<4x64xf32>, vector<400x64xf32> -> vector<400x64xf32>
    %mul3A_285 = arith.mulf %dot_general3A_284, %add3A_192 : vector<400x64xf32>
    %add3A_286 = arith.addf %add3A_281, %mul3A_285 : vector<400x64xf32>
    %get3A_287 = arith.constant 0 : index
    %get3A_288 = arith.constant 0 : index
    %get3A_289 = vector.load %arg15[%get3A_287, %get3A_288] : memref<64x64xf32, #tpu.memory_space<vmem>>, vector<64x64xf32>
    %dot_general3A_290 = arith.constant dense<0.000000e+00> : vector<400x64xf32>
    %dot_general3A_291 = tpu.matmul %add3A_286, %get3A_289, %dot_general3A_290 {dimension_numbers = #tpu.dot_dimension_numbers<[1], [0], [0], [1], [0, 0, 1, 1], [], []>, transpose_lhs_hint = false} : vector<400x64xf32>, vector<64x64xf32>, vector<400x64xf32> -> vector<400x64xf32>
    %get3A_292 = arith.constant 0 : index
    %get3A_293 = arith.constant 0 : index
    %get3A_294 = vector.load %arg16[%get3A_292, %get3A_293] : memref<1x64xf32, #tpu.memory_space<vmem>>, vector<1x64xf32>
    %add3A_295 = vector.broadcast %get3A_294 : vector<1x64xf32> to vector<400x64xf32>
    %add3A_296 = arith.addf %dot_general3A_291, %add3A_295 : vector<400x64xf32>
    %add3A_297 = arith.addf %add3A_244, %add3A_296 : vector<400x64xf32>
    %mul3A_298 = arith.mulf %add3A_132, %add3A_142 : vector<400x64xf32>
    %dot_general3A_299 = arith.constant dense<0.000000e+00> : vector<400x4xf32>
    %dot_general3A_300 = tpu.matmul %mul3A_298, %convert_element_type3A_66, %dot_general3A_299 {dimension_numbers = #tpu.dot_dimension_numbers<[1], [0], [0], [1], [0, 0, 1, 1], [], []>, transpose_lhs_hint = false} : vector<400x64xf32>, vector<64x4xf32>, vector<400x4xf32> -> vector<400x4xf32>
    %mul3A_301 = arith.constant 2.500000e-01 : f32
    %mul3A_302 = vector.broadcast %mul3A_301 : f32 to vector<400x4xf32>
    %mul3A_303 = arith.mulf %dot_general3A_300, %mul3A_302 : vector<400x4xf32>
    %mul3A_304 = arith.mulf %add3A_132, %add3A_152 : vector<400x64xf32>
    %dot_general3A_305 = arith.constant dense<0.000000e+00> : vector<400x4xf32>
    %dot_general3A_306 = tpu.matmul %mul3A_304, %convert_element_type3A_66, %dot_general3A_305 {dimension_numbers = #tpu.dot_dimension_numbers<[1], [0], [0], [1], [0, 0, 1, 1], [], []>, transpose_lhs_hint = false} : vector<400x64xf32>, vector<64x4xf32>, vector<400x4xf32> -> vector<400x4xf32>
    %mul3A_307 = arith.constant 2.500000e-01 : f32
    %mul3A_308 = vector.broadcast %mul3A_307 : f32 to vector<400x4xf32>
    %mul3A_309 = arith.mulf %dot_general3A_306, %mul3A_308 : vector<400x4xf32>
    %mul3A_310 = arith.mulf %add3A_132, %add3A_162 : vector<400x64xf32>
    %dot_general3A_311 = arith.constant dense<0.000000e+00> : vector<400x4xf32>
    %dot_general3A_312 = tpu.matmul %mul3A_310, %convert_element_type3A_66, %dot_general3A_311 {dimension_numbers = #tpu.dot_dimension_numbers<[1], [0], [0], [1], [0, 0, 1, 1], [], []>, transpose_lhs_hint = false} : vector<400x64xf32>, vector<64x4xf32>, vector<400x4xf32> -> vector<400x4xf32>
    %mul3A_313 = arith.constant 2.500000e-01 : f32
    %mul3A_314 = vector.broadcast %mul3A_313 : f32 to vector<400x4xf32>
    %mul3A_315 = arith.mulf %dot_general3A_312, %mul3A_314 : vector<400x4xf32>
    %max3A_316 = arith.maximumf %mul3A_303, %mul3A_309 : vector<400x4xf32>
    %max3A_317 = arith.maximumf %max3A_316, %mul3A_315 : vector<400x4xf32>
    %sub3A_318 = arith.subf %mul3A_303, %max3A_317 : vector<400x4xf32>
    %exp3A_319 = math.exp %sub3A_318 : vector<400x4xf32>
    %sub3A_320 = arith.subf %mul3A_309, %max3A_317 : vector<400x4xf32>
    %exp3A_321 = math.exp %sub3A_320 : vector<400x4xf32>
    %sub3A_322 = arith.subf %mul3A_315, %max3A_317 : vector<400x4xf32>
    %exp3A_323 = math.exp %sub3A_322 : vector<400x4xf32>
    %add3A_324 = arith.addf %exp3A_319, %exp3A_321 : vector<400x4xf32>
    %add3A_325 = arith.addf %add3A_324, %exp3A_323 : vector<400x4xf32>
    %div3A_326 = arith.divf %exp3A_319, %add3A_325 : vector<400x4xf32>
    %dot_general3A_327 = arith.constant dense<0.000000e+00> : vector<400x64xf32>
    %dot_general3A_328 = tpu.matmul %div3A_326, %convert_element_type3A_102, %dot_general3A_327 {dimension_numbers = #tpu.dot_dimension_numbers<[1], [0], [0], [1], [0, 0, 1, 1], [], []>, transpose_lhs_hint = false} : vector<400x4xf32>, vector<4x64xf32>, vector<400x64xf32> -> vector<400x64xf32>
    %mul3A_329 = arith.mulf %dot_general3A_328, %add3A_172 : vector<400x64xf32>
    %div3A_330 = arith.divf %exp3A_321, %add3A_325 : vector<400x4xf32>
    %dot_general3A_331 = arith.constant dense<0.000000e+00> : vector<400x64xf32>
    %dot_general3A_332 = tpu.matmul %div3A_330, %convert_element_type3A_102, %dot_general3A_331 {dimension_numbers = #tpu.dot_dimension_numbers<[1], [0], [0], [1], [0, 0, 1, 1], [], []>, transpose_lhs_hint = false} : vector<400x4xf32>, vector<4x64xf32>, vector<400x64xf32> -> vector<400x64xf32>
    %mul3A_333 = arith.mulf %dot_general3A_332, %add3A_182 : vector<400x64xf32>
    %add3A_334 = arith.addf %mul3A_329, %mul3A_333 : vector<400x64xf32>
    %div3A_335 = arith.divf %exp3A_323, %add3A_325 : vector<400x4xf32>
    %dot_general3A_336 = arith.constant dense<0.000000e+00> : vector<400x64xf32>
    %dot_general3A_337 = tpu.matmul %div3A_335, %convert_element_type3A_102, %dot_general3A_336 {dimension_numbers = #tpu.dot_dimension_numbers<[1], [0], [0], [1], [0, 0, 1, 1], [], []>, transpose_lhs_hint = false} : vector<400x4xf32>, vector<4x64xf32>, vector<400x64xf32> -> vector<400x64xf32>
    %mul3A_338 = arith.mulf %dot_general3A_337, %add3A_192 : vector<400x64xf32>
    %add3A_339 = arith.addf %add3A_334, %mul3A_338 : vector<400x64xf32>
    %get3A_340 = arith.constant 0 : index
    %get3A_341 = arith.constant 0 : index
    %get3A_342 = vector.load %arg15[%get3A_340, %get3A_341] : memref<64x64xf32, #tpu.memory_space<vmem>>, vector<64x64xf32>
    %dot_general3A_343 = arith.constant dense<0.000000e+00> : vector<400x64xf32>
    %dot_general3A_344 = tpu.matmul %add3A_339, %get3A_342, %dot_general3A_343 {dimension_numbers = #tpu.dot_dimension_numbers<[1], [0], [0], [1], [0, 0, 1, 1], [], []>, transpose_lhs_hint = false} : vector<400x64xf32>, vector<64x64xf32>, vector<400x64xf32> -> vector<400x64xf32>
    %get3A_345 = arith.constant 0 : index
    %get3A_346 = arith.constant 0 : index
    %get3A_347 = vector.load %arg16[%get3A_345, %get3A_346] : memref<1x64xf32, #tpu.memory_space<vmem>>, vector<1x64xf32>
    %add3A_348 = vector.broadcast %get3A_347 : vector<1x64xf32> to vector<400x64xf32>
    %add3A_349 = arith.addf %dot_general3A_344, %add3A_348 : vector<400x64xf32>
    %add3A_350 = arith.addf %add3A_297, %add3A_349 : vector<400x64xf32>
    %mul3A_351 = arith.constant 0.333333343 : f32
    %mul3A_352 = vector.broadcast %mul3A_351 : f32 to vector<400x64xf32>
    %mul3A_353 = arith.mulf %add3A_350, %mul3A_352 : vector<400x64xf32>
    %reduce_max3A_354 = arith.constant dense<0xFF800000> : vector<400xf32>
    %reduce_max3A_355 = vector.multi_reduction <maximumf>, %mul3A_353, %reduce_max3A_354 [1] : vector<400x64xf32> to vector<400xf32>
    %broadcast_in_dim3A_356 = vector.shape_cast %reduce_max3A_355 : vector<400xf32> to vector<400x1xf32>
    %sub3A_357 = vector.broadcast %broadcast_in_dim3A_356 : vector<400x1xf32> to vector<400x64xf32>
    %sub3A_358 = arith.subf %mul3A_353, %sub3A_357 : vector<400x64xf32>
    %exp3A_359 = math.exp %sub3A_358 : vector<400x64xf32>
    %reduce_sum3A_360 = arith.constant dense<0.000000e+00> : vector<400xf32>
    %reduce_sum3A_361 = vector.multi_reduction <add>, %exp3A_359, %reduce_sum3A_360 [1] : vector<400x64xf32> to vector<400xf32>
    %broadcast_in_dim3A_362 = vector.shape_cast %reduce_sum3A_361 : vector<400xf32> to vector<400x1xf32>
    %log3A_363 = math.log %broadcast_in_dim3A_362 : vector<400x1xf32>
    %sub3A_364 = vector.broadcast %log3A_363 : vector<400x1xf32> to vector<400x64xf32>
    %sub3A_365 = arith.subf %sub3A_358, %sub3A_364 : vector<400x64xf32>
    %swap3A = arith.constant 0 : index
    %swap3A_366 = arith.constant 0 : index
    %swap3A_367 = vector.load %arg17[%swap3A, %swap3A_366] : memref<400x64xf32, #tpu.memory_space<vmem>>, vector<400x64xf32>
    tpu.vector_store %arg17[%swap3A, %swap3A_366], %sub3A_365 {strides = array<i32>} : memref<400x64xf32, #tpu.memory_space<vmem>>, vector<400x64xf32>,
    return
  }
  func.func @transform_0(%arg0: i32) -> (i32, i32) {
    %c0_i32 = arith.constant 0 : i32
    %c0_i32_0 = arith.constant 0 : i32
    return %arg0, %c0_i32 : i32, i32
  }
  func.func @transform_1(%arg0: i32) -> (i32, i32) {
    %c0_i32 = arith.constant 0 : i32
    %c0_i32_0 = arith.constant 0 : i32
    return %arg0, %c0_i32 : i32, i32
  }
  func.func @transform_2(%arg0: i32) -> (i32, i32) {
    %c0_i32 = arith.constant 0 : i32
    %c0_i32_0 = arith.constant 0 : i32
    return %arg0, %c0_i32 : i32, i32
  }
  func.func @transform_3(%arg0: i32) -> (i32, i32) {
    %c0_i32 = arith.constant 0 : i32
    %c0_i32_0 = arith.constant 0 : i32
    return %arg0, %c0_i32 : i32, i32
  }
  func.func @transform_4(%arg0: i32) -> (i32, i32) {
    %c0_i32 = arith.constant 0 : i32
    %c0_i32_0 = arith.constant 0 : i32
    return %arg0, %c0_i32 : i32, i32
  }
  func.func @transform_5(%arg0: i32) -> (i32, i32) {
    %c0_i32 = arith.constant 0 : i32
    %c0_i32_0 = arith.constant 0 : i32
    return %arg0, %c0_i32 : i32, i32
  }
  func.func @transform_6(%arg0: i32) -> (i32, i32) {
    %c0_i32 = arith.constant 0 : i32
    %c0_i32_0 = arith.constant 0 : i32
    return %arg0, %c0_i32 : i32, i32
  }
  func.func @transform_7(%arg0: i32) -> (i32, i32) {
    %c0_i32 = arith.constant 0 : i32
    %c0_i32_0 = arith.constant 0 : i32
    %c0_i32_1 = arith.constant 0 : i32
    return %c0_i32, %c0_i32_0 : i32, i32
  }
  func.func @transform_8(%arg0: i32) -> (i32, i32) {
    %c0_i32 = arith.constant 0 : i32
    %c0_i32_0 = arith.constant 0 : i32
    %c0_i32_1 = arith.constant 0 : i32
    return %c0_i32, %c0_i32_0 : i32, i32
  }
  func.func @transform_9(%arg0: i32) -> (i32, i32) {
    %c0_i32 = arith.constant 0 : i32
    %c0_i32_0 = arith.constant 0 : i32
    %c0_i32_1 = arith.constant 0 : i32
    return %c0_i32, %c0_i32_0 : i32, i32
  }
  func.func @transform_10(%arg0: i32) -> (i32, i32) {
    %c0_i32 = arith.constant 0 : i32
    %c0_i32_0 = arith.constant 0 : i32
    %c0_i32_1 = arith.constant 0 : i32
    return %c0_i32, %c0_i32_0 : i32, i32
  }
  func.func @transform_11(%arg0: i32) -> (i32, i32) {
    %c0_i32 = arith.constant 0 : i32
    %c0_i32_0 = arith.constant 0 : i32
    %c0_i32_1 = arith.constant 0 : i32
    return %c0_i32, %c0_i32_0 : i32, i32
  }
  func.func @transform_12(%arg0: i32) -> (i32, i32) {
    %c0_i32 = arith.constant 0 : i32
    %c0_i32_0 = arith.constant 0 : i32
    %c0_i32_1 = arith.constant 0 : i32
    return %c0_i32, %c0_i32_0 : i32, i32
  }
  func.func @transform_13(%arg0: i32) -> (i32, i32) {
    %c0_i32 = arith.constant 0 : i32
    %c0_i32_0 = arith.constant 0 : i32
    %c0_i32_1 = arith.constant 0 : i32
    return %c0_i32, %c0_i32_0 : i32, i32
  }
  func.func @transform_14(%arg0: i32) -> (i32, i32) {
    %c0_i32 = arith.constant 0 : i32
    %c0_i32_0 = arith.constant 0 : i32
    %c0_i32_1 = arith.constant 0 : i32
    return %c0_i32, %c0_i32_0 : i32, i32
  }
  func.func @transform_15(%arg0: i32) -> (i32, i32) {
    %c0_i32 = arith.constant 0 : i32
    %c0_i32_0 = arith.constant 0 : i32
    %c0_i32_1 = arith.constant 0 : i32
    return %c0_i32, %c0_i32_0 : i32, i32
  }
  func.func @transform_16(%arg0: i32) -> (i32, i32) {
    %c0_i32 = arith.constant 0 : i32
    %c0_i32_0 = arith.constant 0 : i32
    return %arg0, %c0_i32 : i32, i32
  }
}

</mosaic_0001>

<sc_bundles>
// kernel: sc_segment_sum.4.cloned.1.call-start
scs
__scs_entry_jumppad:
0x0: {  	(pc) =	sbr.rel $0x88, $3  }
0x1: {  	(tag) =	ssettag $0x0;
	lr =	simm.s32 $0x1  }
0x2: {  	[smem:$0x3F93] =	sst lr;
	_ =	strace $0xD0000000  }
0x3: {  	_ = 	snop  }
0x4: {  	_ = 	snop  }
0x5: {  	_ = 	snop  }
0x6: {  	_ = 	snop  }
0x7: {  	_ = 	snop  }
__scs_overlays_trampoline_lowered:
0x8: {  	[smem:$0x3FA2] =	sst s0  }
0x9: {  	[smem:$0x3FA3] =	sst s1  }
0xa: {  	[smem:$0x3FA4] =	sst s2  }
0xb: {  	[smem:$0x3FA5] =	sst s3  }
0xc: {  	[smem:$0x3FA6] =	sst s4  }
0xd: {  	[smem:$0x3FA7] =	sst s5  }
0xe: {  	[smem:$0x3FA8] =	sst s6  }
0xf: {  	[smem:$0x3FA9] =	sst s7  }
0x10: {  	[smem:$0x3FAA] =	sst s8  }
0x11: {  	[smem:$0x3FAB] =	sst s9;
	s0 =	simm.s32 @!p0 $0x0  }
0x12: {  	s1 =	sld [smem:$0x3F91];
	s0 =	simm.s32 @p0 $0x1  }
0x13: {  	[smem:$0x3FAC] =	sst s0;
	s0 =	simm.s32 @!p1 $0x0  }
0x14: {  	s2 =	sld [smem:$0x3F90];
	s0 =	simm.s32 @p1 $0x1  }
0x15: {  	[smem:$0x3FAD] =	sst s0;
	s0 =	simm.s32 @!p2 $0x0  }
0x16: {  	s3 =	sld [smem:$0x3FDB];
	s0 =	simm.s32 @p2 $0x1  }
0x17: {  	s4 =	simm.s32 $0x1BF5;
	[smem:$0x3FAF] =	sst s0  }
0x18: {  	s0 =	sld [smem:$0x3F92];
	_ =	swait.ge [sflag:s4], $0x0  }
0x19: {  	s7 =	sld [smem:$0x3F93]  }
0x1a: {  	s8 =	sadd.s32 $0xFFFFE003, lr  }
0x1b: {  	s9 =	sadd.s32 $0xFFFFFEF7, lr;
	s5 =	simm.s32 $0xFFFFFFFF;
	p2 =	slt.u32 s8, $0xFFFFF086  }
0x1c: {  	p1 =	slt.u32 s9, $0xF7A;
	s5 =	simm.s32 @!p2 $0x0  }
0x1d: {  	s5 =	simm.s32 @p1 $0x1;
	p0 =	seq.s32 s7, s2  }
0x1e: {  	s7 =	smul.u32 @!p0 $0xF7A, s2;
	p2 =	seq.s32 @!p0 s5, $0x0  }
0x1f: {  	s9 =	smul.u32 $0xF7A, s1;
	s8 =	simm.s32 @!p0 $0x1BF5;
	p2 =	por !p2, p0  }
0x20: {  	[sflag:s8] =	ssyncset.s32 @!p0 $0xFFFFF086;
	s6 =	sadd.s32 @!p0 s3, s7;
	s7 =	simm.s32 @!p0 $0x108  }
0x21: {  	s3 =	sadd.s32 s3, s9;
	s6 =	sadd.s32 @!p0 $0x88, s6;
	s7 =	simm.s32 @p2 $0x1082  }
0x22: {  	[simem:s7], [sflag:s8] =	dma.local @!p0 [hbm:s6], $0xF7A  }
0x23: {  	s9 =	sor.u32 $0xD0000000, s2;
	s6 =	simm.s32 $0x108;
	_ =	swait.ge @!p0 [sflag:s8], $0x0  }
0x24: {  	s3 =	sadd.s32 $0x88, s3;
	s6 =	simm.s32 @!p1 $0x1082;
	[sflag:s4] =	ssyncset.s32 $0xFFFFF086  }
0x25: {  	[simem:s6], [sflag:s4] =	dma.local [hbm:s3], $0xF7A  }
0x26: {  	[smem:$0x3F93] =	sst s1;
	(tag) =	ssettag s2;
	_ =	strace s9  }
0x27: {  	s1 =	sld [smem:$0x3FA3]  }
0x28: {  	s2 =	sld [smem:$0x3FA4]  }
0x29: {  	s4 =	sld [smem:$0x3FA6]  }
0x2a: {  	p0 =	seq.s32 s5, $0x0;
	s5 =	sld [smem:$0x3FA7]  }
0x2b: {  	s6 =	sld [smem:$0x3FA8]  }
0x2c: {  	s7 =	sld [smem:$0x3FA9]  }
0x2d: {  	s3 =	simm.s32 $0x108;
	s8 =	sld [smem:$0x3FAA]  }
0x2e: {  	s3 =	simm.s32 @!p0 $0x1082;
	s9 =	sld [smem:$0x3FAB]  }
0x2f: {  	lr =	sadd.s32 s0, s3;
	s0 =	sld [smem:$0x3FA2]  }
0x30: {  	s3 =	sld [smem:$0x3FA5]  }
0x31: {  	[smem:$0x3FAE] =	sst s10  }
0x32: {  	s10 =	sld [smem:$0x3FAC];
	_ =	sdelay $0x3  }
0x33: {  	p0 =	seq.s32 s10, $0x1;
	s10 =	sld [smem:$0x3FAE];
	_ =	sdelay $0x3  }
0x34: {  	[smem:$0x3FAE] =	sst s10  }
0x35: {  	s10 =	sld [smem:$0x3FAD];
	_ =	sdelay $0x3  }
0x36: {  	p1 =	seq.s32 s10, $0x1;
	s10 =	sld [smem:$0x3FAE];
	_ =	sdelay $0x3  }
0x37: {  	[smem:$0x3FAE] =	sst s10  }
0x38: {  	s10 =	sld [smem:$0x3FAF]  }
0x39: {  	_ = 	snop;
	(pc) =	sbr.ind lr, $3  }
0x3a: {  	_ = 	snop  }
0x3b: {  	_ = 	snop  }
0x3c: {  	p2 =	seq.s32 s10, $0x1;
	s10 =	sld [smem:$0x3FAE]  }
0x3d: {  	_ =	shalt  }
0x3e: {  	_ =	shalt  }
0x3f: {  	_ =	shalt  }
0x40: {  	_ =	shalt  }
0x41: {  	_ =	shalt  }
0x42: {  	_ =	shalt  }
0x43: {  	_ =	shalt  }
0x44: {  	_ =	shalt  }
0x45: {  	_ =	shalt  }
0x46: {  	_ =	shalt  }
0x47: {  	_ =	shalt  }
0x48: {  	_ =	shalt  }
0x49: {  	_ =	shalt  }
0x4a: {  	_ =	shalt  }
0x4b: {  	_ =	shalt  }
0x4c: {  	_ =	shalt  }
0x4d: {  	_ =	shalt  }
0x4e: {  	_ =	shalt  }
0x4f: {  	_ =	shalt  }
0x50: {  	_ =	shalt  }
0x51: {  	_ =	shalt  }
0x52: {  	_ =	shalt  }
0x53: {  	_ =	shalt  }
0x54: {  	_ =	shalt  }
0x55: {  	_ =	shalt  }
0x56: {  	_ =	shalt  }
0x57: {  	_ =	shalt  }
0x58: {  	_ =	shalt  }
0x59: {  	_ =	shalt  }
0x5a: {  	_ =	shalt  }
0x5b: {  	_ =	shalt  }
0x5c: {  	_ =	shalt  }
0x5d: {  	_ =	shalt  }
0x5e: {  	_ =	shalt  }
0x5f: {  	_ =	shalt  }
0x60: {  	_ =	shalt  }
0x61: {  	_ =	shalt  }
0x62: {  	_ =	shalt  }
0x63: {  	_ =	shalt  }
0x64: {  	_ =	shalt  }
0x65: {  	_ =	shalt  }
0x66: {  	_ =	shalt  }
0x67: {  	_ =	shalt  }
0x68: {  	_ =	shalt  }
0x69: {  	_ =	shalt  }
0x6a: {  	_ =	shalt  }
0x6b: {  	_ =	shalt  }
0x6c: {  	_ =	shalt  }
0x6d: {  	_ =	shalt  }
0x6e: {  	_ =	shalt  }
0x6f: {  	_ =	shalt  }
0x70: {  	_ =	shalt  }
0x71: {  	_ =	shalt  }
0x72: {  	_ =	shalt  }
0x73: {  	_ =	shalt  }
0x74: {  	_ =	shalt  }
0x75: {  	_ =	shalt  }
0x76: {  	_ =	shalt  }
0x77: {  	_ =	shalt  }
0x78: {  	_ =	shalt  }
0x79: {  	_ =	shalt  }
0x7a: {  	_ =	shalt  }
0x7b: {  	_ =	shalt  }
0x7c: {  	_ =	shalt  }
0x7d: {  	_ =	shalt  }
0x7e: {  	_ =	shalt  }
0x7f: {  	_ =	shalt  }
0x80: {  	_ =	shalt  }
0x81: {  	_ =	shalt  }
0x82: {  	_ =	shalt  }
0x83: {  	_ =	shalt  }
0x84: {  	_ =	shalt  }
0x85: {  	_ =	shalt  }
0x86: {  	_ =	shalt  }
0x87: {  	_ =	shalt  }
.Lfunc_end0:
.L_simem_size_0:
called_computation_lowered:
.L_overlay_start_0:
0x88: {  	s2 =	sld [smem:$0x3FD9]  }
0x89: {  	s3 =	sld [smem:$0x3FFE];
	_ =	sdelay $0x1  }
0x8a: {  	s1 =	srdreg.scid  }
0x8b: {  	s0 =	sand.u32 $0x1, s1  }
0x8c: {  	s17 =	sshll.u32 s0, $0xA;
	s2 =	sadd.s32 s3, s2  }
0x8d: {  	s2 =	sadd.s32 s2, s17  }
0x8e: {  	[smem:$0x3FBA] =	sst s2  }
0x8f: {  	_ = 	snop  }
0x90: {  	s2 =	sld [smem:$0x3FD0];
	(tm) =	ssettm $0x1  }
0x91: {  	s18 =	sld [smem:$0x3FFB];
	_ =	sdelay $0x3  }
0x92: {  	_ =	strace s18  }
0x93: {  	s3 =	sld [smem:$0x3FFC];
	_ =	sdelay $0x3  }
0x94: {  	_ =	strace s3  }
0x95: {  	s3 =	sld [smem:$0x3FFD];
	_ =	sdelay $0x3  }
0x96: {  	_ =	strace s3  }
0x97: {  	_ =	strace $0x8FFFFFFF  }
0x98: {  	s19 =	sld [smem:$0x3FDB];
	_ =	sdelay $0x1  }
0x99: {  	s4 =	simm.s32 $_scs_section_size  }
0x9a: {  	s5 =	simm.s32 $_size__tile_overlayer_lowered;
	s6 =	simm.s32 $_tile_overlayer_lowered  }
0x9b: {  	s22 =	simm.s32 $0x1BFF;
	s21 =	sshll.u32 s6, $0x1;
	s3 =	sadd.s32 s4, s19  }
0x9c: {  	s7 =	simm.s32 $0x0;
	s20 =	sshll.u32 s5, $0x1;
	s5 =	sadd.s32 s21, s3  }
0x9d: {  	[timem:s7], [sflag:s22] =	dma.local [hbm:s5], s20  }
0x9e: {  	_ =	swait.ge [sflag:s22], s20  }
0x9f: {  	s4 =	ssub.s32 $0x0, s20;
	[sflag:s22] =	ssyncset.done $0x0  }
0xa0: {  	[sflag:s22] =	ssyncadd.s32 s4;
	_ =	sdelay $0x1  }
0xa1: {  	s23 =	simm.s32 $0x1B8B  }
0xa2: {  	_ =	swait.ge [sflag:s23], $0x1  }
0xa3: {  	[sflag:s23] =	ssyncset.done $0x0  }
0xa4: {  	s25 =	simm.s32 $0x1B8E;
	s24 =	sld [smem:$0x3FFE];
	[sflag:s23] =	ssyncadd.s32 $0xFFFFFFFF  }
0xa5: {  	s26 =	simm.s32 $execute0_lowered;
	[smem:$0x3FD2] =	sst s25  }
0xa6: {  	s5 =	sshll.u32 s26, $0x1;
	_ =	strace $0x80000046;
	[dreg:$0x1] =	wrdreg $0xFFFFFFFF  }
0xa7: {  	s28 =	simm.s32 $_size_execute0_lowered;
	s3 =	sadd.s32 s3, s5;
	[dreg:$0x0] =	wrdreg $0x0  }
0xa8: {  	s5 =	sshll.u32 s28, $0x1;
	[dreg:$0x2] =	wrdreg s3  }
0xa9: {  	[dreg:$0x3] =	wrdreg s5  }
0xaa: {  	[dreg:$0x4] =	wrdreg $0xC0  }
0xab: {  	_ =	task [dreg:s7], $0x5FFFF  }
0xac: {  	[dreg:$0x1] =	wrdreg $0xFFFFFFFF  }
0xad: {  	[dreg:$0x0] =	wrdreg $0x60  }
0xae: {  	[dreg:$0x2] =	wrdreg s24  }
0xaf: {  	[dreg:$0x3] =	wrdreg s2  }
0xb0: {  	[dreg:$0x4] =	wrdreg $0xA9800  }
0xb1: {  	[dreg:$0x5] =	wrdreg $0x1E5800  }
0xb2: {  	[dreg:$0x6] =	wrdreg $0x9  }
0xb3: {  	_ =	task.clear_ibuf [dreg:s7], $0x7FFFF;
	_ =	strace $0x90000046  }
0xb4: {  	s29 =	simm.s32 $0x9;
	_ =	strace $0x80000048  }
0xb5: {  	_ =	swait.ge [sflag:s29], $0x1  }
0xb6: {  	[sflag:s29] =	ssyncadd.s32 $0xFFFFFFFF  }
0xb7: {  	_ =	strace $0x90000048  }
0xb8: {  	_ =	sfence  }
0xb9: {  	s30 =	sld [smem:$0x0];
	_ =	sdelay $0x2  }
0xba: {  	s31 =	sshll.u32 s1, $0xD;
	s1 =	sshrl.u32 s1, $0x2  }
0xbb: {  	s3 =	sand.u32 $0x4000, s31;
	s1 =	sadd.s32 s1, s30  }
0xbc: {  	s0 =	sor.u32 s3, s0;
	s1 =	sshll.u32 s1, $0x11  }
0xbd: {  	s0 =	sor.u32 s1, s0  }
0xbe: {  	s0 =	sadd.s32 $0x8F2B, s0  }
0xbf: {  	[sflag:s0] =	ssyncadd.remote.s32 $0x1  }
0xc0: {  	_ =	sfence.sel $0xFFFF  }
0xc1: {  	[dreg:$0x0] =	wrdreg $0xFFFFFFFF;
	(pc) =	sbr.abs _section_cstart, $3  }
0xc2: {  	[dreg:$0x1] =	wrdreg $0xFFFFFFFF  }
0xc3: {  	_ =	task.clear_ibuf [dreg:s7], $0x2FFFF;
	_ =	strace $0x9FFFFFFF  }
0xc4: {  	(tm) =	ssettm $0x7FFFFFFF  }
0xc5: {  	_ =	shalt  }
tec
execute0_lowered:
.L_overlay_start_1:
0x0: {  	(tag) =	ssettag $0x1  }
0x1: {  	s0 =	rddreg [dreg:$0x0]  }
0x2: {  	s3 =	rddreg [dreg:$0x1]  }
0x3: {  	s1 =	rddreg [dreg:$0x2]  }
0x4: {  	s2 =	rddreg [dreg:$0x3];
	s4 =	simm.s32 $0x0  }
0x5: {  	s17 =	stileid.u32;
	s9 =	srdreg.scid;
	s28 =	simm.s32 $0x2900  }
0x6: {  	s29 =	simm.s32 $0x80;
	s30 =	simm.s32 $0x2980;
	s31 =	simm.s32 $0x1  }
0x7: {  	[smem:$0x7FF] =	sst s4;
	s5 =	sadd.s32 $0x4200, s0;
	s6 =	sadd.s32 $0x2BA00, s0  }
0x8: {  	s7 =	smul.u32 $0x2780, s17;
	s8 =	sadd.s32 $0x35800, s0;
	s10 =	sadd.s32 $0x38000, s0  }
0x9: {  	s9 =	sand.u32 $0x1, s9;
	s18 =	sadd.s32 $0x38400, s0;
	s11 =	smul.u32 $0x4F000, s17  }
0xa: {  	s19 =	sadd.s32 $0x38A00, s0;
	s12 =	sshll.u32 s17, $0x1;
	s16 =	sshll.u32 s17, $0x6  }
0xb: {  	s20 =	sshll.u32 s17, $0x7;
	s22 =	sor.u32 $0x10, s17;
	s26 =	sor.u32 $0x30, s17  }
0xc: {  	p1 =	seq.s32 s17, $0xF;
	_ =	strace $0x80000047;
	[dreg:$0x5] =	wrdreg s8  }
0xd: {  	s8 =	sadd.s32 $0x38200, s0;
	[dreg:$0x6] =	wrdreg s10;
	s14 =	ssub.s32 $0x2, s9  }
0xe: {  	s10 =	sor.u32 s9, s12;
	s13 =	sor.u32 $0x1C08, s16;
	s16 =	smul.u32 $0x4F00, s17  }
0xf: {  	s21 =	sadd.s32 s20, s2;
	s23 =	sshll.u32 s22, $0x7;
	s25 =	smul.u32 $0x2780, s9  }
0x10: {  	p0 =	seq.s32 s9, $0x1;
	s9 =	sshll.u32 s26, $0x4;
	[dreg:$0x7] =	wrdreg s18  }
0x11: {  	[dreg:$0x8] =	wrdreg s19;
	s7 =	sadd.s32 s7, s0;
	s15 =	sshrl.u32 s14, $0x1  }
0x12: {  	s11 =	sshrl.u32 s11, $0x2;
	[dreg:$0xa] =	wrdreg s21;
	s12 =	sadd.s32 s23, s2  }
0x13: {  	s21 =	sshll.u32 s22, $0x4;
	s0 =	ssub.s32 s14, s15;
	s11 =	sadd.s32 s11, s1  }
0x14: {  	s14 =	sor.u32 $0x20, s17;
	s15 =	smul.u32 $0x500, s10;
	[dreg:$0xb] =	wrdreg s12  }
0x15: {  	[dreg:$0x9] =	wrdreg s11;
	s24 =	sshll.u32 s14, $0x7;
	s0 =	smax.u32 s0, $0x1  }
0x16: {  	s10 =	smul.u32 $0x2780, s10;
	s12 =	sadd.s32 s24, s2;
	[dreg:$0x1c] =	wrdreg s0  }
0x17: {  	s22 =	sshll.u32 s14, $0x4;
	s3 =	sadd.s32 s3, s15;
	[dreg:$0xc] =	wrdreg s12  }
0x18: {  	s11 =	simm.s32 $0x5;
	s24 =	sadd.s32 $0x60800, s7;
	[dreg:$0xd] =	wrdreg s3  }
0x19: {  	s15 =	sshll.u32 s26, $0x7;
	s7 =	sadd.s32 $0x39000, s7;
	[dreg:$0x12] =	wrdreg s24  }
0x1a: {  	s3 =	sadd.s32 s25, s16;
	s12 =	sadd.s32 s15, s2;
	[dreg:$0x13] =	wrdreg s7  }
0x1b: {  	s16 =	sor.u32 $0x40, s17;
	s15 =	sadd.s32 s18, s21;
	[dreg:$0xe] =	wrdreg s12  }
0x1c: {  	s25 =	sshll.u32 s17, $0x4;
	s23 =	sshll.u32 s16, $0x4;
	[dreg:$0x16] =	wrdreg s15  }
0x1d: {  	s10 =	sshrl.u32 s10, $0x3;
	s26 =	sadd.s32 s18, s25;
	[dreg:$0x11] =	wrdreg s23  }
0x1e: {  	s0 =	simm.s32 $0x2;
	s7 =	sadd.s32 s19, s25;
	[dreg:$0x14] =	wrdreg s26  }
0x1f: {  	s20 =	sshll.u32 s16, $0x7;
	s16 =	sadd.s32 s19, s21;
	[dreg:$0x15] =	wrdreg s7  }
0x20: {  	s17 =	simm.s32 $0x0;
	s24 =	sadd.s32 $0x100, s3;
	[dreg:$0x17] =	wrdreg s16  }
0x21: {  	s21 =	sadd.s32 $0x180, s3;
	s12 =	sadd.s32 s20, s2;
	[dreg:$0x1d] =	wrdreg s24  }
0x22: {  	s20 =	sadd.s32 s18, s22;
	s22 =	sadd.s32 s19, s22;
	[dreg:$0xf] =	wrdreg s12  }
0x23: {  	s7 =	sshrl.u32 s21, $0x3;
	s23 =	sadd.s32 s18, s9;
	[dreg:$0x18] =	wrdreg s20  }
0x24: {  	s9 =	sadd.s32 s19, s9;
	s16 =	simm.s32 $0x7;
	[dreg:$0x19] =	wrdreg s22  }
.Ltmp0:
0x25: {  	s12 =	sadd.s32 s6, s10;
	[dreg:$0x1a] =	wrdreg s23;
	(pc) =	sbr.rel .LBB2_1-.Ltmp0, $4  }
0x26: {  	[dreg:$0x1b] =	wrdreg s9;
	s21 =	sadd.s32 s7, s6;
	s10 =	simm.s32 $0x3  }
0x27: {  	s7 =	simm.s32 $0x4;
	s25 =	sadd.s32 $0x10, s12;
	[dreg:$0x10] =	wrdreg s12  }
0x28: {  	s9 =	simm.s32 $0x6;
	s26 =	sadd.s32 $0x4E0, s12;
	[dreg:$0x1e] =	wrdreg s25  }
0x29: {  	[dreg:$0x1f] =	wrdreg s26;
	s25 =	simm.s32 $0x8;
	s26 =	simm.s32 $0x6980  }
.LBB2_8:
0x2a: {  	s12 =	rddreg [dreg:$0x11]  }
0x2b: {  	s24 =	rddreg [dreg:$0xf]  }
0x2c: {  	s3 =	sadd.s32 s3, s12;
	s12 =	sshrl.u32 s24, $0x3  }
0x2d: {  	[hbm:s3], [sflag:s13] =	dma.local [spmem:s12], $0x10  }
0x2e: {  	_ =	swait.ge [sflag:s25], $0x10  }
0x2f: {  	[sflag:s25] =	ssyncset.done $0x0  }
0x30: {  	[sflag:s25] =	ssyncadd.s32 $0xFFFFFFF0  }
.LBB2_9:
0x31: {  	s17 =	sadd.s32 $0x1, s17;
	s3 =	rddreg [dreg:$0x1c]  }
0x32: {  	p2 =	sne.s32 s17, s3  }
.Ltmp1:
0x33: {  	_ = 	snop;
	(pc) =	sbr.rel @!p2 .LBB2_10-.Ltmp1, $1  }
0x34: {  	_ =	sdelay $0x3  }
.LBB2_1:
0x35: {  	s3 =	rddreg [dreg:$0x9]  }
0x36: {  	s14 =	rddreg [dreg:$0x5];
	s24 =	sshrl.u32 s3, $0x3  }
0x37: {  	[spmem:s24], [sflag:s13] =	dma.local [hbm:s14], $0x2780  }
0x38: {  	_ =	swait.ge [sflag:s25], $0x2780  }
0x39: {  	[sflag:s25] =	ssyncset.done $0x0;
	s15 =	rddreg [dreg:$0xa]  }
0x3a: {  	[sflag:s25] =	ssyncadd.s32 $0xFFFFD880;
	s23 =	sshrl.u32 s15, $0x3  }
0x3b: {  	[spmem:s23], [sflag:s13] =	dma.local [hbm:s8], $0x10  }
0x3c: {  	_ =	swait.ge [sflag:s25], $0x10  }
0x3d: {  	[sflag:s25] =	ssyncset.done $0x0;
	s18 =	rddreg [dreg:$0xb]  }
0x3e: {  	[sflag:s25] =	ssyncadd.s32 $0xFFFFFFF0;
	s20 =	sshrl.u32 s18, $0x3  }
0x3f: {  	[spmem:s20], [sflag:s13] =	dma.local [hbm:s8], $0x10  }
0x40: {  	_ =	swait.ge [sflag:s25], $0x10  }
0x41: {  	[sflag:s25] =	ssyncset.done $0x0;
	s19 =	rddreg [dreg:$0xc]  }
0x42: {  	[sflag:s25] =	ssyncadd.s32 $0xFFFFFFF0;
	s3 =	sshrl.u32 s19, $0x3  }
0x43: {  	[spmem:s3], [sflag:s13] =	dma.local [hbm:s8], $0x10  }
0x44: {  	_ =	swait.ge [sflag:s25], $0x10  }
0x45: {  	[sflag:s25] =	ssyncset.done $0x0;
	s12 =	rddreg [dreg:$0xe]  }
0x46: {  	[sflag:s25] =	ssyncadd.s32 $0xFFFFFFF0;
	s18 =	sshrl.u32 s12, $0x3  }
0x47: {  	[spmem:s18], [sflag:s13] =	dma.local [hbm:s8], $0x10  }
0x48: {  	_ =	swait.ge [sflag:s25], $0x10  }
0x49: {  	[sflag:s25] =	ssyncset.done $0x0;
	s12 =	rddreg [dreg:$0xf]  }
0x4a: {  	[sflag:s25] =	ssyncadd.s32 $0xFFFFFFF0;
	s12 =	sshrl.u32 @!p1 s12, $0x3  }
0x4b: {  	[spmem:s12], [sflag:s13] =	dma.local @!p1 [hbm:s8], $0x10  }
0x4c: {  	s12 =	simm.s32 @!p1 $0x8  }
0x4d: {  	_ =	swait.ge @!p1 [sflag:s12], $0x10  }
0x4e: {  	[sflag:s12] =	ssyncset.done @!p1 $0x0  }
0x4f: {  	s14 =	simm.s32 $0x100;
	s22 =	rddreg [dreg:$0xd];
	[sflag:s12] =	ssyncadd.s32 @!p1 $0xFFFFFFF0  }
0x50: {  	[tilespmem:s14], [sflag:$0x8] =	stream.linear.gather [hbm4b:s22+s4], $0x2780, $0x38;
	[tilespmem:$0x1E7F8] =	vst v63  }
0x51: {  	_ =	swait.ge [sflag:s25], $0x2780  }
0x52: {  	[sflag:s25] =	ssyncset.done $0x0  }
0x53: {  	s14 =	rddreg [dreg:$0x6];
	[sflag:s25] =	ssyncadd.s32 $0xFFFFD880  }
0x54: {  	[tilespmem:s28], [sflag:$0x8] =	stream.linear.gather [hbm4b:s14+s4], $0x80, $0x38;
	[tilespmem:$0x1E7F8] =	vst v63  }
0x55: {  	_ =	swait.ge [sflag:s25], $0x80  }
0x56: {  	[sflag:s25] =	ssyncset.done $0x0  }
0x57: {  	[sflag:s25] =	ssyncadd.s32 $0xFFFFFF80  }
0x58: {  	[bflag:$0x0] =	sbarrier.arrive $0xFFFF  }
0x59: {  	s15 =	rddreg [dreg:$0x10]  }
0x5a: {  	[tilespmem:s4], [sflag:$0x8] =	stream.linear.gather [hbm4b:s15+s4], $0x80, $0x38;
	[tilespmem:$0x1E7F8] =	vst v63  }
0x5b: {  	_ =	swait.ge [sflag:s25], $0x80  }
0x5c: {  	[sflag:s25] =	ssyncset.done $0x0  }
0x5d: {  	[sflag:s25] =	ssyncadd.s32 $0xFFFFFF80  }
0x5e: {  	[tilespmem:s30], [sflag:$0x1] =	stream.indirect.gather [hbm4b:s5+s29], $0x80, s4, s29, $0xb8;
	[tilespmem:$0x1E7F8] =	vst v63  }
0x5f: {  	s19 =	rddreg [dreg:$0x1e]  }
0x60: {  	[tilespmem:s29], [sflag:$0x8] =	stream.linear.gather [hbm4b:s19+s4], $0x80, $0x38;
	[tilespmem:$0x1E7F8] =	vst v63  }
0x61: {  	_ =	swait.ge [sflag:s25], $0x80  }
0x62: {  	[sflag:s25] =	ssyncset.done $0x0  }
0x63: {  	[sflag:s25] =	ssyncadd.s32 $0xFFFFFF80  }
0x64: {  	[tilespmem:s26], [sflag:$0x2] =	stream.indirect.gather [hbm4b:s5+s29], $0x80, s29, s29, $0xb8;
	[tilespmem:$0x1E7F8] =	vst v63  }
0x65: {  	_ =	swait.ge [sflag:s31], $0x4000  }
0x66: {  	s15 =	rddreg [dreg:$0x1d]  }
0x67: {  	[sflag:s31] =	ssyncset.done $0x0;
	s22 =	sshrl.u32 s15, $0x3  }
0x68: {  	[sflag:s31] =	ssyncadd.s32 $0xFFFFC000;
	s12 =	sadd.s32 s6, s22  }
0x69: {  	[tilespmem:s4], [sflag:$0x3] =	stream.linear.gather [hbm4b:s12+s4], $0x80, $0x38;
	[tilespmem:$0x1E7F8] =	vst v63  }
0x6a: {  	s14 =	simm.s32 $0x100  }
0x6b: {  	[spmem:s1] =	stream.indirect.scatter.add.f32 [tilespmem:s30], [sflag:$0x5], $0x80, s14, s29, $0xb8;
	[tilespmem:$0x1E7F8] =	vst v63  }
0x6c: {  	_ = 	snop  }
0x6d: {  	[spmem:s2] =	stream.indirect.scatter.add.f32 [tilespmem:s28], [sflag:$0x7], $0x1, s14, s29, $0xb8;
	[tilespmem:$0x1E7F8] =	vst v63  }
0x6e: {  	_ =	swait.ge [sflag:s0], $0x4000  }
0x6f: {  	[sflag:s0] =	ssyncset.done $0x0  }
0x70: {  	s19 =	sadd.s32 $0x0, s21;
	[sflag:s0] =	ssyncadd.s32 $0xFFFFC000  }
0x71: {  	[tilespmem:s29], [sflag:$0x4] =	stream.linear.gather [hbm4b:s19+s4], $0x80, $0x38;
	[tilespmem:$0x1E7F8] =	vst v63  }
0x72: {  	s22 =	simm.s32 $0x180  }
0x73: {  	[spmem:s1] =	stream.indirect.scatter.add.f32 [tilespmem:s26], [sflag:$0x6], $0x80, s22, s29, $0xb8;
	[tilespmem:$0x1E7F8] =	vst v63  }
0x74: {  	_ = 	snop  }
0x75: {  	[spmem:s2] =	stream.indirect.scatter.add.f32 [tilespmem:s28], [sflag:$0x7], $0x1, s22, s29, $0xb8;
	[tilespmem:$0x1E7F8] =	vst v63  }
0x76: {  	_ =	swait.ge [sflag:s10], $0x80  }
0x77: {  	[sflag:s10] =	ssyncset.done $0x0  }
0x78: {  	[sflag:s10] =	ssyncadd.s32 $0xFFFFFF80  }
0x79: {  	_ =	swait.ge [sflag:s11], $0x4000  }
0x7a: {  	[sflag:s11] =	ssyncset.done $0x0  }
0x7b: {  	[sflag:s11] =	ssyncadd.s32 $0xFFFFC000  }
0x7c: {  	[tilespmem:s30], [sflag:$0x1] =	stream.indirect.gather [hbm4b:s5+s29], $0x80, s4, s29, $0xb8;
	[tilespmem:$0x1E7F8] =	vst v63  }
0x7d: {  	_ =	swait.ge [sflag:s7], $0x80  }
0x7e: {  	[sflag:s7] =	ssyncset.done $0x0  }
0x7f: {  	[sflag:s7] =	ssyncadd.s32 $0xFFFFFF80  }
0x80: {  	_ =	swait.ge [sflag:s9], $0x4000  }
0x81: {  	s15 =	sadd.s32 $0x100, s15;
	[sflag:s9] =	ssyncset.done $0x0  }
0x82: {  	s12 =	simm.s32 $0x20;
	s14 =	simm.s32 $0x280;
	[sflag:s9] =	ssyncadd.s32 $0xFFFFC000  }
.LBB2_2:
0x83: {  	[tilespmem:s26], [sflag:$0x2] =	stream.indirect.gather [hbm4b:s5+s29], $0x80, s29, s29, $0xb8;
	[tilespmem:$0x1E7F8] =	vst v63  }
0x84: {  	s19 =	smov.u32 s12  }
0x85: {  	p2 =	sne.s32 s12, $0x4A0;
	s12 =	sadd.s32 $0x20, s12;
	_ =	swait.ge [sflag:s31], $0x4000  }
0x86: {  	s22 =	sshrl.u32 s15, $0x3;
	[sflag:s31] =	ssyncset.done $0x0  }
0x87: {  	s22 =	sadd.s32 s6, s22;
	[sflag:s31] =	ssyncadd.s32 $0xFFFFC000  }
0x88: {  	[tilespmem:s4], [sflag:$0x3] =	stream.linear.gather [hbm4b:s22+s4], $0x80, $0x38;
	[tilespmem:$0x1E7F8] =	vst v63  }
0x89: {  	s22 =	sadd.s32 $0xFFFFFF80, s14  }
0x8a: {  	[spmem:s1] =	stream.indirect.scatter.add.f32 [tilespmem:s30], [sflag:$0x5], $0x80, s22, s29, $0xb8;
	[tilespmem:$0x1E7F8] =	vst v63  }
0x8b: {  	_ = 	snop  }
0x8c: {  	[spmem:s2] =	stream.indirect.scatter.add.f32 [tilespmem:s28], [sflag:$0x7], $0x1, s22, s29, $0xb8;
	[tilespmem:$0x1E7F8] =	vst v63  }
0x8d: {  	_ =	swait.ge [sflag:s0], $0x4000  }
0x8e: {  	[sflag:s0] =	ssyncset.done $0x0  }
0x8f: {  	s19 =	sadd.s32 s19, s21;
	[sflag:s0] =	ssyncadd.s32 $0xFFFFC000  }
0x90: {  	[tilespmem:s29], [sflag:$0x4] =	stream.linear.gather [hbm4b:s19+s4], $0x80, $0x38;
	[tilespmem:$0x1E7F8] =	vst v63  }
0x91: {  	_ = 	snop  }
0x92: {  	[spmem:s1] =	stream.indirect.scatter.add.f32 [tilespmem:s26], [sflag:$0x6], $0x80, s14, s29, $0xb8;
	[tilespmem:$0x1E7F8] =	vst v63  }
0x93: {  	_ = 	snop  }
0x94: {  	[spmem:s2] =	stream.indirect.scatter.add.f32 [tilespmem:s28], [sflag:$0x7], $0x1, s14, s29, $0xb8;
	[tilespmem:$0x1E7F8] =	vst v63  }
0x95: {  	_ =	swait.ge [sflag:s10], $0x80  }
0x96: {  	[sflag:s10] =	ssyncset.done $0x0  }
0x97: {  	[sflag:s10] =	ssyncadd.s32 $0xFFFFFF80  }
0x98: {  	_ =	swait.ge [sflag:s11], $0x4000  }
0x99: {  	[sflag:s11] =	ssyncset.done $0x0  }
0x9a: {  	[sflag:s11] =	ssyncadd.s32 $0xFFFFC000  }
0x9b: {  	[tilespmem:s30], [sflag:$0x1] =	stream.indirect.gather [hbm4b:s5+s29], $0x80, s4, s29, $0xb8;
	[tilespmem:$0x1E7F8] =	vst v63  }
0x9c: {  	_ =	swait.ge [sflag:s7], $0x80  }
.Ltmp2:
0x9d: {  	[sflag:s7] =	ssyncset.done $0x0;
	(pc) =	sbr.rel @p2 .LBB2_2-.Ltmp2, $4  }
0x9e: {  	[sflag:s7] =	ssyncadd.s32 $0xFFFFFF80  }
0x9f: {  	_ =	swait.ge [sflag:s9], $0x4000  }
0xa0: {  	[sflag:s9] =	ssyncset.done $0x0  }
0xa1: {  	s15 =	sadd.s32 $0x100, s15;
	s14 =	sadd.s32 $0x100, s14;
	[sflag:s9] =	ssyncadd.s32 $0xFFFFC000  }
0xa2: {  	[tilespmem:s26], [sflag:$0x2] =	stream.indirect.gather [hbm4b:s5+s29], $0x80, s29, s29, $0xb8;
	[tilespmem:$0x1E7F8] =	vst v63  }
0xa3: {  	_ =	swait.ge [sflag:s31], $0x4000  }
0xa4: {  	[sflag:s31] =	ssyncset.done $0x0  }
0xa5: {  	s12 =	rddreg [dreg:$0x1f];
	[sflag:s31] =	ssyncadd.s32 $0xFFFFC000  }
0xa6: {  	[tilespmem:s4], [sflag:$0x3] =	stream.linear.gather [hbm4b:s12+s4], $0x80, $0x38;
	[tilespmem:$0x1E7F8] =	vst v63  }
0xa7: {  	s15 =	simm.s32 $0x2700  }
0xa8: {  	[spmem:s1] =	stream.indirect.scatter.add.f32 [tilespmem:s30], [sflag:$0x5], $0x80, s15, s29, $0xb8;
	[tilespmem:$0x1E7F8] =	vst v63  }
0xa9: {  	_ = 	snop  }
0xaa: {  	[spmem:s2] =	stream.indirect.scatter.add.f32 [tilespmem:s28], [sflag:$0x7], $0x1, s15, s29, $0xb8;
	[tilespmem:$0x1E7F8] =	vst v63  }
0xab: {  	_ =	swait.ge [sflag:s0], $0x4000  }
0xac: {  	[sflag:s0] =	ssyncset.done $0x0  }
0xad: {  	s19 =	simm.s32 $0x2780;
	[sflag:s0] =	ssyncadd.s32 $0xFFFFC000  }
0xae: {  	[spmem:s1] =	stream.indirect.scatter.add.f32 [tilespmem:s26], [sflag:$0x6], $0x80, s19, s29, $0xb8;
	[tilespmem:$0x1E7F8] =	vst v63  }
0xaf: {  	_ = 	snop  }
0xb0: {  	[spmem:s2] =	stream.indirect.scatter.add.f32 [tilespmem:s28], [sflag:$0x7], $0x1, s19, s29, $0xb8;
	[tilespmem:$0x1E7F8] =	vst v63  }
0xb1: {  	_ =	swait.ge [sflag:s10], $0x80  }
0xb2: {  	[sflag:s10] =	ssyncset.done $0x0  }
0xb3: {  	[sflag:s10] =	ssyncadd.s32 $0xFFFFFF80  }
0xb4: {  	_ =	swait.ge [sflag:s11], $0x4000  }
0xb5: {  	[sflag:s11] =	ssyncset.done $0x0  }
0xb6: {  	[sflag:s11] =	ssyncadd.s32 $0xFFFFC000  }
0xb7: {  	[tilespmem:s30], [sflag:$0x1] =	stream.indirect.gather [hbm4b:s5+s29], $0x80, s4, s29, $0xb8;
	[tilespmem:$0x1E7F8] =	vst v63  }
0xb8: {  	_ =	swait.ge [sflag:s31], $0x4000  }
0xb9: {  	[sflag:s31] =	ssyncset.done $0x0  }
0xba: {  	s22 =	simm.s32 $0x2800;
	[sflag:s31] =	ssyncadd.s32 $0xFFFFC000  }
0xbb: {  	[spmem:s1] =	stream.indirect.scatter.add.f32 [tilespmem:s30], [sflag:$0x5], $0x80, s22, s29, $0xb8;
	[tilespmem:$0x1E7F8] =	vst v63  }
0xbc: {  	_ = 	snop  }
0xbd: {  	[spmem:s2] =	stream.indirect.scatter.add.f32 [tilespmem:s28], [sflag:$0x7], $0x1, s22, s29, $0xb8;
	[tilespmem:$0x1E7F8] =	vst v63  }
0xbe: {  	_ =	swait.ge [sflag:s11], $0x4000  }
0xbf: {  	[sflag:s11] =	ssyncset.done $0x0  }
0xc0: {  	[sflag:s11] =	ssyncadd.s32 $0xFFFFC000  }
0xc1: {  	_ =	swait.ge [sflag:s9], $0x4000  }
0xc2: {  	[sflag:s9] =	ssyncset.done $0x0  }
0xc3: {  	[sflag:s9] =	ssyncadd.s32 $0xFFFFC000  }
0xc4: {  	_ =	swait.ge [sflag:s16], $0x80  }
0xc5: {  	s12 =	simm.s32 $0x4E;
	[sflag:s16] =	ssyncset.done $0x0  }
.LBB2_4:
0xc6: {  	p2 =	sne.s32 s12, $0x1;
	s12 =	sadd.s32 $0xFFFFFFFF, s12;
	[sflag:s16] =	ssyncadd.s32 $0xFFFFFF80  }
.Ltmp3:
0xc7: {  	(pc) =	sbr.rel @p2 .LBB2_4-.Ltmp3, $3  }
0xc8: {  	_ =	sdelay $0x1  }
0xc9: {  	_ =	swait.ge [sflag:s16], $0x80  }
0xca: {  	[sflag:s16] =	ssyncset.done $0x0  }
.Ltmp4:
0xcb: {  	(pc) =	sbr.rel @!p0 .LBB2_6-.Ltmp4, $3  }
0xcc: {  	_ = 	snop  }
0xcd: {  	[sflag:s16] =	ssyncadd.s32 $0xFFFFFF80  }
0xce: {  	[bflag:$0x0] =	sbarrier.arrive $0xFFFF;
	_ =	sdelay $0x1  }
0xcf: {  	s12 =	rddreg [dreg:$0x13]  }
0xd0: {  	[hbm:s12], [sflag:s13] =	dma.local [spmem:s24], $0x2780  }
0xd1: {  	_ =	swait.ge [sflag:s25], $0x2780  }
0xd2: {  	[sflag:s25] =	ssyncset.done $0x0  }
0xd3: {  	s19 =	rddreg [dreg:$0x15];
	[sflag:s25] =	ssyncadd.s32 $0xFFFFD880  }
0xd4: {  	[hbm:s19], [sflag:s13] =	dma.local [spmem:s23], $0x10  }
0xd5: {  	_ =	swait.ge [sflag:s25], $0x10  }
0xd6: {  	[sflag:s25] =	ssyncset.done $0x0  }
0xd7: {  	s22 =	rddreg [dreg:$0x17];
	[sflag:s25] =	ssyncadd.s32 $0xFFFFFFF0  }
0xd8: {  	[hbm:s22], [sflag:s13] =	dma.local [spmem:s20], $0x10  }
0xd9: {  	_ =	swait.ge [sflag:s25], $0x10  }
0xda: {  	[sflag:s25] =	ssyncset.done $0x0  }
0xdb: {  	s23 =	rddreg [dreg:$0x19];
	[sflag:s25] =	ssyncadd.s32 $0xFFFFFFF0  }
0xdc: {  	[hbm:s23], [sflag:s13] =	dma.local [spmem:s3], $0x10  }
0xdd: {  	_ =	swait.ge [sflag:s25], $0x10  }
0xde: {  	[sflag:s25] =	ssyncset.done $0x0  }
0xdf: {  	s24 =	rddreg [dreg:$0x1b];
	[sflag:s25] =	ssyncadd.s32 $0xFFFFFFF0  }
0xe0: {  	[hbm:s24], [sflag:s13] =	dma.local [spmem:s18], $0x10  }
.Ltmp5:
0xe1: {  	_ = 	snop;
	(pc) =	sbr.rel @p1 .LBB2_9-.Ltmp5, $4  }
.Ltmp6:
0xe2: {  	_ = 	snop;
	(pc) =	sbr.rel @!p1 .LBB2_8-.Ltmp6, $4  }
0xe3: {  	_ =	swait.ge [sflag:s25], $0x10  }
0xe4: {  	[sflag:s25] =	ssyncset.done $0x0  }
0xe5: {  	s3 =	rddreg [dreg:$0x8];
	[sflag:s25] =	ssyncadd.s32 $0xFFFFFFF0  }
0xe6: {  	_ = 	snop  }
.LBB2_6:
0xe7: {  	s12 =	rddreg [dreg:$0x12]  }
0xe8: {  	[hbm:s12], [sflag:s13] =	dma.local [spmem:s24], $0x2780  }
0xe9: {  	_ =	swait.ge [sflag:s25], $0x2780  }
0xea: {  	[sflag:s25] =	ssyncset.done $0x0  }
0xeb: {  	s19 =	rddreg [dreg:$0x14];
	[sflag:s25] =	ssyncadd.s32 $0xFFFFD880  }
0xec: {  	[hbm:s19], [sflag:s13] =	dma.local [spmem:s23], $0x10  }
0xed: {  	_ =	swait.ge [sflag:s25], $0x10  }
0xee: {  	[sflag:s25] =	ssyncset.done $0x0  }
0xef: {  	s22 =	rddreg [dreg:$0x16];
	[sflag:s25] =	ssyncadd.s32 $0xFFFFFFF0  }
0xf0: {  	[hbm:s22], [sflag:s13] =	dma.local [spmem:s20], $0x10  }
0xf1: {  	_ =	swait.ge [sflag:s25], $0x10  }
0xf2: {  	[sflag:s25] =	ssyncset.done $0x0  }
0xf3: {  	s23 =	rddreg [dreg:$0x18];
	[sflag:s25] =	ssyncadd.s32 $0xFFFFFFF0  }
0xf4: {  	[hbm:s23], [sflag:s13] =	dma.local [spmem:s3], $0x10  }
0xf5: {  	_ =	swait.ge [sflag:s25], $0x10  }
0xf6: {  	[sflag:s25] =	ssyncset.done $0x0  }
0xf7: {  	s24 =	rddreg [dreg:$0x1a];
	[sflag:s25] =	ssyncadd.s32 $0xFFFFFFF0  }
0xf8: {  	[hbm:s24], [sflag:s13] =	dma.local [spmem:s18], $0x10  }
.Ltmp7:
0xf9: {  	_ = 	snop;
	(pc) =	sbr.rel @p1 .LBB2_9-.Ltmp7, $4  }
.Ltmp8:
0xfa: {  	_ = 	snop;
	(pc) =	sbr.rel @!p1 .LBB2_8-.Ltmp8, $4  }
0xfb: {  	_ =	swait.ge [sflag:s25], $0x10  }
0xfc: {  	[sflag:s25] =	ssyncset.done $0x0  }
0xfd: {  	s3 =	rddreg [dreg:$0x7];
	[sflag:s25] =	ssyncadd.s32 $0xFFFFFFF0  }
0xfe: {  	_ = 	snop  }
.LBB2_10:
0xff: {  	_ =	sfence.sel $0x180000  }
0x100: {  	[bflag:$0x0] =	sbarrier.arrive $0xFFFF  }
0x101: {  	_ =	strace $0x90000047  }
0x102: {  	s0 =	stileid.u32;
	[bflag:$0x2] =	sbarrier.arrive $0xFFFF  }
0x103: {  	p0 =	sne.s32 s0, $0x0;
	s0 =	rddreg [dreg:$0x4]  }
0x104: {  	s0 =	sadd.s32 @!p0 $0x100000, s0  }
0x105: {  	[sflag:s0] =	ssyncadd.tile.s32 @!p0 $0x1;
	_ =	shalt  }
.Lfunc_end2:
_tile_overlayer_lowered:
.L_overlay_start_2:
0x106: {  	(tag) =	ssettag $0x2  }
0x107: {  	s0 =	rddreg [dreg:$0x0];
	s2 =	stileid.u32  }
0x108: {  	s1 =	rddreg [dreg:$0x1];
	p0 =	sne.s32 s2, $0x0  }
0x109: {  	s3 =	rddreg [dreg:$0x2];
	[bflag:$0x3] =	sbarrier.arrive $0xFFFF;
	s2 =	simm.s32 @!p0 $0x1C08  }
0x10a: {  	[timem:s3], [sflag:s2] =	dma.local @!p0 [hbm:s0], s1  }
0x10b: {  	s0 =	simm.s32 @!p0 $0x8  }
0x10c: {  	_ =	swait.ge @!p0 [sflag:s0], s1  }
0x10d: {  	s1 =	ssub.s32 @!p0 $0x0, s1;
	[sflag:s0] =	ssyncset.done @!p0 $0x0  }
0x10e: {  	[sflag:s0] =	ssyncadd.s32 @!p0 s1  }
0x10f: {  	[bflag:$0x3] =	sbarrier.arrive $0xFFFF  }
0x110: {  	_ =	shalt  }

// kernel: sc_segment_sum.7.cloned.1.call-start
scs
__scs_entry_jumppad:
0x0: {  	(pc) =	sbr.rel $0x88, $3  }
0x1: {  	(tag) =	ssettag $0x0;
	lr =	simm.s32 $0x1  }
0x2: {  	[smem:$0x3F93] =	sst lr;
	_ =	strace $0xD0000000  }
0x3: {  	_ = 	snop  }
0x4: {  	_ = 	snop  }
0x5: {  	_ = 	snop  }
0x6: {  	_ = 	snop  }
0x7: {  	_ = 	snop  }
__scs_overlays_trampoline_lowered:
0x8: {  	[smem:$0x3FA2] =	sst s0  }
0x9: {  	[smem:$0x3FA3] =	sst s1  }
0xa: {  	[smem:$0x3FA4] =	sst s2  }
0xb: {  	[smem:$0x3FA5] =	sst s3  }
0xc: {  	[smem:$0x3FA6] =	sst s4  }
0xd: {  	[smem:$0x3FA7] =	sst s5  }
0xe: {  	[smem:$0x3FA8] =	sst s6  }
0xf: {  	[smem:$0x3FA9] =	sst s7  }
0x10: {  	[smem:$0x3FAA] =	sst s8  }
0x11: {  	[smem:$0x3FAB] =	sst s9;
	s0 =	simm.s32 @!p0 $0x0  }
0x12: {  	s1 =	sld [smem:$0x3F91];
	s0 =	simm.s32 @p0 $0x1  }
0x13: {  	[smem:$0x3FAC] =	sst s0;
	s0 =	simm.s32 @!p1 $0x0  }
0x14: {  	s2 =	sld [smem:$0x3F90];
	s0 =	simm.s32 @p1 $0x1  }
0x15: {  	[smem:$0x3FAD] =	sst s0;
	s0 =	simm.s32 @!p2 $0x0  }
0x16: {  	s3 =	sld [smem:$0x3FDB];
	s0 =	simm.s32 @p2 $0x1  }
0x17: {  	s4 =	simm.s32 $0x1BF5;
	[smem:$0x3FAF] =	sst s0  }
0x18: {  	s0 =	sld [smem:$0x3F92];
	_ =	swait.ge [sflag:s4], $0x0  }
0x19: {  	s7 =	sld [smem:$0x3F93]  }
0x1a: {  	s8 =	sadd.s32 $0xFFFFE003, lr  }
0x1b: {  	s9 =	sadd.s32 $0xFFFFFEF7, lr;
	s5 =	simm.s32 $0xFFFFFFFF;
	p2 =	slt.u32 s8, $0xFFFFF086  }
0x1c: {  	p1 =	slt.u32 s9, $0xF7A;
	s5 =	simm.s32 @!p2 $0x0  }
0x1d: {  	s5 =	simm.s32 @p1 $0x1;
	p0 =	seq.s32 s7, s2  }
0x1e: {  	s7 =	smul.u32 @!p0 $0xF7A, s2;
	p2 =	seq.s32 @!p0 s5, $0x0  }
0x1f: {  	s9 =	smul.u32 $0xF7A, s1;
	s8 =	simm.s32 @!p0 $0x1BF5;
	p2 =	por !p2, p0  }
0x20: {  	[sflag:s8] =	ssyncset.s32 @!p0 $0xFFFFF086;
	s6 =	sadd.s32 @!p0 s3, s7;
	s7 =	simm.s32 @!p0 $0x108  }
0x21: {  	s3 =	sadd.s32 s3, s9;
	s6 =	sadd.s32 @!p0 $0x88, s6;
	s7 =	simm.s32 @p2 $0x1082  }
0x22: {  	[simem:s7], [sflag:s8] =	dma.local @!p0 [hbm:s6], $0xF7A  }
0x23: {  	s9 =	sor.u32 $0xD0000000, s2;
	s6 =	simm.s32 $0x108;
	_ =	swait.ge @!p0 [sflag:s8], $0x0  }
0x24: {  	s3 =	sadd.s32 $0x88, s3;
	s6 =	simm.s32 @!p1 $0x1082;
	[sflag:s4] =	ssyncset.s32 $0xFFFFF086  }
0x25: {  	[simem:s6], [sflag:s4] =	dma.local [hbm:s3], $0xF7A  }
0x26: {  	[smem:$0x3F93] =	sst s1;
	(tag) =	ssettag s2;
	_ =	strace s9  }
0x27: {  	s1 =	sld [smem:$0x3FA3]  }
0x28: {  	s2 =	sld [smem:$0x3FA4]  }
0x29: {  	s4 =	sld [smem:$0x3FA6]  }
0x2a: {  	p0 =	seq.s32 s5, $0x0;
	s5 =	sld [smem:$0x3FA7]  }
0x2b: {  	s6 =	sld [smem:$0x3FA8]  }
0x2c: {  	s7 =	sld [smem:$0x3FA9]  }
0x2d: {  	s3 =	simm.s32 $0x108;
	s8 =	sld [smem:$0x3FAA]  }
0x2e: {  	s3 =	simm.s32 @!p0 $0x1082;
	s9 =	sld [smem:$0x3FAB]  }
0x2f: {  	lr =	sadd.s32 s0, s3;
	s0 =	sld [smem:$0x3FA2]  }
0x30: {  	s3 =	sld [smem:$0x3FA5]  }
0x31: {  	[smem:$0x3FAE] =	sst s10  }
0x32: {  	s10 =	sld [smem:$0x3FAC];
	_ =	sdelay $0x3  }
0x33: {  	p0 =	seq.s32 s10, $0x1;
	s10 =	sld [smem:$0x3FAE];
	_ =	sdelay $0x3  }
0x34: {  	[smem:$0x3FAE] =	sst s10  }
0x35: {  	s10 =	sld [smem:$0x3FAD];
	_ =	sdelay $0x3  }
0x36: {  	p1 =	seq.s32 s10, $0x1;
	s10 =	sld [smem:$0x3FAE];
	_ =	sdelay $0x3  }
0x37: {  	[smem:$0x3FAE] =	sst s10  }
0x38: {  	s10 =	sld [smem:$0x3FAF]  }
0x39: {  	_ = 	snop;
	(pc) =	sbr.ind lr, $3  }
0x3a: {  	_ = 	snop  }
0x3b: {  	_ = 	snop  }
0x3c: {  	p2 =	seq.s32 s10, $0x1;
	s10 =	sld [smem:$0x3FAE]  }
0x3d: {  	_ =	shalt  }
0x3e: {  	_ =	shalt  }
0x3f: {  	_ =	shalt  }
0x40: {  	_ =	shalt  }
0x41: {  	_ =	shalt  }
0x42: {  	_ =	shalt  }
0x43: {  	_ =	shalt  }
0x44: {  	_ =	shalt  }
0x45: {  	_ =	shalt  }
0x46: {  	_ =	shalt  }
0x47: {  	_ =	shalt  }
0x48: {  	_ =	shalt  }
0x49: {  	_ =	shalt  }
0x4a: {  	_ =	shalt  }
0x4b: {  	_ =	shalt  }
0x4c: {  	_ =	shalt  }
0x4d: {  	_ =	shalt  }
0x4e: {  	_ =	shalt  }
0x4f: {  	_ =	shalt  }
0x50: {  	_ =	shalt  }
0x51: {  	_ =	shalt  }
0x52: {  	_ =	shalt  }
0x53: {  	_ =	shalt  }
0x54: {  	_ =	shalt  }
0x55: {  	_ =	shalt  }
0x56: {  	_ =	shalt  }
0x57: {  	_ =	shalt  }
0x58: {  	_ =	shalt  }
0x59: {  	_ =	shalt  }
0x5a: {  	_ =	shalt  }
0x5b: {  	_ =	shalt  }
0x5c: {  	_ =	shalt  }
0x5d: {  	_ =	shalt  }
0x5e: {  	_ =	shalt  }
0x5f: {  	_ =	shalt  }
0x60: {  	_ =	shalt  }
0x61: {  	_ =	shalt  }
0x62: {  	_ =	shalt  }
0x63: {  	_ =	shalt  }
0x64: {  	_ =	shalt  }
0x65: {  	_ =	shalt  }
0x66: {  	_ =	shalt  }
0x67: {  	_ =	shalt  }
0x68: {  	_ =	shalt  }
0x69: {  	_ =	shalt  }
0x6a: {  	_ =	shalt  }
0x6b: {  	_ =	shalt  }
0x6c: {  	_ =	shalt  }
0x6d: {  	_ =	shalt  }
0x6e: {  	_ =	shalt  }
0x6f: {  	_ =	shalt  }
0x70: {  	_ =	shalt  }
0x71: {  	_ =	shalt  }
0x72: {  	_ =	shalt  }
0x73: {  	_ =	shalt  }
0x74: {  	_ =	shalt  }
0x75: {  	_ =	shalt  }
0x76: {  	_ =	shalt  }
0x77: {  	_ =	shalt  }
0x78: {  	_ =	shalt  }
0x79: {  	_ =	shalt  }
0x7a: {  	_ =	shalt  }
0x7b: {  	_ =	shalt  }
0x7c: {  	_ =	shalt  }
0x7d: {  	_ =	shalt  }
0x7e: {  	_ =	shalt  }
0x7f: {  	_ =	shalt  }
0x80: {  	_ =	shalt  }
0x81: {  	_ =	shalt  }
0x82: {  	_ =	shalt  }
0x83: {  	_ =	shalt  }
0x84: {  	_ =	shalt  }
0x85: {  	_ =	shalt  }
0x86: {  	_ =	shalt  }
0x87: {  	_ =	shalt  }
.Lfunc_end0:
.L_simem_size_0:
called_computation.1_lowered:
.L_overlay_start_0:
0x88: {  	s2 =	sld [smem:$0x3FD9]  }
0x89: {  	s3 =	sld [smem:$0x3FFE];
	_ =	sdelay $0x1  }
0x8a: {  	s1 =	srdreg.scid  }
0x8b: {  	s0 =	sand.u32 $0x1, s1  }
0x8c: {  	s17 =	sshll.u32 s0, $0xA;
	s2 =	sadd.s32 s3, s2  }
0x8d: {  	s2 =	sadd.s32 s2, s17  }
0x8e: {  	[smem:$0x3FBA] =	sst s2  }
0x8f: {  	_ = 	snop  }
0x90: {  	s2 =	sld [smem:$0x3FD0];
	(tm) =	ssettm $0x1  }
0x91: {  	s18 =	sld [smem:$0x3FFB];
	_ =	sdelay $0x3  }
0x92: {  	_ =	strace s18  }
0x93: {  	s3 =	sld [smem:$0x3FFC];
	_ =	sdelay $0x3  }
0x94: {  	_ =	strace s3  }
0x95: {  	s3 =	sld [smem:$0x3FFD];
	_ =	sdelay $0x3  }
0x96: {  	_ =	strace s3  }
0x97: {  	_ =	strace $0x8FFFFFFF  }
0x98: {  	s19 =	sld [smem:$0x3FDB];
	_ =	sdelay $0x1  }
0x99: {  	s4 =	simm.s32 $_scs_section_size  }
0x9a: {  	s5 =	simm.s32 $_size__tile_overlayer_lowered;
	s6 =	simm.s32 $_tile_overlayer_lowered  }
0x9b: {  	s22 =	simm.s32 $0x1BFF;
	s21 =	sshll.u32 s6, $0x1;
	s3 =	sadd.s32 s4, s19  }
0x9c: {  	s7 =	simm.s32 $0x0;
	s20 =	sshll.u32 s5, $0x1;
	s5 =	sadd.s32 s21, s3  }
0x9d: {  	[timem:s7], [sflag:s22] =	dma.local [hbm:s5], s20  }
0x9e: {  	_ =	swait.ge [sflag:s22], s20  }
0x9f: {  	s4 =	ssub.s32 $0x0, s20;
	[sflag:s22] =	ssyncset.done $0x0  }
0xa0: {  	[sflag:s22] =	ssyncadd.s32 s4;
	_ =	sdelay $0x1  }
0xa1: {  	s23 =	simm.s32 $0x1B8B  }
0xa2: {  	_ =	swait.ge [sflag:s23], $0x1  }
0xa3: {  	[sflag:s23] =	ssyncset.done $0x0  }
0xa4: {  	s25 =	simm.s32 $0x1B8E;
	s24 =	sld [smem:$0x3FFE];
	[sflag:s23] =	ssyncadd.s32 $0xFFFFFFFF  }
0xa5: {  	s26 =	simm.s32 $execute0_lowered;
	[smem:$0x3FD2] =	sst s25  }
0xa6: {  	s5 =	sshll.u32 s26, $0x1;
	_ =	strace $0x80000049;
	[dreg:$0x1] =	wrdreg $0xFFFFFFFF  }
0xa7: {  	s28 =	simm.s32 $_size_execute0_lowered;
	s3 =	sadd.s32 s3, s5;
	[dreg:$0x0] =	wrdreg $0x0  }
0xa8: {  	s5 =	sshll.u32 s28, $0x1;
	[dreg:$0x2] =	wrdreg s3  }
0xa9: {  	[dreg:$0x3] =	wrdreg s5  }
0xaa: {  	[dreg:$0x4] =	wrdreg $0xC0  }
0xab: {  	_ =	task [dreg:s7], $0x5FFFF  }
0xac: {  	[dreg:$0x1] =	wrdreg $0xFFFFFFFF  }
0xad: {  	[dreg:$0x0] =	wrdreg $0x60  }
0xae: {  	[dreg:$0x2] =	wrdreg s24  }
0xaf: {  	[dreg:$0x3] =	wrdreg s2  }
0xb0: {  	[dreg:$0x4] =	wrdreg $0xA9800  }
0xb1: {  	[dreg:$0x5] =	wrdreg $0x9  }
0xb2: {  	_ =	task.clear_ibuf [dreg:s7], $0x6FFFF;
	_ =	strace $0x90000049  }
0xb3: {  	s29 =	simm.s32 $0x9;
	_ =	strace $0x8000004B  }
0xb4: {  	_ =	swait.ge [sflag:s29], $0x1  }
0xb5: {  	[sflag:s29] =	ssyncadd.s32 $0xFFFFFFFF  }
0xb6: {  	_ =	strace $0x9000004B  }
0xb7: {  	_ =	sfence  }
0xb8: {  	s30 =	sld [smem:$0x0];
	_ =	sdelay $0x2  }
0xb9: {  	s31 =	sshll.u32 s1, $0xD;
	s1 =	sshrl.u32 s1, $0x2  }
0xba: {  	s3 =	sand.u32 $0x4000, s31;
	s1 =	sadd.s32 s1, s30  }
0xbb: {  	s0 =	sor.u32 s3, s0;
	s1 =	sshll.u32 s1, $0x11  }
0xbc: {  	s0 =	sor.u32 s1, s0  }
0xbd: {  	s0 =	sadd.s32 $0x8F2B, s0  }
0xbe: {  	[sflag:s0] =	ssyncadd.remote.s32 $0x1  }
0xbf: {  	_ =	sfence.sel $0xFFFF  }
0xc0: {  	[dreg:$0x0] =	wrdreg $0xFFFFFFFF;
	(pc) =	sbr.abs _section_cstart, $3  }
0xc1: {  	[dreg:$0x1] =	wrdreg $0xFFFFFFFF  }
0xc2: {  	_ =	task.clear_ibuf [dreg:s7], $0x2FFFF;
	_ =	strace $0x9FFFFFFF  }
0xc3: {  	(tm) =	ssettm $0x7FFFFFFF  }
tec
execute0_lowered:
.L_overlay_start_1:
0x0: {  	(tag) =	ssettag $0x1  }
0x1: {  	s0 =	rddreg [dreg:$0x0]  }
0x2: {  	s3 =	rddreg [dreg:$0x1]  }
0x3: {  	s1 =	rddreg [dreg:$0x2]  }
0x4: {  	s2 =	simm.s32 $0x0;
	s7 =	srdreg.scid;
	s6 =	stileid.u32  }
0x5: {  	s18 =	simm.s32 $0x7;
	s28 =	simm.s32 $0x5;
	s29 =	simm.s32 $0x4  }
0x6: {  	s30 =	simm.s32 $0x6;
	s19 =	simm.s32 $0x0;
	[smem:$0x7FF] =	sst s2  }
0x7: {  	s4 =	sadd.s32 $0x38400, s0;
	s5 =	sadd.s32 $0x2BA00, s0;
	s8 =	sadd.s32 $0x35800, s0  }
0x8: {  	s12 =	sand.u32 $0x1, s7;
	s20 =	sshll.u32 s6, $0x1;
	s9 =	smul.u32 $0x4F000, s6  }
0x9: {  	s7 =	sadd.s32 $0x38000, s0;
	s24 =	smul.u32 $0x4F00, s6;
	s25 =	sshll.u32 s6, $0x6  }
0xa: {  	s26 =	smul.u32 $0x2780, s6;
	_ =	strace $0x8000004A;
	[dreg:$0x4] =	wrdreg s8  }
0xb: {  	s21 =	ssub.s32 $0x2, s12;
	s10 =	sor.u32 s12, s20;
	s15 =	smul.u32 $0x2780, s12  }
0xc: {  	p0 =	seq.s32 s12, $0x1;
	s11 =	sshrl.u32 s21, $0x1;
	s13 =	smul.u32 $0x2780, s10  }
0xd: {  	s22 =	sshrl.u32 s9, $0x2;
	s10 =	smul.u32 $0x500, s10;
	s9 =	sor.u32 $0x1C07, s25  }
0xe: {  	s25 =	simm.s32 $0x2;
	s14 =	ssub.s32 s21, s11;
	s17 =	sadd.s32 s22, s1  }
0xf: {  	s16 =	sadd.s32 s15, s24;
	s21 =	simm.s32 $0x80;
	s22 =	simm.s32 $0x2980  }
0x10: {  	s24 =	simm.s32 $0x1;
	s23 =	sshrl.u32 s13, $0x3;
	s10 =	sadd.s32 s3, s10  }
0x11: {  	s3 =	simm.s32 $0xAF800;
	s13 =	sadd.s32 $0x180, s16;
	s16 =	sadd.s32 $0x100, s16  }
0x12: {  	s17 =	sshrl.u32 s17, $0x3;
	s8 =	sadd.s32 s5, s23;
	s3 =	simm.s32 @!p0 $0x5FC00  }
0x13: {  	s31 =	sshrl.u32 s13, $0x3;
	s13 =	smax.u32 s14, $0x1;
	s23 =	simm.s32 $0x6980  }
0x14: {  	s11 =	sadd.s32 $0x10, s8;
	s12 =	sadd.s32 $0x4E0, s8;
	s0 =	sadd.s32 s3, s0  }
0x15: {  	s15 =	sadd.s32 s31, s5;
	s14 =	sadd.s32 s0, s26;
	s26 =	simm.s32 $0x3  }
.LBB2_1:
0x16: {  	s0 =	rddreg [dreg:$0x4]  }
0x17: {  	[spmem:s17], [sflag:s9] =	dma.local [hbm:s0], $0x2780  }
0x18: {  	_ =	swait.ge [sflag:s18], $0x2780  }
0x19: {  	[sflag:s18] =	ssyncset.done $0x0  }
0x1a: {  	s3 =	simm.s32 $0x100;
	[sflag:s18] =	ssyncadd.s32 $0xFFFFD880  }
0x1b: {  	[tilespmem:s3], [sflag:$0x7] =	stream.linear.gather [hbm4b:s10+s2], $0x2780, $0x38;
	[tilespmem:$0x1E580] =	vst v63  }
0x1c: {  	_ =	swait.ge [sflag:s18], $0x2780  }
0x1d: {  	[sflag:s18] =	ssyncset.done $0x0  }
0x1e: {  	s6 =	simm.s32 $0x2900;
	[sflag:s18] =	ssyncadd.s32 $0xFFFFD880  }
0x1f: {  	[tilespmem:s6], [sflag:$0x7] =	stream.linear.gather [hbm4b:s7+s2], $0x80, $0x38;
	[tilespmem:$0x1E580] =	vst v63  }
0x20: {  	_ =	swait.ge [sflag:s18], $0x80  }
0x21: {  	[sflag:s18] =	ssyncset.done $0x0  }
0x22: {  	[sflag:s18] =	ssyncadd.s32 $0xFFFFFF80  }
0x23: {  	[bflag:$0x0] =	sbarrier.arrive $0xFFFF  }
0x24: {  	[tilespmem:s2], [sflag:$0x7] =	stream.linear.gather [hbm4b:s8+s2], $0x80, $0x38;
	[tilespmem:$0x1E580] =	vst v63  }
0x25: {  	_ =	swait.ge [sflag:s18], $0x80  }
0x26: {  	[sflag:s18] =	ssyncset.done $0x0  }
0x27: {  	[sflag:s18] =	ssyncadd.s32 $0xFFFFFF80  }
0x28: {  	[tilespmem:s22], [sflag:$0x1] =	stream.indirect.gather [hbm4b:s4+s21], $0x80, s2, s21, $0xb8;
	[tilespmem:$0x1E580] =	vst v63  }
0x29: {  	_ = 	snop  }
0x2a: {  	[tilespmem:s21], [sflag:$0x7] =	stream.linear.gather [hbm4b:s11+s2], $0x80, $0x38;
	[tilespmem:$0x1E580] =	vst v63  }
0x2b: {  	_ =	swait.ge [sflag:s18], $0x80  }
0x2c: {  	[sflag:s18] =	ssyncset.done $0x0  }
0x2d: {  	[sflag:s18] =	ssyncadd.s32 $0xFFFFFF80  }
0x2e: {  	[tilespmem:s23], [sflag:$0x2] =	stream.indirect.gather [hbm4b:s4+s21], $0x80, s21, s21, $0xb8;
	[tilespmem:$0x1E580] =	vst v63  }
0x2f: {  	_ =	swait.ge [sflag:s24], $0x4000  }
0x30: {  	s20 =	sshrl.u32 s16, $0x3;
	[sflag:s24] =	ssyncset.done $0x0  }
0x31: {  	s0 =	sadd.s32 s5, s20;
	[sflag:s24] =	ssyncadd.s32 $0xFFFFC000  }
0x32: {  	[tilespmem:s2], [sflag:$0x3] =	stream.linear.gather [hbm4b:s0+s2], $0x80, $0x38;
	[tilespmem:$0x1E580] =	vst v63  }
0x33: {  	s3 =	simm.s32 $0x100  }
0x34: {  	[spmem:s1] =	stream.indirect.scatter.add.f32 [tilespmem:s22], [sflag:$0x5], $0x80, s3, s21, $0xb8;
	[tilespmem:$0x1E580] =	vst v63  }
0x35: {  	_ =	swait.ge [sflag:s25], $0x4000  }
0x36: {  	[sflag:s25] =	ssyncset.done $0x0  }
0x37: {  	s6 =	sadd.s32 $0x0, s15;
	[sflag:s25] =	ssyncadd.s32 $0xFFFFC000  }
0x38: {  	[tilespmem:s21], [sflag:$0x4] =	stream.linear.gather [hbm4b:s6+s2], $0x80, $0x38;
	[tilespmem:$0x1E580] =	vst v63  }
0x39: {  	s20 =	simm.s32 $0x180  }
0x3a: {  	[spmem:s1] =	stream.indirect.scatter.add.f32 [tilespmem:s23], [sflag:$0x6], $0x80, s20, s21, $0xb8;
	[tilespmem:$0x1E580] =	vst v63  }
0x3b: {  	_ =	swait.ge [sflag:s26], $0x80  }
0x3c: {  	[sflag:s26] =	ssyncset.done $0x0  }
0x3d: {  	[sflag:s26] =	ssyncadd.s32 $0xFFFFFF80  }
0x3e: {  	_ =	swait.ge [sflag:s28], $0x4000  }
0x3f: {  	[sflag:s28] =	ssyncset.done $0x0  }
0x40: {  	[sflag:s28] =	ssyncadd.s32 $0xFFFFC000  }
0x41: {  	[tilespmem:s22], [sflag:$0x1] =	stream.indirect.gather [hbm4b:s4+s21], $0x80, s2, s21, $0xb8;
	[tilespmem:$0x1E580] =	vst v63  }
0x42: {  	_ =	swait.ge [sflag:s29], $0x80  }
0x43: {  	[sflag:s29] =	ssyncset.done $0x0  }
0x44: {  	[sflag:s29] =	ssyncadd.s32 $0xFFFFFF80  }
0x45: {  	_ =	swait.ge [sflag:s30], $0x4000  }
0x46: {  	s31 =	simm.s32 $0x280;
	[sflag:s30] =	ssyncset.done $0x0  }
0x47: {  	s0 =	sadd.s32 $0x100, s16;
	s20 =	simm.s32 $0x20;
	[sflag:s30] =	ssyncadd.s32 $0xFFFFC000  }
.LBB2_2:
0x48: {  	[tilespmem:s23], [sflag:$0x2] =	stream.indirect.gather [hbm4b:s4+s21], $0x80, s21, s21, $0xb8;
	[tilespmem:$0x1E580] =	vst v63  }
0x49: {  	s3 =	smov.u32 s20  }
0x4a: {  	p0 =	sne.s32 s20, $0x4A0;
	s20 =	sadd.s32 $0x20, s20;
	_ =	swait.ge [sflag:s24], $0x4000  }
0x4b: {  	s6 =	sshrl.u32 s0, $0x3;
	[sflag:s24] =	ssyncset.done $0x0  }
0x4c: {  	s6 =	sadd.s32 s5, s6;
	[sflag:s24] =	ssyncadd.s32 $0xFFFFC000  }
0x4d: {  	[tilespmem:s2], [sflag:$0x3] =	stream.linear.gather [hbm4b:s6+s2], $0x80, $0x38;
	[tilespmem:$0x1E580] =	vst v63  }
0x4e: {  	s6 =	sadd.s32 $0xFFFFFF80, s31  }
0x4f: {  	[spmem:s1] =	stream.indirect.scatter.add.f32 [tilespmem:s22], [sflag:$0x5], $0x80, s6, s21, $0xb8;
	[tilespmem:$0x1E580] =	vst v63  }
0x50: {  	_ =	swait.ge [sflag:s25], $0x4000  }
0x51: {  	[sflag:s25] =	ssyncset.done $0x0  }
0x52: {  	s3 =	sadd.s32 s3, s15;
	[sflag:s25] =	ssyncadd.s32 $0xFFFFC000  }
0x53: {  	[tilespmem:s21], [sflag:$0x4] =	stream.linear.gather [hbm4b:s3+s2], $0x80, $0x38;
	[tilespmem:$0x1E580] =	vst v63  }
0x54: {  	_ = 	snop  }
0x55: {  	[spmem:s1] =	stream.indirect.scatter.add.f32 [tilespmem:s23], [sflag:$0x6], $0x80, s31, s21, $0xb8;
	[tilespmem:$0x1E580] =	vst v63  }
0x56: {  	_ =	swait.ge [sflag:s26], $0x80  }
0x57: {  	[sflag:s26] =	ssyncset.done $0x0  }
0x58: {  	[sflag:s26] =	ssyncadd.s32 $0xFFFFFF80  }
0x59: {  	_ =	swait.ge [sflag:s28], $0x4000  }
0x5a: {  	[sflag:s28] =	ssyncset.done $0x0  }
0x5b: {  	[sflag:s28] =	ssyncadd.s32 $0xFFFFC000  }
0x5c: {  	[tilespmem:s22], [sflag:$0x1] =	stream.indirect.gather [hbm4b:s4+s21], $0x80, s2, s21, $0xb8;
	[tilespmem:$0x1E580] =	vst v63  }
0x5d: {  	_ =	swait.ge [sflag:s29], $0x80  }
.Ltmp0:
0x5e: {  	[sflag:s29] =	ssyncset.done $0x0;
	(pc) =	sbr.rel @p0 .LBB2_2-.Ltmp0, $4  }
0x5f: {  	[sflag:s29] =	ssyncadd.s32 $0xFFFFFF80  }
0x60: {  	_ =	swait.ge [sflag:s30], $0x4000  }
0x61: {  	[sflag:s30] =	ssyncset.done $0x0  }
0x62: {  	s0 =	sadd.s32 $0x100, s0;
	s31 =	sadd.s32 $0x100, s31;
	[sflag:s30] =	ssyncadd.s32 $0xFFFFC000  }
0x63: {  	[tilespmem:s23], [sflag:$0x2] =	stream.indirect.gather [hbm4b:s4+s21], $0x80, s21, s21, $0xb8;
	[tilespmem:$0x1E580] =	vst v63  }
0x64: {  	_ =	swait.ge [sflag:s24], $0x4000  }
0x65: {  	[sflag:s24] =	ssyncset.done $0x0  }
0x66: {  	[sflag:s24] =	ssyncadd.s32 $0xFFFFC000  }
0x67: {  	[tilespmem:s2], [sflag:$0x3] =	stream.linear.gather [hbm4b:s12+s2], $0x80, $0x38;
	[tilespmem:$0x1E580] =	vst v63  }
0x68: {  	s0 =	simm.s32 $0x2700  }
0x69: {  	[spmem:s1] =	stream.indirect.scatter.add.f32 [tilespmem:s22], [sflag:$0x5], $0x80, s0, s21, $0xb8;
	[tilespmem:$0x1E580] =	vst v63  }
0x6a: {  	_ =	swait.ge [sflag:s25], $0x4000  }
0x6b: {  	[sflag:s25] =	ssyncset.done $0x0  }
0x6c: {  	s20 =	simm.s32 $0x2780;
	[sflag:s25] =	ssyncadd.s32 $0xFFFFC000  }
0x6d: {  	[spmem:s1] =	stream.indirect.scatter.add.f32 [tilespmem:s23], [sflag:$0x6], $0x80, s20, s21, $0xb8;
	[tilespmem:$0x1E580] =	vst v63  }
0x6e: {  	_ =	swait.ge [sflag:s26], $0x80  }
0x6f: {  	[sflag:s26] =	ssyncset.done $0x0  }
0x70: {  	[sflag:s26] =	ssyncadd.s32 $0xFFFFFF80  }
0x71: {  	_ =	swait.ge [sflag:s28], $0x4000  }
0x72: {  	[sflag:s28] =	ssyncset.done $0x0  }
0x73: {  	[sflag:s28] =	ssyncadd.s32 $0xFFFFC000  }
0x74: {  	[tilespmem:s22], [sflag:$0x1] =	stream.indirect.gather [hbm4b:s4+s21], $0x80, s2, s21, $0xb8;
	[tilespmem:$0x1E580] =	vst v63  }
0x75: {  	_ =	swait.ge [sflag:s24], $0x4000  }
0x76: {  	[sflag:s24] =	ssyncset.done $0x0  }
0x77: {  	s31 =	simm.s32 $0x2800;
	[sflag:s24] =	ssyncadd.s32 $0xFFFFC000  }
0x78: {  	[spmem:s1] =	stream.indirect.scatter.add.f32 [tilespmem:s22], [sflag:$0x5], $0x80, s31, s21, $0xb8;
	[tilespmem:$0x1E580] =	vst v63  }
0x79: {  	_ =	swait.ge [sflag:s28], $0x4000  }
0x7a: {  	[sflag:s28] =	ssyncset.done $0x0  }
0x7b: {  	[sflag:s28] =	ssyncadd.s32 $0xFFFFC000  }
0x7c: {  	_ =	swait.ge [sflag:s30], $0x4000  }
0x7d: {  	s19 =	sadd.s32 $0x1, s19;
	[sflag:s30] =	ssyncset.done $0x0  }
0x7e: {  	p0 =	sne.s32 s19, s13;
	[sflag:s30] =	ssyncadd.s32 $0xFFFFC000  }
.Ltmp1:
0x7f: {  	[bflag:$0x0] =	sbarrier.arrive $0xFFFF;
	(pc) =	sbr.rel @p0 .LBB2_1-.Ltmp1, $4  }
0x80: {  	[hbm:s14], [sflag:s9] =	dma.local [spmem:s17], $0x2780  }
0x81: {  	_ =	swait.ge [sflag:s18], $0x2780  }
0x82: {  	[sflag:s18] =	ssyncset.done $0x0  }
0x83: {  	[sflag:s18] =	ssyncadd.s32 $0xFFFFD880  }
0x84: {  	_ =	sfence.sel $0x180000  }
0x85: {  	[bflag:$0x0] =	sbarrier.arrive $0xFFFF  }
0x86: {  	_ =	strace $0x9000004A  }
0x87: {  	s0 =	stileid.u32;
	[bflag:$0x2] =	sbarrier.arrive $0xFFFF  }
0x88: {  	p0 =	sne.s32 s0, $0x0;
	s0 =	rddreg [dreg:$0x3]  }
0x89: {  	s0 =	sadd.s32 @!p0 $0x100000, s0  }
0x8a: {  	[sflag:s0] =	ssyncadd.tile.s32 @!p0 $0x1;
	_ =	shalt  }
.Lfunc_end2:
_tile_overlayer_lowered:
.L_overlay_start_2:
0x8b: {  	(tag) =	ssettag $0x2  }
0x8c: {  	s0 =	rddreg [dreg:$0x0];
	s2 =	stileid.u32  }
0x8d: {  	s1 =	rddreg [dreg:$0x1];
	p0 =	sne.s32 s2, $0x0  }
0x8e: {  	s3 =	rddreg [dreg:$0x2];
	[bflag:$0x3] =	sbarrier.arrive $0xFFFF;
	s2 =	simm.s32 @!p0 $0x1C07  }
0x8f: {  	[timem:s3], [sflag:s2] =	dma.local @!p0 [hbm:s0], s1  }
0x90: {  	s0 =	simm.s32 @!p0 $0x7  }
0x91: {  	_ =	swait.ge @!p0 [sflag:s0], s1  }
0x92: {  	s1 =	ssub.s32 @!p0 $0x0, s1;
	[sflag:s0] =	ssyncset.done @!p0 $0x0  }
0x93: {  	[sflag:s0] =	ssyncadd.s32 @!p0 s1  }
0x94: {  	[bflag:$0x3] =	sbarrier.arrive $0xFFFF  }
0x95: {  	_ =	shalt  }

</sc_bundles>
